<compile_context>
chip_gen: v7x
topology: tpu7x:2x2x1
jax: 0.10.2.dev20260603
libtpu: 0.0.44.dev20260713+nightly
codegen_flags: <defaults>
</compile_context>

<pallas_src>
import functools

import jax
import jax.numpy as jnp
from jax import lax
from jax.experimental import pallas as pl
from jax.experimental.pallas import tpu as pltpu
from jax.experimental.pallas import tpu_sc as plsc

N = 10000
E = 320000
D = 128
NC, NS, L = 2, 16, 16
NW = NC * NS
EPW = E // NW
RPT = 320
NPAD = NW * RPT
GCHUNK = 200
GSUB = 40
SCHUNK = 3200
RING = 4096
RBATCH = 256
CAP = E + 1024

_NEG = float("-inf")


def _pre_body(x_ref, w1_ref, b1_ref, a_ref, b_ref):
    xb = x_ref[...]
    w1a = w1_ref[:D, :]
    w1b = w1_ref[D:, :]
    a_ref[...] = jnp.dot(xb, w1a - w1b, preferred_element_type=jnp.float32) + b1_ref[...]
    b_ref[...] = jnp.dot(xb, w1b, preferred_element_type=jnp.float32)


def _pre(x, W1, b1):
    grid = 10
    blk = N // grid
    return pl.pallas_call(
        _pre_body,
        grid=(grid,),
        in_specs=[
            pl.BlockSpec((blk, D), lambda i: (i, 0)),
            pl.BlockSpec((2 * D, D), lambda i: (0, 0)),
            pl.BlockSpec((1, D), lambda i: (0, 0)),
        ],
        out_specs=[
            pl.BlockSpec((blk, D), lambda i: (i, 0)),
            pl.BlockSpec((blk, D), lambda i: (i, 0)),
        ],
        out_shape=[
            jax.ShapeDtypeStruct((N, D), jnp.float32),
            jax.ShapeDtypeStruct((N, D), jnp.float32),
        ],
    )(x, W1, b1)


def _gather_body(a_hbm, b_hbm, dst_hbm, src_hbm, g1_hbm, g2_hbm,
                 idxd0_v, idxs0_v, idxd1_v, idxs1_v,
                 bufa0_v, bufb0_v, bufa1_v, bufb1_v, sem0, sem1):
    wid = lax.axis_index("s") * NC + lax.axis_index("c")
    ebase = wid * EPW
    idxd = (idxd0_v, idxd1_v)
    idxs = (idxs0_v, idxs1_v)
    bufa = (bufa0_v, bufb0_v)
    bufb = (bufa1_v, bufb1_v)
    bufs_a = (bufa0_v, bufa1_v)
    bufs_b = (bufb0_v, bufb1_v)
    sems = (sem0, sem1)

    def fire(c, par):
        cbase = ebase + c * GCHUNK
        pltpu.sync_copy(dst_hbm.at[pl.ds(cbase, GCHUNK)], idxd[par])
        pltpu.sync_copy(src_hbm.at[pl.ds(cbase, GCHUNK)], idxs[par])
        for k in range(GCHUNK // GSUB):
            sl = pl.ds(k * GSUB, GSUB)
            pltpu.async_copy(a_hbm.at[idxd[par].at[sl]], bufs_a[par].at[sl], sems[par])
            pltpu.async_copy(b_hbm.at[idxs[par].at[sl]], bufs_b[par].at[sl], sems[par])

    def wait_write(c, par):
        cbase = ebase + c * GCHUNK
        pltpu.make_async_copy(a_hbm.at[pl.ds(0, GCHUNK)], bufs_a[par], sems[par]).wait()
        pltpu.make_async_copy(b_hbm.at[pl.ds(0, GCHUNK)], bufs_b[par], sems[par]).wait()
        pltpu.sync_copy(bufs_a[par], g1_hbm.at[pl.ds(cbase, GCHUNK)])
        pltpu.sync_copy(bufs_b[par], g2_hbm.at[pl.ds(cbase, GCHUNK)])

    nch = EPW // GCHUNK
    fire(0, 0)

    def body(i, carry):
        c0 = i * 2
        fire(c0 + 1, 1)
        wait_write(c0, 0)
        fire(c0 + 2, 0)
        wait_write(c0 + 1, 1)
        return carry

    lax.fori_loop(0, nch // 2 - 1, body, 0)
    fire(nch - 1, 1)
    wait_write(nch - 2, 0)
    wait_write(nch - 1, 1)


def _gather(A, B, dst, src):
    f = pl.kernel(
        _gather_body,
        out_type=[
            jax.ShapeDtypeStruct((E, D), jnp.float32),
            jax.ShapeDtypeStruct((E, D), jnp.float32),
        ],
        mesh=plsc.VectorSubcoreMesh(core_axis_name="c", subcore_axis_name="s"),
        compiler_params=pltpu.CompilerParams(needs_layout_passes=False),
        scratch_types=[
            pltpu.VMEM((GCHUNK,), jnp.int32),
            pltpu.VMEM((GCHUNK,), jnp.int32),
            pltpu.VMEM((GCHUNK,), jnp.int32),
            pltpu.VMEM((GCHUNK,), jnp.int32),
            pltpu.VMEM((GCHUNK, D), jnp.float32),
            pltpu.VMEM((GCHUNK, D), jnp.float32),
            pltpu.VMEM((GCHUNK, D), jnp.float32),
            pltpu.VMEM((GCHUNK, D), jnp.float32),
            pltpu.SemaphoreType.DMA,
            pltpu.SemaphoreType.DMA,
        ],
    )
    return f(A, B, dst, src)


def _mlp_body(g1_ref, g2_ref, w2_ref, b2_ref, h2_ref):
    h1 = g1_ref[...] + g2_ref[...]
    m = h1 * jnp.tanh(jax.nn.softplus(h1))
    h2_ref[...] = jnp.dot(m, w2_ref[...], preferred_element_type=jnp.float32) + b2_ref[...]


def _mlp(G1, G2, W2, b2):
    blk = 512
    grid = E // blk
    return pl.pallas_call(
        _mlp_body,
        grid=(grid,),
        in_specs=[
            pl.BlockSpec((blk, D), lambda i: (i, 0)),
            pl.BlockSpec((blk, D), lambda i: (i, 0)),
            pl.BlockSpec((D, D), lambda i: (0, 0)),
            pl.BlockSpec((1, D), lambda i: (0, 0)),
        ],
        out_specs=pl.BlockSpec((blk, D), lambda i: (i, 0)),
        out_shape=jax.ShapeDtypeStruct((E, D), jnp.float32),
    )(G1, G2, W2, b2)


def _scan_body(dst_hbm, loc_hbm, eid_hbm, cnt_hbm, dstb_v, mloc_v, mid_v, cnt_v):
    wid = lax.axis_index("s") * NC + lax.axis_index("c")
    lo = wid * RPT
    hi = lo + RPT
    iota = lax.iota(jnp.int32, L)
    trash = jnp.full((L,), RPT, jnp.int32)

    def dump(dmp):
        roff = pl.multiple_of(dmp & (RING - 1), 256)
        hoff = pl.multiple_of(wid * CAP + dmp, 256)
        pltpu.sync_copy(mloc_v.at[pl.ds(roff, 256)], loc_hbm.at[pl.ds(hoff, 256)])
        pltpu.sync_copy(mid_v.at[pl.ds(roff, 256)], eid_hbm.at[pl.ds(hoff, 256)])

    def chunk(ci, carry):
        cur0, dmp0 = carry
        cbase = ci * SCHUNK
        pltpu.sync_copy(dst_hbm.at[pl.ds(cbase, SCHUNK)], dstb_v)

        def scan32(g, cur):
            d16a = dstb_v[pl.ds(g * 2 * L, L)]
            d16b = dstb_v[pl.ds(g * 2 * L + L, L)]
            ma = (d16a >= lo) & (d16a < hi)
            mb = (d16b >= lo) & (d16b < hi)
            pca = plsc.cumsum(jnp.where(ma, jnp.int32(1), jnp.int32(0)))
            pcb = plsc.cumsum(jnp.where(mb, jnp.int32(1), jnp.int32(0)))
            ca = pca[15]
            posa = jnp.where(ma, (cur + pca - 1) & (RING - 1), RING + iota)
            posb = jnp.where(mb, (cur + ca + pcb - 1) & (RING - 1), RING + iota)
            plsc.store_scatter(mloc_v, [posa], d16a - lo)
            plsc.store_scatter(mid_v, [posa], cbase + g * 2 * L + iota)
            plsc.store_scatter(mloc_v, [posb], d16b - lo)
            plsc.store_scatter(mid_v, [posb], cbase + g * 2 * L + L + iota)
            return cur + ca + pcb[15]

        cur1 = lax.fori_loop(0, SCHUNK // (2 * L), scan32, cur0)

        def wcond(st):
            c2, f2 = st
            return c2 - f2 >= 256

        def wbody(st):
            c2, f2 = st
            dump(f2)
            return (c2, f2 + 256)

        return lax.while_loop(wcond, wbody, (cur1, dmp0))

    cur, dmp = lax.fori_loop(0, E // SCHUNK, chunk,
                             (jnp.int32(0), jnp.int32(0)))

    pad_base = wid * 1024

    def pad(j, carry):
        pos = (cur + j * L + iota) & (RING - 1)
        plsc.store_scatter(mid_v, [pos], pad_base + j * L + iota)
        plsc.store_scatter(mloc_v, [pos], trash)
        return carry

    lax.fori_loop(0, 1024 // L, pad, 0)

    def dcond(st):
        c2, f2 = st
        return f2 < c2 + 768

    def dbody(st):
        c2, f2 = st
        dump(f2)
        return (c2, f2 + 256)

    lax.while_loop(dcond, dbody, (cur, dmp))
    cnt_v[pl.ds(0, L)] = jnp.full((L,), 0, jnp.int32) + cur
    pltpu.sync_copy(cnt_v, cnt_hbm.at[pl.ds(pl.multiple_of(wid * L, L), L)])


def _scan(dst):
    f = pl.kernel(
        _scan_body,
        out_type=[
            jax.ShapeDtypeStruct((NW * CAP,), jnp.int32),
            jax.ShapeDtypeStruct((NW * CAP,), jnp.int32),
            jax.ShapeDtypeStruct((NW * L,), jnp.int32),
        ],
        mesh=plsc.VectorSubcoreMesh(core_axis_name="c", subcore_axis_name="s"),
        compiler_params=pltpu.CompilerParams(needs_layout_passes=False),
        scratch_types=[
            pltpu.VMEM((SCHUNK,), jnp.int32),
            pltpu.VMEM((RING + L,), jnp.int32),
            pltpu.VMEM((RING + L,), jnp.int32),
            pltpu.VMEM((L,), jnp.int32),
        ],
    )
    return f(dst)


def _flush_body(h2_hbm, loc_hbm, eid_hbm, cnt_hbm, agg_hbm,
                lbuf0_v, lbuf1_v, ebuf0_v, ebuf1_v, cnt_v,
                rows0_v, rows1_v, agg_v, sem0, sem1):
    wid = lax.axis_index("s") * NC + lax.axis_index("c")
    lo = wid * RPT
    neg = jnp.full((L,), _NEG, dtype=jnp.float32)
    lbuf = (lbuf0_v, lbuf1_v)
    ebuf = (ebuf0_v, ebuf1_v)
    rows = (rows0_v, rows1_v)
    sems = (sem0, sem1)

    def init(i, carry):
        for cc in range(D // L):
            agg_v[i, pl.ds(cc * L, L)] = neg
        return carry

    lax.fori_loop(0, RPT + 1, init, 0)

    pltpu.sync_copy(cnt_hbm.at[pl.ds(pl.multiple_of(wid * L, L), L)], cnt_v)
    cnt = cnt_v[pl.ds(0, L)][0]
    nb2 = ((cnt + 511) // 512) * 2

    def fire(c, par):
        hoff = pl.multiple_of(wid * CAP + c * RBATCH, RBATCH)
        pltpu.sync_copy(loc_hbm.at[pl.ds(hoff, RBATCH)], lbuf[par].at[pl.ds(0, RBATCH)])
        pltpu.sync_copy(eid_hbm.at[pl.ds(hoff, RBATCH)], ebuf[par])
        pltpu.async_copy(h2_hbm.at[ebuf[par].at[pl.ds(0, 128)]],
                         rows[par].at[pl.ds(0, 128)], sems[par])
        pltpu.async_copy(h2_hbm.at[ebuf[par].at[pl.ds(128, 128)]],
                         rows[par].at[pl.ds(128, 128)], sems[par])

    def waitb(par):
        pltpu.make_async_copy(h2_hbm.at[pl.ds(0, RBATCH)], rows[par], sems[par]).wait()

    def rmw_batch(par):
        def rmw(i, c2):
            r = lbuf[par][pl.ds(i, L)][0]
            for cc in range(D // L):
                sl = pl.ds(cc * L, L)
                agg_v[r, sl] = jnp.maximum(agg_v[r, sl], rows[par][i, sl])
            return c2

        lax.fori_loop(0, RBATCH, rmw, 0)

    fire(0, 0)
    fire(1, 1)

    def body(j, carry):
        waitb(0)
        rmw_batch(0)
        fire(2 * j + 2, 0)
        waitb(1)
        rmw_batch(1)
        fire(2 * j + 3, 1)
        return carry

    lax.fori_loop(0, nb2 // 2, body, 0)
    waitb(0)
    waitb(1)
    pltpu.sync_copy(agg_v.at[pl.ds(0, RPT)], agg_hbm.at[pl.ds(lo, RPT)])


def _flush(H2, LOC, EID, CNT):
    f = pl.kernel(
        _flush_body,
        out_type=jax.ShapeDtypeStruct((NPAD, D), jnp.float32),
        mesh=plsc.VectorSubcoreMesh(core_axis_name="c", subcore_axis_name="s"),
        compiler_params=pltpu.CompilerParams(needs_layout_passes=False),
        scratch_types=[
            pltpu.VMEM((RBATCH + L,), jnp.int32),
            pltpu.VMEM((RBATCH + L,), jnp.int32),
            pltpu.VMEM((RBATCH,), jnp.int32),
            pltpu.VMEM((RBATCH,), jnp.int32),
            pltpu.VMEM((L,), jnp.int32),
            pltpu.VMEM((RBATCH, D), jnp.float32),
            pltpu.VMEM((RBATCH, D), jnp.float32),
            pltpu.VMEM((RPT + 1, D), jnp.float32),
            pltpu.SemaphoreType.DMA,
            pltpu.SemaphoreType.DMA,
        ],
    )
    return f(H2, LOC, EID, CNT)


def _bn_body(agg_ref, gamma_ref, beta_ref, y_ref):
    a = agg_ref[...]
    a = jnp.where(a == _NEG, 0.0, a)
    mean = jnp.mean(a, axis=0, keepdims=True)
    var = jnp.mean((a - mean) ** 2, axis=0, keepdims=True)
    y_ref[...] = gamma_ref[...] * (a - mean) / jnp.sqrt(var + 1e-5) + beta_ref[...]


def _bn(agg, gamma, beta):
    return pl.pallas_call(
        _bn_body,
        in_specs=[
            pl.BlockSpec((N, D), lambda: (0, 0)),
            pl.BlockSpec((1, D), lambda: (0, 0)),
            pl.BlockSpec((1, D), lambda: (0, 0)),
        ],
        out_specs=pl.BlockSpec((N, D), lambda: (0, 0)),
        out_shape=jax.ShapeDtypeStruct((N, D), jnp.float32),
    )(agg, gamma, beta)


def kernel(x, edge_index, edge_attr, W1, b1, W2, b2, gamma, beta):
    src = edge_index[0]
    dst = edge_index[1]
    A, B = _pre(x, W1, b1.reshape(1, D))
    G1, G2 = _gather(A, B, dst, src)
    H2 = _mlp(G1, G2, W2, b2.reshape(1, D))
    LOC, EID, CNT = _scan(dst)
    aggp = _flush(H2, LOC, EID, CNT)
    y = _bn(aggp[:N], gamma.reshape(1, D), beta.reshape(1, D))
    return (y, edge_index, edge_attr)

# --- scband reference (transcript-rebuilt; emitter-appended) ---
"""Pipeline reference for scband-my-nnconv-2327872274901 (READ-ONLY COPY).

The authoritative reference and input builder live on the scoring server;
editing this copy changes nothing except your own understanding.
"""

import jax, jax.numpy as jnp
import numpy as np

N_NODES = 10000
N_EDGES = 320000
D_IN = 128
D_OUT = 128
D_EDGE = 16


def mish(x):
    return x * jnp.tanh(jax.nn.softplus(x))


def setup_inputs(seed: int = 0) -> dict:
    key = jax.random.key(seed)
    ks = jax.random.split(key, 8)
    x = jax.random.normal(ks[0], (N_NODES, D_IN), dtype=jnp.float32)
    edge_index = jax.random.randint(ks[1], (2, N_EDGES), 0, N_NODES, dtype=jnp.int32)
    edge_attr = jax.random.normal(ks[2], (N_EDGES, D_EDGE), dtype=jnp.float32)
    # EdgeConv MLP params: Linear(2*in_c, out_c) -> Dropout(eval, identity) -> Mish -> Linear(out_c, out_c)
    W1 = jax.random.normal(ks[3], (2 * D_IN, D_OUT), dtype=jnp.float32) * (1.0 / np.sqrt(2 * D_IN))
    b1 = jnp.zeros((D_OUT,), dtype=jnp.float32)
    W2 = jax.random.normal(ks[4], (D_OUT, D_OUT), dtype=jnp.float32) * (1.0 / np.sqrt(D_OUT))
    b2 = jnp.zeros((D_OUT,), dtype=jnp.float32)
    # BatchNorm1d affine params
    gamma = jnp.ones((D_OUT,), dtype=jnp.float32)
    beta = jnp.zeros((D_OUT,), dtype=jnp.float32)
    return {"x": x, "edge_index": edge_index, "edge_attr": edge_attr,
            "W1": W1, "b1": b1, "W2": W2, "b2": b2, "gamma": gamma, "beta": beta}


def reference(x, edge_index, edge_attr, W1, b1, W2, b2, gamma, beta):
    # opts.knn = 0 -> not dynamic (no knn_graph); dropout = 0.0 -> no dropout_adj.
    src = edge_index[0]
    dst = edge_index[1]
    n = x.shape[0]
    # PyG EdgeConv: out_i = max_{j in N(i)} mlp([x_i || x_j - x_i]); x_i = x[dst], x_j = x[src]
    x_i = jnp.take(x, dst, axis=0)
    x_j = jnp.take(x, src, axis=0)
    feat = jnp.concatenate([x_i, x_j - x_i], axis=-1)  # [E, 2*d_in]
    h = feat @ W1 + b1
    h = mish(h)  # Dropout in eval mode is identity
    h = h @ W2 + b2  # [E, d_out]
    agg = jax.ops.segment_max(h, dst, num_segments=n)  # max aggregation
    counts = jnp.zeros((n,), dtype=h.dtype).at[dst].add(1.0)
    agg = jnp.where((counts > 0)[:, None], agg, 0.0)  # PyG fills empty segments with 0
    # BatchNorm1d, training mode (batch statistics), eps=1e-5
    mean = jnp.mean(agg, axis=0)
    var = jnp.var(agg, axis=0)
    y = gamma * (agg - mean) / jnp.sqrt(var + 1e-5) + beta
    return (y, edge_index, edge_attr)

if __name__ == "__main__":
    import jax
    _d = setup_inputs()
    print(jax.jit(kernel)(*tuple(_d.values())))

</pallas_src>

<mosaic_0001>
#map = affine_map<(d0, d1) -> (0, 0)>
#map1 = affine_map<(d0, d1) -> (0)>
module attributes {stable_mosaic.version = 14 : i64} {
  func.func @_flush_body(%arg0: i32, %arg1: i32, %arg2: memref<320000x128xf32, #tpu.memory_space<hbm>>, %arg3: memref<10272768xi32, #tpu.memory_space<hbm>>, %arg4: memref<10272768xi32, #tpu.memory_space<hbm>>, %arg5: memref<512xi32, #tpu.memory_space<hbm>>, %arg6: memref<10240x128xf32, #tpu.memory_space<hbm>>, %arg7: memref<272xi32, #tpu.memory_space<vmem>>, %arg8: memref<272xi32, #tpu.memory_space<vmem>>, %arg9: memref<256xi32, #tpu.memory_space<vmem>>, %arg10: memref<256xi32, #tpu.memory_space<vmem>>, %arg11: memref<16xi32, #tpu.memory_space<vmem>>, %arg12: memref<256x128xf32, #tpu.memory_space<vmem>>, %arg13: memref<256x128xf32, #tpu.memory_space<vmem>>, %arg14: memref<321x128xf32, #tpu.memory_space<vmem>>, %arg15: memref<!tpu.dma_semaphore, #tpu.memory_space<semaphore_mem>>, %arg16: memref<!tpu.dma_semaphore, #tpu.memory_space<semaphore_mem>>) attributes {dimension_semantics = [#tpu.dimension_semantics<core_parallel>, #tpu.dimension_semantics<subcore_parallel>], iteration_bounds = array<i64: 2, 16>, scalar_prefetch = 0 : i64, scratch_operands = 10 : i64, tpu.core_type = #tpu.core_type<sc_vector_subcore>, window_params = [{transform_indices = #map}, {transform_indices = #map1}, {transform_indices = #map1}, {transform_indices = #map1}, {transform_indices = #map}]} {
    %mul3A = arith.constant 2 : i32
    %mul3A_0 = arith.muli %arg1, %mul3A : i32
    %add3A = arith.addi %mul3A_0, %arg0 : i32
    %mul3A_1 = arith.constant 320 : i32
    %mul3A_2 = arith.muli %add3A, %mul3A_1 : i32
    %broadcast_in_dim3A = arith.constant 0xFF800000 : f32
    %broadcast_in_dim3A_3 = vector.broadcast %broadcast_in_dim3A : f32 to vector<16xf32>
    %scan3A = arith.constant 0 : i32
    %scan3A_4 = arith.constant 0 : i32
    %scan3A_5 = arith.constant 321 : i32
    %scan3A_6 = arith.addi %scan3A_4, %scan3A_5 : i32
    %scan3A_7 = arith.constant 1 : i32
    scf.for %scan3A_117 = %scan3A_4 to %scan3A_6 step %scan3A_7  : i32 {
      %swap3A = arith.index_cast %scan3A_117 : i32 to index
      %swap3A_118 = arith.constant 0 : index
      %swap3A_119 = tpu.vector_load %arg14[%swap3A, %swap3A_118] {strides = array<i32>} : memref<321x128xf32, #tpu.memory_space<vmem>>, vector<16xf32>,
      tpu.vector_store %arg14[%swap3A, %swap3A_118], %broadcast_in_dim3A_3 {strides = array<i32>} : memref<321x128xf32, #tpu.memory_space<vmem>>, vector<16xf32>,
      %swap3A_120 = arith.index_cast %scan3A_117 : i32 to index
      %swap3A_121 = arith.constant 16 : index
      %swap3A_122 = tpu.vector_load %arg14[%swap3A_120, %swap3A_121] {strides = array<i32>} : memref<321x128xf32, #tpu.memory_space<vmem>>, vector<16xf32>,
      tpu.vector_store %arg14[%swap3A_120, %swap3A_121], %broadcast_in_dim3A_3 {strides = array<i32>} : memref<321x128xf32, #tpu.memory_space<vmem>>, vector<16xf32>,
      %swap3A_123 = arith.index_cast %scan3A_117 : i32 to index
      %swap3A_124 = arith.constant 32 : index
      %swap3A_125 = tpu.vector_load %arg14[%swap3A_123, %swap3A_124] {strides = array<i32>} : memref<321x128xf32, #tpu.memory_space<vmem>>, vector<16xf32>,
      tpu.vector_store %arg14[%swap3A_123, %swap3A_124], %broadcast_in_dim3A_3 {strides = array<i32>} : memref<321x128xf32, #tpu.memory_space<vmem>>, vector<16xf32>,
      %swap3A_126 = arith.index_cast %scan3A_117 : i32 to index
      %swap3A_127 = arith.constant 48 : index
      %swap3A_128 = tpu.vector_load %arg14[%swap3A_126, %swap3A_127] {strides = array<i32>} : memref<321x128xf32, #tpu.memory_space<vmem>>, vector<16xf32>,
      tpu.vector_store %arg14[%swap3A_126, %swap3A_127], %broadcast_in_dim3A_3 {strides = array<i32>} : memref<321x128xf32, #tpu.memory_space<vmem>>, vector<16xf32>,
      %swap3A_129 = arith.index_cast %scan3A_117 : i32 to index
      %swap3A_130 = arith.constant 64 : index
      %swap3A_131 = tpu.vector_load %arg14[%swap3A_129, %swap3A_130] {strides = array<i32>} : memref<321x128xf32, #tpu.memory_space<vmem>>, vector<16xf32>,
      tpu.vector_store %arg14[%swap3A_129, %swap3A_130], %broadcast_in_dim3A_3 {strides = array<i32>} : memref<321x128xf32, #tpu.memory_space<vmem>>, vector<16xf32>,
      %swap3A_132 = arith.index_cast %scan3A_117 : i32 to index
      %swap3A_133 = arith.constant 80 : index
      %swap3A_134 = tpu.vector_load %arg14[%swap3A_132, %swap3A_133] {strides = array<i32>} : memref<321x128xf32, #tpu.memory_space<vmem>>, vector<16xf32>,
      tpu.vector_store %arg14[%swap3A_132, %swap3A_133], %broadcast_in_dim3A_3 {strides = array<i32>} : memref<321x128xf32, #tpu.memory_space<vmem>>, vector<16xf32>,
      %swap3A_135 = arith.index_cast %scan3A_117 : i32 to index
      %swap3A_136 = arith.constant 96 : index
      %swap3A_137 = tpu.vector_load %arg14[%swap3A_135, %swap3A_136] {strides = array<i32>} : memref<321x128xf32, #tpu.memory_space<vmem>>, vector<16xf32>,
      tpu.vector_store %arg14[%swap3A_135, %swap3A_136], %broadcast_in_dim3A_3 {strides = array<i32>} : memref<321x128xf32, #tpu.memory_space<vmem>>, vector<16xf32>,
      %swap3A_138 = arith.index_cast %scan3A_117 : i32 to index
      %swap3A_139 = arith.constant 112 : index
      %swap3A_140 = tpu.vector_load %arg14[%swap3A_138, %swap3A_139] {strides = array<i32>} : memref<321x128xf32, #tpu.memory_space<vmem>>, vector<16xf32>,
      tpu.vector_store %arg14[%swap3A_138, %swap3A_139], %broadcast_in_dim3A_3 {strides = array<i32>} : memref<321x128xf32, #tpu.memory_space<vmem>>, vector<16xf32>,
    }
    %scan3A_8 = arith.constant 321 : i32
    %mul3A_9 = arith.constant 16 : i32
    %mul3A_10 = arith.muli %add3A, %mul3A_9 : i32
    %multiple_of3A = tpu.assume_multiple %mul3A_10, 16 : i32
    "tpu.region"() ({
      %run_scoped3A = tpu.sem_alloc : memref<!tpu.dma_semaphore, #tpu.memory_space<semaphore_mem>>
      %dma_start3A_117 = tpu.memref_slice %arg5[%multiple_of3A] : memref<512xi32, #tpu.memory_space<hbm>> -> memref<16xi32, #tpu.memory_space<hbm>>
      %dma_start3A_118 = tpu.memref_slice %arg5[%multiple_of3A] : memref<512xi32, #tpu.memory_space<hbm>> -> memref<16xi32, #tpu.memory_space<hbm>>
      tpu.enqueue_dma source(%dma_start3A_118 : memref<16xi32, #tpu.memory_space<hbm>>) target(%arg11 : memref<16xi32, #tpu.memory_space<vmem>>) target_semaphore(%run_scoped3A : memref<!tpu.dma_semaphore, #tpu.memory_space<semaphore_mem>>)
      %dma_wait3A_119 = tpu.memref_slice %arg5[%multiple_of3A] : memref<512xi32, #tpu.memory_space<hbm>> -> memref<16xi32, #tpu.memory_space<hbm>>
      %dma_wait3A_120 = tpu.memref_slice %arg5[%multiple_of3A] : memref<512xi32, #tpu.memory_space<hbm>> -> memref<16xi32, #tpu.memory_space<hbm>>
      tpu.wait_dma2 semaphore(%run_scoped3A : memref<!tpu.dma_semaphore, #tpu.memory_space<semaphore_mem>>) src(%dma_wait3A_120 : memref<16xi32, #tpu.memory_space<hbm>>) dst(%arg11 : memref<16xi32, #tpu.memory_space<vmem>>)
      tpu.yield
    }) : () -> ()
    %get3A = arith.constant 0 : index
    %get3A_11 = tpu.vector_load %arg11[%get3A] {strides = array<i32>} : memref<16xi32, #tpu.memory_space<vmem>>, vector<16xi32>,
    %slice3A = vector.extract_strided_slice %get3A_11 {offsets = [0], sizes = [1], strides = [1]} : vector<16xi32> to vector<1xi32>
    %squeeze3A = vector.extract %slice3A[0] : i32 from vector<1xi32>
    %add3A_12 = arith.constant 511 : i32
    %add3A_13 = arith.addi %squeeze3A, %add3A_12 : i32
    %jit3A = arith.constant 512 : i32
    %div3A = arith.divsi %add3A_13, %jit3A : i32
    %sign3A = arith.constant 0 : i32
    %sign3A_14 = arith.cmpi sgt, %add3A_13, %sign3A : i32
    %sign3A_15 = arith.extui %sign3A_14 : i1 to i32
    %sign3A_16 = arith.constant 0 : i32
    %sign3A_17 = arith.cmpi slt, %add3A_13, %sign3A_16 : i32
    %sign3A_18 = arith.extui %sign3A_17 : i1 to i32
    %sign3A_19 = arith.subi %sign3A_15, %sign3A_18 : i32
    %sign3A_20 = arith.constant 0 : i32
    %sign3A_21 = arith.cmpi sgt, %jit3A, %sign3A_20 : i32
    %sign3A_22 = arith.extui %sign3A_21 : i1 to i32
    %sign3A_23 = arith.constant 0 : i32
    %sign3A_24 = arith.cmpi slt, %jit3A, %sign3A_23 : i32
    %sign3A_25 = arith.extui %sign3A_24 : i1 to i32
    %sign3A_26 = arith.subi %sign3A_22, %sign3A_25 : i32
    %ne3A = arith.cmpi ne, %sign3A_19, %sign3A_26 : i32
    %rem3A = arith.remsi %add3A_13, %jit3A : i32
    %ne3A_27 = arith.constant 0 : i32
    %ne3A_28 = arith.cmpi ne, %rem3A, %ne3A_27 : i32
    %and3A = arith.andi %ne3A, %ne3A_28 : i1
    %sub3A = arith.constant 1 : i32
    %sub3A_29 = arith.subi %div3A, %sub3A : i32
    %select_n3A = arith.select %and3A, %sub3A_29, %div3A : i32
    %mul3A_30 = arith.constant 2 : i32
    %mul3A_31 = arith.muli %select_n3A, %mul3A_30 : i32
    %mul3A_32 = arith.constant 321024 : i32
    %mul3A_33 = arith.muli %add3A, %mul3A_32 : i32
    %add3A_34 = arith.constant 0 : i32
    %add3A_35 = arith.addi %mul3A_33, %add3A_34 : i32
    %multiple_of3A_36 = tpu.assume_multiple %add3A_35, 256 : i32
    "tpu.region"() ({
      %run_scoped3A = tpu.sem_alloc : memref<!tpu.dma_semaphore, #tpu.memory_space<semaphore_mem>>
      %dma_start3A_117 = arith.constant 0 : i32
      %dma_start3A_118 = tpu.memref_slice %arg7[%dma_start3A_117] : memref<272xi32, #tpu.memory_space<vmem>> -> memref<256xi32, #tpu.memory_space<vmem>>
      %dma_start3A_119 = tpu.memref_slice %arg3[%multiple_of3A_36] : memref<10272768xi32, #tpu.memory_space<hbm>> -> memref<256xi32, #tpu.memory_space<hbm>>
      %dma_start3A_120 = arith.constant 0 : i32
      %dma_start3A_121 = tpu.memref_slice %arg7[%dma_start3A_120] : memref<272xi32, #tpu.memory_space<vmem>> -> memref<256xi32, #tpu.memory_space<vmem>>
      %dma_start3A_122 = tpu.memref_slice %arg3[%multiple_of3A_36] : memref<10272768xi32, #tpu.memory_space<hbm>> -> memref<256xi32, #tpu.memory_space<hbm>>
      tpu.enqueue_dma source(%dma_start3A_122 : memref<256xi32, #tpu.memory_space<hbm>>) target(%dma_start3A_121 : memref<256xi32, #tpu.memory_space<vmem>>) target_semaphore(%run_scoped3A : memref<!tpu.dma_semaphore, #tpu.memory_space<semaphore_mem>>)
      %dma_wait3A_123 = arith.constant 0 : i32
      %dma_wait3A_124 = tpu.memref_slice %arg7[%dma_wait3A_123] : memref<272xi32, #tpu.memory_space<vmem>> -> memref<256xi32, #tpu.memory_space<vmem>>
      %dma_wait3A_125 = tpu.memref_slice %arg3[%multiple_of3A_36] : memref<10272768xi32, #tpu.memory_space<hbm>> -> memref<256xi32, #tpu.memory_space<hbm>>
      %dma_wait3A_126 = arith.constant 0 : i32
      %dma_wait3A_127 = tpu.memref_slice %arg7[%dma_wait3A_126] : memref<272xi32, #tpu.memory_space<vmem>> -> memref<256xi32, #tpu.memory_space<vmem>>
      %dma_wait3A_128 = tpu.memref_slice %arg3[%multiple_of3A_36] : memref<10272768xi32, #tpu.memory_space<hbm>> -> memref<256xi32, #tpu.memory_space<hbm>>
      tpu.wait_dma2 semaphore(%run_scoped3A : memref<!tpu.dma_semaphore, #tpu.memory_space<semaphore_mem>>) src(%dma_wait3A_128 : memref<256xi32, #tpu.memory_space<hbm>>) dst(%dma_wait3A_127 : memref<256xi32, #tpu.memory_space<vmem>>)
      tpu.yield
    }) : () -> ()
    "tpu.region"() ({
      %run_scoped3A = tpu.sem_alloc : memref<!tpu.dma_semaphore, #tpu.memory_space<semaphore_mem>>
      %dma_start3A_117 = tpu.memref_slice %arg4[%multiple_of3A_36] : memref<10272768xi32, #tpu.memory_space<hbm>> -> memref<256xi32, #tpu.memory_space<hbm>>
      %dma_start3A_118 = tpu.memref_slice %arg4[%multiple_of3A_36] : memref<10272768xi32, #tpu.memory_space<hbm>> -> memref<256xi32, #tpu.memory_space<hbm>>
      tpu.enqueue_dma source(%dma_start3A_118 : memref<256xi32, #tpu.memory_space<hbm>>) target(%arg9 : memref<256xi32, #tpu.memory_space<vmem>>) target_semaphore(%run_scoped3A : memref<!tpu.dma_semaphore, #tpu.memory_space<semaphore_mem>>)
      %dma_wait3A_119 = tpu.memref_slice %arg4[%multiple_of3A_36] : memref<10272768xi32, #tpu.memory_space<hbm>> -> memref<256xi32, #tpu.memory_space<hbm>>
      %dma_wait3A_120 = tpu.memref_slice %arg4[%multiple_of3A_36] : memref<10272768xi32, #tpu.memory_space<hbm>> -> memref<256xi32, #tpu.memory_space<hbm>>
      tpu.wait_dma2 semaphore(%run_scoped3A : memref<!tpu.dma_semaphore, #tpu.memory_space<semaphore_mem>>) src(%dma_wait3A_120 : memref<256xi32, #tpu.memory_space<hbm>>) dst(%arg9 : memref<256xi32, #tpu.memory_space<vmem>>)
      tpu.yield
    }) : () -> ()
    %dma_start3A = arith.constant 0 : i32
    %dma_start3A_37 = arith.constant 0 : i32
    %dma_start3A_38 = tpu.memref_slice %arg12[%dma_start3A, %dma_start3A_37] : memref<256x128xf32, #tpu.memory_space<vmem>> -> memref<128x128xf32, #tpu.memory_space<vmem>>
    %dma_start3A_39 = arith.constant 0 : i32
    %dma_start3A_40 = tpu.memref_slice %arg9[%dma_start3A_39] : memref<256xi32, #tpu.memory_space<vmem>> -> memref<128xi32, #tpu.memory_space<vmem>>
    %dma_start3A_41 = arith.constant 0 : i32
    %dma_start3A_42 = arith.constant 0 : i32
    %dma_start3A_43 = tpu.memref_slice %arg2[%dma_start3A_41, %dma_start3A_42] : memref<320000x128xf32, #tpu.memory_space<hbm>> -> memref<320000x128xf32, #tpu.memory_space<hbm>>
    tpu.enqueue_indirect_dma source(%dma_start3A_43 : memref<320000x128xf32, #tpu.memory_space<hbm>>) target(%dma_start3A_38 : memref<128x128xf32, #tpu.memory_space<vmem>>) offsets(%dma_start3A_40 : memref<128xi32, #tpu.memory_space<vmem>>) semaphore(%arg15 : memref<!tpu.dma_semaphore, #tpu.memory_space<semaphore_mem>>)
    %dma_start3A_44 = arith.constant 128 : i32
    %dma_start3A_45 = arith.constant 0 : i32
    %dma_start3A_46 = tpu.memref_slice %arg12[%dma_start3A_44, %dma_start3A_45] : memref<256x128xf32, #tpu.memory_space<vmem>> -> memref<128x128xf32, #tpu.memory_space<vmem>>
    %dma_start3A_47 = arith.constant 128 : i32
    %dma_start3A_48 = tpu.memref_slice %arg9[%dma_start3A_47] : memref<256xi32, #tpu.memory_space<vmem>> -> memref<128xi32, #tpu.memory_space<vmem>>
    %dma_start3A_49 = arith.constant 0 : i32
    %dma_start3A_50 = arith.constant 0 : i32
    %dma_start3A_51 = tpu.memref_slice %arg2[%dma_start3A_49, %dma_start3A_50] : memref<320000x128xf32, #tpu.memory_space<hbm>> -> memref<320000x128xf32, #tpu.memory_space<hbm>>
    tpu.enqueue_indirect_dma source(%dma_start3A_51 : memref<320000x128xf32, #tpu.memory_space<hbm>>) target(%dma_start3A_46 : memref<128x128xf32, #tpu.memory_space<vmem>>) offsets(%dma_start3A_48 : memref<128xi32, #tpu.memory_space<vmem>>) semaphore(%arg15 : memref<!tpu.dma_semaphore, #tpu.memory_space<semaphore_mem>>)
    %mul3A_52 = arith.constant 321024 : i32
    %mul3A_53 = arith.muli %add3A, %mul3A_52 : i32
    %add3A_54 = arith.constant 256 : i32
    %add3A_55 = arith.addi %mul3A_53, %add3A_54 : i32
    %multiple_of3A_56 = tpu.assume_multiple %add3A_55, 256 : i32
    "tpu.region"() ({
      %run_scoped3A = tpu.sem_alloc : memref<!tpu.dma_semaphore, #tpu.memory_space<semaphore_mem>>
      %dma_start3A_117 = arith.constant 0 : i32
      %dma_start3A_118 = tpu.memref_slice %arg8[%dma_start3A_117] : memref<272xi32, #tpu.memory_space<vmem>> -> memref<256xi32, #tpu.memory_space<vmem>>
      %dma_start3A_119 = tpu.memref_slice %arg3[%multiple_of3A_56] : memref<10272768xi32, #tpu.memory_space<hbm>> -> memref<256xi32, #tpu.memory_space<hbm>>
      %dma_start3A_120 = arith.constant 0 : i32
      %dma_start3A_121 = tpu.memref_slice %arg8[%dma_start3A_120] : memref<272xi32, #tpu.memory_space<vmem>> -> memref<256xi32, #tpu.memory_space<vmem>>
      %dma_start3A_122 = tpu.memref_slice %arg3[%multiple_of3A_56] : memref<10272768xi32, #tpu.memory_space<hbm>> -> memref<256xi32, #tpu.memory_space<hbm>>
      tpu.enqueue_dma source(%dma_start3A_122 : memref<256xi32, #tpu.memory_space<hbm>>) target(%dma_start3A_121 : memref<256xi32, #tpu.memory_space<vmem>>) target_semaphore(%run_scoped3A : memref<!tpu.dma_semaphore, #tpu.memory_space<semaphore_mem>>)
      %dma_wait3A_123 = arith.constant 0 : i32
      %dma_wait3A_124 = tpu.memref_slice %arg8[%dma_wait3A_123] : memref<272xi32, #tpu.memory_space<vmem>> -> memref<256xi32, #tpu.memory_space<vmem>>
      %dma_wait3A_125 = tpu.memref_slice %arg3[%multiple_of3A_56] : memref<10272768xi32, #tpu.memory_space<hbm>> -> memref<256xi32, #tpu.memory_space<hbm>>
      %dma_wait3A_126 = arith.constant 0 : i32
      %dma_wait3A_127 = tpu.memref_slice %arg8[%dma_wait3A_126] : memref<272xi32, #tpu.memory_space<vmem>> -> memref<256xi32, #tpu.memory_space<vmem>>
      %dma_wait3A_128 = tpu.memref_slice %arg3[%multiple_of3A_56] : memref<10272768xi32, #tpu.memory_space<hbm>> -> memref<256xi32, #tpu.memory_space<hbm>>
      tpu.wait_dma2 semaphore(%run_scoped3A : memref<!tpu.dma_semaphore, #tpu.memory_space<semaphore_mem>>) src(%dma_wait3A_128 : memref<256xi32, #tpu.memory_space<hbm>>) dst(%dma_wait3A_127 : memref<256xi32, #tpu.memory_space<vmem>>)
      tpu.yield
    }) : () -> ()
    "tpu.region"() ({
      %run_scoped3A = tpu.sem_alloc : memref<!tpu.dma_semaphore, #tpu.memory_space<semaphore_mem>>
      %dma_start3A_117 = tpu.memref_slice %arg4[%multiple_of3A_56] : memref<10272768xi32, #tpu.memory_space<hbm>> -> memref<256xi32, #tpu.memory_space<hbm>>
      %dma_start3A_118 = tpu.memref_slice %arg4[%multiple_of3A_56] : memref<10272768xi32, #tpu.memory_space<hbm>> -> memref<256xi32, #tpu.memory_space<hbm>>
      tpu.enqueue_dma source(%dma_start3A_118 : memref<256xi32, #tpu.memory_space<hbm>>) target(%arg10 : memref<256xi32, #tpu.memory_space<vmem>>) target_semaphore(%run_scoped3A : memref<!tpu.dma_semaphore, #tpu.memory_space<semaphore_mem>>)
      %dma_wait3A_119 = tpu.memref_slice %arg4[%multiple_of3A_56] : memref<10272768xi32, #tpu.memory_space<hbm>> -> memref<256xi32, #tpu.memory_space<hbm>>
      %dma_wait3A_120 = tpu.memref_slice %arg4[%multiple_of3A_56] : memref<10272768xi32, #tpu.memory_space<hbm>> -> memref<256xi32, #tpu.memory_space<hbm>>
      tpu.wait_dma2 semaphore(%run_scoped3A : memref<!tpu.dma_semaphore, #tpu.memory_space<semaphore_mem>>) src(%dma_wait3A_120 : memref<256xi32, #tpu.memory_space<hbm>>) dst(%arg10 : memref<256xi32, #tpu.memory_space<vmem>>)
      tpu.yield
    }) : () -> ()
    %dma_start3A_57 = arith.constant 0 : i32
    %dma_start3A_58 = arith.constant 0 : i32
    %dma_start3A_59 = tpu.memref_slice %arg13[%dma_start3A_57, %dma_start3A_58] : memref<256x128xf32, #tpu.memory_space<vmem>> -> memref<128x128xf32, #tpu.memory_space<vmem>>
    %dma_start3A_60 = arith.constant 0 : i32
    %dma_start3A_61 = tpu.memref_slice %arg10[%dma_start3A_60] : memref<256xi32, #tpu.memory_space<vmem>> -> memref<128xi32, #tpu.memory_space<vmem>>
    %dma_start3A_62 = arith.constant 0 : i32
    %dma_start3A_63 = arith.constant 0 : i32
    %dma_start3A_64 = tpu.memref_slice %arg2[%dma_start3A_62, %dma_start3A_63] : memref<320000x128xf32, #tpu.memory_space<hbm>> -> memref<320000x128xf32, #tpu.memory_space<hbm>>
    tpu.enqueue_indirect_dma source(%dma_start3A_64 : memref<320000x128xf32, #tpu.memory_space<hbm>>) target(%dma_start3A_59 : memref<128x128xf32, #tpu.memory_space<vmem>>) offsets(%dma_start3A_61 : memref<128xi32, #tpu.memory_space<vmem>>) semaphore(%arg16 : memref<!tpu.dma_semaphore, #tpu.memory_space<semaphore_mem>>)
    %dma_start3A_65 = arith.constant 128 : i32
    %dma_start3A_66 = arith.constant 0 : i32
    %dma_start3A_67 = tpu.memref_slice %arg13[%dma_start3A_65, %dma_start3A_66] : memref<256x128xf32, #tpu.memory_space<vmem>> -> memref<128x128xf32, #tpu.memory_space<vmem>>
    %dma_start3A_68 = arith.constant 128 : i32
    %dma_start3A_69 = tpu.memref_slice %arg10[%dma_start3A_68] : memref<256xi32, #tpu.memory_space<vmem>> -> memref<128xi32, #tpu.memory_space<vmem>>
    %dma_start3A_70 = arith.constant 0 : i32
    %dma_start3A_71 = arith.constant 0 : i32
    %dma_start3A_72 = tpu.memref_slice %arg2[%dma_start3A_70, %dma_start3A_71] : memref<320000x128xf32, #tpu.memory_space<hbm>> -> memref<320000x128xf32, #tpu.memory_space<hbm>>
    tpu.enqueue_indirect_dma source(%dma_start3A_72 : memref<320000x128xf32, #tpu.memory_space<hbm>>) target(%dma_start3A_67 : memref<128x128xf32, #tpu.memory_space<vmem>>) offsets(%dma_start3A_69 : memref<128xi32, #tpu.memory_space<vmem>>) semaphore(%arg16 : memref<!tpu.dma_semaphore, #tpu.memory_space<semaphore_mem>>)
    %jit3A_73 = arith.constant 2 : i32
    %div3A_74 = arith.divsi %mul3A_31, %jit3A_73 : i32
    %sign3A_75 = arith.constant 0 : i32
    %sign3A_76 = arith.cmpi sgt, %mul3A_31, %sign3A_75 : i32
    %sign3A_77 = arith.extui %sign3A_76 : i1 to i32
    %sign3A_78 = arith.constant 0 : i32
    %sign3A_79 = arith.cmpi slt, %mul3A_31, %sign3A_78 : i32
    %sign3A_80 = arith.extui %sign3A_79 : i1 to i32
    %sign3A_81 = arith.subi %sign3A_77, %sign3A_80 : i32
    %sign3A_82 = arith.constant 0 : i32
    %sign3A_83 = arith.cmpi sgt, %jit3A_73, %sign3A_82 : i32
    %sign3A_84 = arith.extui %sign3A_83 : i1 to i32
    %sign3A_85 = arith.constant 0 : i32
    %sign3A_86 = arith.cmpi slt, %jit3A_73, %sign3A_85 : i32
    %sign3A_87 = arith.extui %sign3A_86 : i1 to i32
    %sign3A_88 = arith.subi %sign3A_84, %sign3A_87 : i32
    %ne3A_89 = arith.cmpi ne, %sign3A_81, %sign3A_88 : i32
    %rem3A_90 = arith.remsi %mul3A_31, %jit3A_73 : i32
    %ne3A_91 = arith.constant 0 : i32
    %ne3A_92 = arith.cmpi ne, %rem3A_90, %ne3A_91 : i32
    %and3A_93 = arith.andi %ne3A_89, %ne3A_92 : i1
    %sub3A_94 = arith.constant 1 : i32
    %sub3A_95 = arith.subi %div3A_74, %sub3A_94 : i32
    %select_n3A_96 = arith.select %and3A_93, %sub3A_95, %div3A_74 : i32
    %while3A = arith.constant 0 : i32
    %while3A_97 = arith.constant 0 : i32
    %while3A_98 = arith.subi %select_n3A_96, %while3A_97 : i32
    %while3A_99 = arith.addi %while3A_97, %while3A_98 : i32
    %while3A_100 = arith.constant 1 : i32
    %while3A_101 = arith.divsi %while3A_98, %while3A_100 : i32
    %while3A_102 = arith.muli %while3A_101, %while3A_100 : i32
    %while3A_103 = arith.addi %while3A_97, %while3A_102 : i32
    %while3A_104 = arith.constant 1 : i32
    scf.for %while3A_117 = %while3A_97 to %while3A_103 step %while3A_104  : i32 {
      %dma_wait3A_118 = arith.constant 0 : i32
      %dma_wait3A_119 = arith.constant 0 : i32
      %dma_wait3A_120 = tpu.memref_slice %arg2[%dma_wait3A_118, %dma_wait3A_119] : memref<320000x128xf32, #tpu.memory_space<hbm>> -> memref<256x128xf32, #tpu.memory_space<hbm>>
      %dma_wait3A_121 = arith.constant 0 : i32
      %dma_wait3A_122 = arith.constant 0 : i32
      %dma_wait3A_123 = tpu.memref_slice %arg2[%dma_wait3A_121, %dma_wait3A_122] : memref<320000x128xf32, #tpu.memory_space<hbm>> -> memref<256x128xf32, #tpu.memory_space<hbm>>
      tpu.wait_dma2 semaphore(%arg15 : memref<!tpu.dma_semaphore, #tpu.memory_space<semaphore_mem>>) src(%dma_wait3A_123 : memref<256x128xf32, #tpu.memory_space<hbm>>) dst(%arg12 : memref<256x128xf32, #tpu.memory_space<vmem>>)
      %scan3A_124 = arith.constant 0 : i32
      %scan3A_125 = arith.constant 0 : i32
      %scan3A_126 = arith.constant 256 : i32
      %scan3A_127 = arith.addi %scan3A_125, %scan3A_126 : i32
      %scan3A_128 = arith.constant 1 : i32
      scf.for %scan3A_194 = %scan3A_125 to %scan3A_127 step %scan3A_128  : i32 {
        %get3A_195 = arith.index_cast %scan3A_194 : i32 to index
        %get3A_196 = tpu.vector_load %arg7[%get3A_195] {strides = array<i32>} : memref<272xi32, #tpu.memory_space<vmem>>, vector<16xi32>,
        %slice3A_197 = vector.extract_strided_slice %get3A_196 {offsets = [0], sizes = [1], strides = [1]} : vector<16xi32> to vector<1xi32>
        %squeeze3A_198 = vector.extract %slice3A_197[0] : i32 from vector<1xi32>
        %get3A_199 = arith.index_cast %squeeze3A_198 : i32 to index
        %get3A_200 = arith.constant 0 : index
        %get3A_201 = tpu.vector_load %arg14[%get3A_199, %get3A_200] {strides = array<i32>} : memref<321x128xf32, #tpu.memory_space<vmem>>, vector<16xf32>,
        %get3A_202 = arith.index_cast %scan3A_194 : i32 to index
        %get3A_203 = arith.constant 0 : index
        %get3A_204 = tpu.vector_load %arg12[%get3A_202, %get3A_203] {strides = array<i32>} : memref<256x128xf32, #tpu.memory_space<vmem>>, vector<16xf32>,
        %max3A = arith.maximumf %get3A_201, %get3A_204 : vector<16xf32>
        %swap3A = arith.index_cast %squeeze3A_198 : i32 to index
        %swap3A_205 = arith.constant 0 : index
        %swap3A_206 = tpu.vector_load %arg14[%swap3A, %swap3A_205] {strides = array<i32>} : memref<321x128xf32, #tpu.memory_space<vmem>>, vector<16xf32>,
        tpu.vector_store %arg14[%swap3A, %swap3A_205], %max3A {strides = array<i32>} : memref<321x128xf32, #tpu.memory_space<vmem>>, vector<16xf32>,
        %get3A_207 = arith.index_cast %squeeze3A_198 : i32 to index
        %get3A_208 = arith.constant 16 : index
        %get3A_209 = tpu.vector_load %arg14[%get3A_207, %get3A_208] {strides = array<i32>} : memref<321x128xf32, #tpu.memory_space<vmem>>, vector<16xf32>,
        %get3A_210 = arith.index_cast %scan3A_194 : i32 to index
        %get3A_211 = arith.constant 16 : index
        %get3A_212 = tpu.vector_load %arg12[%get3A_210, %get3A_211] {strides = array<i32>} : memref<256x128xf32, #tpu.memory_space<vmem>>, vector<16xf32>,
        %max3A_213 = arith.maximumf %get3A_209, %get3A_212 : vector<16xf32>
        %swap3A_214 = arith.index_cast %squeeze3A_198 : i32 to index
        %swap3A_215 = arith.constant 16 : index
        %swap3A_216 = tpu.vector_load %arg14[%swap3A_214, %swap3A_215] {strides = array<i32>} : memref<321x128xf32, #tpu.memory_space<vmem>>, vector<16xf32>,
        tpu.vector_store %arg14[%swap3A_214, %swap3A_215], %max3A_213 {strides = array<i32>} : memref<321x128xf32, #tpu.memory_space<vmem>>, vector<16xf32>,
        %get3A_217 = arith.index_cast %squeeze3A_198 : i32 to index
        %get3A_218 = arith.constant 32 : index
        %get3A_219 = tpu.vector_load %arg14[%get3A_217, %get3A_218] {strides = array<i32>} : memref<321x128xf32, #tpu.memory_space<vmem>>, vector<16xf32>,
        %get3A_220 = arith.index_cast %scan3A_194 : i32 to index
        %get3A_221 = arith.constant 32 : index
        %get3A_222 = tpu.vector_load %arg12[%get3A_220, %get3A_221] {strides = array<i32>} : memref<256x128xf32, #tpu.memory_space<vmem>>, vector<16xf32>,
        %max3A_223 = arith.maximumf %get3A_219, %get3A_222 : vector<16xf32>
        %swap3A_224 = arith.index_cast %squeeze3A_198 : i32 to index
        %swap3A_225 = arith.constant 32 : index
        %swap3A_226 = tpu.vector_load %arg14[%swap3A_224, %swap3A_225] {strides = array<i32>} : memref<321x128xf32, #tpu.memory_space<vmem>>, vector<16xf32>,
        tpu.vector_store %arg14[%swap3A_224, %swap3A_225], %max3A_223 {strides = array<i32>} : memref<321x128xf32, #tpu.memory_space<vmem>>, vector<16xf32>,
        %get3A_227 = arith.index_cast %squeeze3A_198 : i32 to index
        %get3A_228 = arith.constant 48 : index
        %get3A_229 = tpu.vector_load %arg14[%get3A_227, %get3A_228] {strides = array<i32>} : memref<321x128xf32, #tpu.memory_space<vmem>>, vector<16xf32>,
        %get3A_230 = arith.index_cast %scan3A_194 : i32 to index
        %get3A_231 = arith.constant 48 : index
        %get3A_232 = tpu.vector_load %arg12[%get3A_230, %get3A_231] {strides = array<i32>} : memref<256x128xf32, #tpu.memory_space<vmem>>, vector<16xf32>,
        %max3A_233 = arith.maximumf %get3A_229, %get3A_232 : vector<16xf32>
        %swap3A_234 = arith.index_cast %squeeze3A_198 : i32 to index
        %swap3A_235 = arith.constant 48 : index
        %swap3A_236 = tpu.vector_load %arg14[%swap3A_234, %swap3A_235] {strides = array<i32>} : memref<321x128xf32, #tpu.memory_space<vmem>>, vector<16xf32>,
        tpu.vector_store %arg14[%swap3A_234, %swap3A_235], %max3A_233 {strides = array<i32>} : memref<321x128xf32, #tpu.memory_space<vmem>>, vector<16xf32>,
        %get3A_237 = arith.index_cast %squeeze3A_198 : i32 to index
        %get3A_238 = arith.constant 64 : index
        %get3A_239 = tpu.vector_load %arg14[%get3A_237, %get3A_238] {strides = array<i32>} : memref<321x128xf32, #tpu.memory_space<vmem>>, vector<16xf32>,
        %get3A_240 = arith.index_cast %scan3A_194 : i32 to index
        %get3A_241 = arith.constant 64 : index
        %get3A_242 = tpu.vector_load %arg12[%get3A_240, %get3A_241] {strides = array<i32>} : memref<256x128xf32, #tpu.memory_space<vmem>>, vector<16xf32>,
        %max3A_243 = arith.maximumf %get3A_239, %get3A_242 : vector<16xf32>
        %swap3A_244 = arith.index_cast %squeeze3A_198 : i32 to index
        %swap3A_245 = arith.constant 64 : index
        %swap3A_246 = tpu.vector_load %arg14[%swap3A_244, %swap3A_245] {strides = array<i32>} : memref<321x128xf32, #tpu.memory_space<vmem>>, vector<16xf32>,
        tpu.vector_store %arg14[%swap3A_244, %swap3A_245], %max3A_243 {strides = array<i32>} : memref<321x128xf32, #tpu.memory_space<vmem>>, vector<16xf32>,
        %get3A_247 = arith.index_cast %squeeze3A_198 : i32 to index
        %get3A_248 = arith.constant 80 : index
        %get3A_249 = tpu.vector_load %arg14[%get3A_247, %get3A_248] {strides = array<i32>} : memref<321x128xf32, #tpu.memory_space<vmem>>, vector<16xf32>,
        %get3A_250 = arith.index_cast %scan3A_194 : i32 to index
        %get3A_251 = arith.constant 80 : index
        %get3A_252 = tpu.vector_load %arg12[%get3A_250, %get3A_251] {strides = array<i32>} : memref<256x128xf32, #tpu.memory_space<vmem>>, vector<16xf32>,
        %max3A_253 = arith.maximumf %get3A_249, %get3A_252 : vector<16xf32>
        %swap3A_254 = arith.index_cast %squeeze3A_198 : i32 to index
        %swap3A_255 = arith.constant 80 : index
        %swap3A_256 = tpu.vector_load %arg14[%swap3A_254, %swap3A_255] {strides = array<i32>} : memref<321x128xf32, #tpu.memory_space<vmem>>, vector<16xf32>,
        tpu.vector_store %arg14[%swap3A_254, %swap3A_255], %max3A_253 {strides = array<i32>} : memref<321x128xf32, #tpu.memory_space<vmem>>, vector<16xf32>,
        %get3A_257 = arith.index_cast %squeeze3A_198 : i32 to index
        %get3A_258 = arith.constant 96 : index
        %get3A_259 = tpu.vector_load %arg14[%get3A_257, %get3A_258] {strides = array<i32>} : memref<321x128xf32, #tpu.memory_space<vmem>>, vector<16xf32>,
        %get3A_260 = arith.index_cast %scan3A_194 : i32 to index
        %get3A_261 = arith.constant 96 : index
        %get3A_262 = tpu.vector_load %arg12[%get3A_260, %get3A_261] {strides = array<i32>} : memref<256x128xf32, #tpu.memory_space<vmem>>, vector<16xf32>,
        %max3A_263 = arith.maximumf %get3A_259, %get3A_262 : vector<16xf32>
        %swap3A_264 = arith.index_cast %squeeze3A_198 : i32 to index
        %swap3A_265 = arith.constant 96 : index
        %swap3A_266 = tpu.vector_load %arg14[%swap3A_264, %swap3A_265] {strides = array<i32>} : memref<321x128xf32, #tpu.memory_space<vmem>>, vector<16xf32>,
        tpu.vector_store %arg14[%swap3A_264, %swap3A_265], %max3A_263 {strides = array<i32>} : memref<321x128xf32, #tpu.memory_space<vmem>>, vector<16xf32>,
        %get3A_267 = arith.index_cast %squeeze3A_198 : i32 to index
        %get3A_268 = arith.constant 112 : index
        %get3A_269 = tpu.vector_load %arg14[%get3A_267, %get3A_268] {strides = array<i32>} : memref<321x128xf32, #tpu.memory_space<vmem>>, vector<16xf32>,
        %get3A_270 = arith.index_cast %scan3A_194 : i32 to index
        %get3A_271 = arith.constant 112 : index
        %get3A_272 = tpu.vector_load %arg12[%get3A_270, %get3A_271] {strides = array<i32>} : memref<256x128xf32, #tpu.memory_space<vmem>>, vector<16xf32>,
        %max3A_273 = arith.maximumf %get3A_269, %get3A_272 : vector<16xf32>
        %swap3A_274 = arith.index_cast %squeeze3A_198 : i32 to index
        %swap3A_275 = arith.constant 112 : index
        %swap3A_276 = tpu.vector_load %arg14[%swap3A_274, %swap3A_275] {strides = array<i32>} : memref<321x128xf32, #tpu.memory_space<vmem>>, vector<16xf32>,
        tpu.vector_store %arg14[%swap3A_274, %swap3A_275], %max3A_273 {strides = array<i32>} : memref<321x128xf32, #tpu.memory_space<vmem>>, vector<16xf32>,
      }
      %scan3A_129 = arith.constant 256 : i32
      %mul3A_130 = arith.constant 2 : i32
      %mul3A_131 = arith.muli %mul3A_130, %while3A_117 : i32
      %add3A_132 = arith.constant 2 : i32
      %add3A_133 = arith.addi %mul3A_131, %add3A_132 : i32
      %mul3A_134 = arith.constant 321024 : i32
      %mul3A_135 = arith.muli %add3A, %mul3A_134 : i32
      %mul3A_136 = arith.constant 256 : i32
      %mul3A_137 = arith.muli %add3A_133, %mul3A_136 : i32
      %add3A_138 = arith.addi %mul3A_135, %mul3A_137 : i32
      %multiple_of3A_139 = tpu.assume_multiple %add3A_138, 256 : i32
      "tpu.region"() ({
        %run_scoped3A = tpu.sem_alloc : memref<!tpu.dma_semaphore, #tpu.memory_space<semaphore_mem>>
        %dma_start3A_194 = arith.constant 0 : i32
        %dma_start3A_195 = tpu.memref_slice %arg7[%dma_start3A_194] : memref<272xi32, #tpu.memory_space<vmem>> -> memref<256xi32, #tpu.memory_space<vmem>>
        %dma_start3A_196 = tpu.memref_slice %arg3[%multiple_of3A_139] : memref<10272768xi32, #tpu.memory_space<hbm>> -> memref<256xi32, #tpu.memory_space<hbm>>
        %dma_start3A_197 = arith.constant 0 : i32
        %dma_start3A_198 = tpu.memref_slice %arg7[%dma_start3A_197] : memref<272xi32, #tpu.memory_space<vmem>> -> memref<256xi32, #tpu.memory_space<vmem>>
        %dma_start3A_199 = tpu.memref_slice %arg3[%multiple_of3A_139] : memref<10272768xi32, #tpu.memory_space<hbm>> -> memref<256xi32, #tpu.memory_space<hbm>>
        tpu.enqueue_dma source(%dma_start3A_199 : memref<256xi32, #tpu.memory_space<hbm>>) target(%dma_start3A_198 : memref<256xi32, #tpu.memory_space<vmem>>) target_semaphore(%run_scoped3A : memref<!tpu.dma_semaphore, #tpu.memory_space<semaphore_mem>>)
        %dma_wait3A_200 = arith.constant 0 : i32
        %dma_wait3A_201 = tpu.memref_slice %arg7[%dma_wait3A_200] : memref<272xi32, #tpu.memory_space<vmem>> -> memref<256xi32, #tpu.memory_space<vmem>>
        %dma_wait3A_202 = tpu.memref_slice %arg3[%multiple_of3A_139] : memref<10272768xi32, #tpu.memory_space<hbm>> -> memref<256xi32, #tpu.memory_space<hbm>>
        %dma_wait3A_203 = arith.constant 0 : i32
        %dma_wait3A_204 = tpu.memref_slice %arg7[%dma_wait3A_203] : memref<272xi32, #tpu.memory_space<vmem>> -> memref<256xi32, #tpu.memory_space<vmem>>
        %dma_wait3A_205 = tpu.memref_slice %arg3[%multiple_of3A_139] : memref<10272768xi32, #tpu.memory_space<hbm>> -> memref<256xi32, #tpu.memory_space<hbm>>
        tpu.wait_dma2 semaphore(%run_scoped3A : memref<!tpu.dma_semaphore, #tpu.memory_space<semaphore_mem>>) src(%dma_wait3A_205 : memref<256xi32, #tpu.memory_space<hbm>>) dst(%dma_wait3A_204 : memref<256xi32, #tpu.memory_space<vmem>>)
        tpu.yield
      }) : () -> ()
      "tpu.region"() ({
        %run_scoped3A = tpu.sem_alloc : memref<!tpu.dma_semaphore, #tpu.memory_space<semaphore_mem>>
        %dma_start3A_194 = tpu.memref_slice %arg4[%multiple_of3A_139] : memref<10272768xi32, #tpu.memory_space<hbm>> -> memref<256xi32, #tpu.memory_space<hbm>>
        %dma_start3A_195 = tpu.memref_slice %arg4[%multiple_of3A_139] : memref<10272768xi32, #tpu.memory_space<hbm>> -> memref<256xi32, #tpu.memory_space<hbm>>
        tpu.enqueue_dma source(%dma_start3A_195 : memref<256xi32, #tpu.memory_space<hbm>>) target(%arg9 : memref<256xi32, #tpu.memory_space<vmem>>) target_semaphore(%run_scoped3A : memref<!tpu.dma_semaphore, #tpu.memory_space<semaphore_mem>>)
        %dma_wait3A_196 = tpu.memref_slice %arg4[%multiple_of3A_139] : memref<10272768xi32, #tpu.memory_space<hbm>> -> memref<256xi32, #tpu.memory_space<hbm>>
        %dma_wait3A_197 = tpu.memref_slice %arg4[%multiple_of3A_139] : memref<10272768xi32, #tpu.memory_space<hbm>> -> memref<256xi32, #tpu.memory_space<hbm>>
        tpu.wait_dma2 semaphore(%run_scoped3A : memref<!tpu.dma_semaphore, #tpu.memory_space<semaphore_mem>>) src(%dma_wait3A_197 : memref<256xi32, #tpu.memory_space<hbm>>) dst(%arg9 : memref<256xi32, #tpu.memory_space<vmem>>)
        tpu.yield
      }) : () -> ()
      %dma_start3A_140 = arith.constant 0 : i32
      %dma_start3A_141 = arith.constant 0 : i32
      %dma_start3A_142 = tpu.memref_slice %arg12[%dma_start3A_140, %dma_start3A_141] : memref<256x128xf32, #tpu.memory_space<vmem>> -> memref<128x128xf32, #tpu.memory_space<vmem>>
      %dma_start3A_143 = arith.constant 0 : i32
      %dma_start3A_144 = tpu.memref_slice %arg9[%dma_start3A_143] : memref<256xi32, #tpu.memory_space<vmem>> -> memref<128xi32, #tpu.memory_space<vmem>>
      %dma_start3A_145 = arith.constant 0 : i32
      %dma_start3A_146 = arith.constant 0 : i32
      %dma_start3A_147 = tpu.memref_slice %arg2[%dma_start3A_145, %dma_start3A_146] : memref<320000x128xf32, #tpu.memory_space<hbm>> -> memref<320000x128xf32, #tpu.memory_space<hbm>>
      tpu.enqueue_indirect_dma source(%dma_start3A_147 : memref<320000x128xf32, #tpu.memory_space<hbm>>) target(%dma_start3A_142 : memref<128x128xf32, #tpu.memory_space<vmem>>) offsets(%dma_start3A_144 : memref<128xi32, #tpu.memory_space<vmem>>) semaphore(%arg15 : memref<!tpu.dma_semaphore, #tpu.memory_space<semaphore_mem>>)
      %dma_start3A_148 = arith.constant 128 : i32
      %dma_start3A_149 = arith.constant 0 : i32
      %dma_start3A_150 = tpu.memref_slice %arg12[%dma_start3A_148, %dma_start3A_149] : memref<256x128xf32, #tpu.memory_space<vmem>> -> memref<128x128xf32, #tpu.memory_space<vmem>>
      %dma_start3A_151 = arith.constant 128 : i32
      %dma_start3A_152 = tpu.memref_slice %arg9[%dma_start3A_151] : memref<256xi32, #tpu.memory_space<vmem>> -> memref<128xi32, #tpu.memory_space<vmem>>
      %dma_start3A_153 = arith.constant 0 : i32
      %dma_start3A_154 = arith.constant 0 : i32
      %dma_start3A_155 = tpu.memref_slice %arg2[%dma_start3A_153, %dma_start3A_154] : memref<320000x128xf32, #tpu.memory_space<hbm>> -> memref<320000x128xf32, #tpu.memory_space<hbm>>
      tpu.enqueue_indirect_dma source(%dma_start3A_155 : memref<320000x128xf32, #tpu.memory_space<hbm>>) target(%dma_start3A_150 : memref<128x128xf32, #tpu.memory_space<vmem>>) offsets(%dma_start3A_152 : memref<128xi32, #tpu.memory_space<vmem>>) semaphore(%arg15 : memref<!tpu.dma_semaphore, #tpu.memory_space<semaphore_mem>>)
      %dma_wait3A_156 = arith.constant 0 : i32
      %dma_wait3A_157 = arith.constant 0 : i32
      %dma_wait3A_158 = tpu.memref_slice %arg2[%dma_wait3A_156, %dma_wait3A_157] : memref<320000x128xf32, #tpu.memory_space<hbm>> -> memref<256x128xf32, #tpu.memory_space<hbm>>
      %dma_wait3A_159 = arith.constant 0 : i32
      %dma_wait3A_160 = arith.constant 0 : i32
      %dma_wait3A_161 = tpu.memref_slice %arg2[%dma_wait3A_159, %dma_wait3A_160] : memref<320000x128xf32, #tpu.memory_space<hbm>> -> memref<256x128xf32, #tpu.memory_space<hbm>>
      tpu.wait_dma2 semaphore(%arg16 : memref<!tpu.dma_semaphore, #tpu.memory_space<semaphore_mem>>) src(%dma_wait3A_161 : memref<256x128xf32, #tpu.memory_space<hbm>>) dst(%arg13 : memref<256x128xf32, #tpu.memory_space<vmem>>)
      %scan3A_162 = arith.constant 0 : i32
      %scan3A_163 = arith.constant 0 : i32
      %scan3A_164 = arith.constant 256 : i32
      %scan3A_165 = arith.addi %scan3A_163, %scan3A_164 : i32
      %scan3A_166 = arith.constant 1 : i32
      scf.for %scan3A_194 = %scan3A_163 to %scan3A_165 step %scan3A_166  : i32 {
        %get3A_195 = arith.index_cast %scan3A_194 : i32 to index
        %get3A_196 = tpu.vector_load %arg8[%get3A_195] {strides = array<i32>} : memref<272xi32, #tpu.memory_space<vmem>>, vector<16xi32>,
        %slice3A_197 = vector.extract_strided_slice %get3A_196 {offsets = [0], sizes = [1], strides = [1]} : vector<16xi32> to vector<1xi32>
        %squeeze3A_198 = vector.extract %slice3A_197[0] : i32 from vector<1xi32>
        %get3A_199 = arith.index_cast %squeeze3A_198 : i32 to index
        %get3A_200 = arith.constant 0 : index
        %get3A_201 = tpu.vector_load %arg14[%get3A_199, %get3A_200] {strides = array<i32>} : memref<321x128xf32, #tpu.memory_space<vmem>>, vector<16xf32>,
        %get3A_202 = arith.index_cast %scan3A_194 : i32 to index
        %get3A_203 = arith.constant 0 : index
        %get3A_204 = tpu.vector_load %arg13[%get3A_202, %get3A_203] {strides = array<i32>} : memref<256x128xf32, #tpu.memory_space<vmem>>, vector<16xf32>,
        %max3A = arith.maximumf %get3A_201, %get3A_204 : vector<16xf32>
        %swap3A = arith.index_cast %squeeze3A_198 : i32 to index
        %swap3A_205 = arith.constant 0 : index
        %swap3A_206 = tpu.vector_load %arg14[%swap3A, %swap3A_205] {strides = array<i32>} : memref<321x128xf32, #tpu.memory_space<vmem>>, vector<16xf32>,
        tpu.vector_store %arg14[%swap3A, %swap3A_205], %max3A {strides = array<i32>} : memref<321x128xf32, #tpu.memory_space<vmem>>, vector<16xf32>,
        %get3A_207 = arith.index_cast %squeeze3A_198 : i32 to index
        %get3A_208 = arith.constant 16 : index
        %get3A_209 = tpu.vector_load %arg14[%get3A_207, %get3A_208] {strides = array<i32>} : memref<321x128xf32, #tpu.memory_space<vmem>>, vector<16xf32>,
        %get3A_210 = arith.index_cast %scan3A_194 : i32 to index
        %get3A_211 = arith.constant 16 : index
        %get3A_212 = tpu.vector_load %arg13[%get3A_210, %get3A_211] {strides = array<i32>} : memref<256x128xf32, #tpu.memory_space<vmem>>, vector<16xf32>,
        %max3A_213 = arith.maximumf %get3A_209, %get3A_212 : vector<16xf32>
        %swap3A_214 = arith.index_cast %squeeze3A_198 : i32 to index
        %swap3A_215 = arith.constant 16 : index
        %swap3A_216 = tpu.vector_load %arg14[%swap3A_214, %swap3A_215] {strides = array<i32>} : memref<321x128xf32, #tpu.memory_space<vmem>>, vector<16xf32>,
        tpu.vector_store %arg14[%swap3A_214, %swap3A_215], %max3A_213 {strides = array<i32>} : memref<321x128xf32, #tpu.memory_space<vmem>>, vector<16xf32>,
        %get3A_217 = arith.index_cast %squeeze3A_198 : i32 to index
        %get3A_218 = arith.constant 32 : index
        %get3A_219 = tpu.vector_load %arg14[%get3A_217, %get3A_218] {strides = array<i32>} : memref<321x128xf32, #tpu.memory_space<vmem>>, vector<16xf32>,
        %get3A_220 = arith.index_cast %scan3A_194 : i32 to index
        %get3A_221 = arith.constant 32 : index
        %get3A_222 = tpu.vector_load %arg13[%get3A_220, %get3A_221] {strides = array<i32>} : memref<256x128xf32, #tpu.memory_space<vmem>>, vector<16xf32>,
        %max3A_223 = arith.maximumf %get3A_219, %get3A_222 : vector<16xf32>
        %swap3A_224 = arith.index_cast %squeeze3A_198 : i32 to index
        %swap3A_225 = arith.constant 32 : index
        %swap3A_226 = tpu.vector_load %arg14[%swap3A_224, %swap3A_225] {strides = array<i32>} : memref<321x128xf32, #tpu.memory_space<vmem>>, vector<16xf32>,
        tpu.vector_store %arg14[%swap3A_224, %swap3A_225], %max3A_223 {strides = array<i32>} : memref<321x128xf32, #tpu.memory_space<vmem>>, vector<16xf32>,
        %get3A_227 = arith.index_cast %squeeze3A_198 : i32 to index
        %get3A_228 = arith.constant 48 : index
        %get3A_229 = tpu.vector_load %arg14[%get3A_227, %get3A_228] {strides = array<i32>} : memref<321x128xf32, #tpu.memory_space<vmem>>, vector<16xf32>,
        %get3A_230 = arith.index_cast %scan3A_194 : i32 to index
        %get3A_231 = arith.constant 48 : index
        %get3A_232 = tpu.vector_load %arg13[%get3A_230, %get3A_231] {strides = array<i32>} : memref<256x128xf32, #tpu.memory_space<vmem>>, vector<16xf32>,
        %max3A_233 = arith.maximumf %get3A_229, %get3A_232 : vector<16xf32>
        %swap3A_234 = arith.index_cast %squeeze3A_198 : i32 to index
        %swap3A_235 = arith.constant 48 : index
        %swap3A_236 = tpu.vector_load %arg14[%swap3A_234, %swap3A_235] {strides = array<i32>} : memref<321x128xf32, #tpu.memory_space<vmem>>, vector<16xf32>,
        tpu.vector_store %arg14[%swap3A_234, %swap3A_235], %max3A_233 {strides = array<i32>} : memref<321x128xf32, #tpu.memory_space<vmem>>, vector<16xf32>,
        %get3A_237 = arith.index_cast %squeeze3A_198 : i32 to index
        %get3A_238 = arith.constant 64 : index
        %get3A_239 = tpu.vector_load %arg14[%get3A_237, %get3A_238] {strides = array<i32>} : memref<321x128xf32, #tpu.memory_space<vmem>>, vector<16xf32>,
        %get3A_240 = arith.index_cast %scan3A_194 : i32 to index
        %get3A_241 = arith.constant 64 : index
        %get3A_242 = tpu.vector_load %arg13[%get3A_240, %get3A_241] {strides = array<i32>} : memref<256x128xf32, #tpu.memory_space<vmem>>, vector<16xf32>,
        %max3A_243 = arith.maximumf %get3A_239, %get3A_242 : vector<16xf32>
        %swap3A_244 = arith.index_cast %squeeze3A_198 : i32 to index
        %swap3A_245 = arith.constant 64 : index
        %swap3A_246 = tpu.vector_load %arg14[%swap3A_244, %swap3A_245] {strides = array<i32>} : memref<321x128xf32, #tpu.memory_space<vmem>>, vector<16xf32>,
        tpu.vector_store %arg14[%swap3A_244, %swap3A_245], %max3A_243 {strides = array<i32>} : memref<321x128xf32, #tpu.memory_space<vmem>>, vector<16xf32>,
        %get3A_247 = arith.index_cast %squeeze3A_198 : i32 to index
        %get3A_248 = arith.constant 80 : index
        %get3A_249 = tpu.vector_load %arg14[%get3A_247, %get3A_248] {strides = array<i32>} : memref<321x128xf32, #tpu.memory_space<vmem>>, vector<16xf32>,
        %get3A_250 = arith.index_cast %scan3A_194 : i32 to index
        %get3A_251 = arith.constant 80 : index
        %get3A_252 = tpu.vector_load %arg13[%get3A_250, %get3A_251] {strides = array<i32>} : memref<256x128xf32, #tpu.memory_space<vmem>>, vector<16xf32>,
        %max3A_253 = arith.maximumf %get3A_249, %get3A_252 : vector<16xf32>
        %swap3A_254 = arith.index_cast %squeeze3A_198 : i32 to index
        %swap3A_255 = arith.constant 80 : index
        %swap3A_256 = tpu.vector_load %arg14[%swap3A_254, %swap3A_255] {strides = array<i32>} : memref<321x128xf32, #tpu.memory_space<vmem>>, vector<16xf32>,
        tpu.vector_store %arg14[%swap3A_254, %swap3A_255], %max3A_253 {strides = array<i32>} : memref<321x128xf32, #tpu.memory_space<vmem>>, vector<16xf32>,
        %get3A_257 = arith.index_cast %squeeze3A_198 : i32 to index
        %get3A_258 = arith.constant 96 : index
        %get3A_259 = tpu.vector_load %arg14[%get3A_257, %get3A_258] {strides = array<i32>} : memref<321x128xf32, #tpu.memory_space<vmem>>, vector<16xf32>,
        %get3A_260 = arith.index_cast %scan3A_194 : i32 to index
        %get3A_261 = arith.constant 96 : index
        %get3A_262 = tpu.vector_load %arg13[%get3A_260, %get3A_261] {strides = array<i32>} : memref<256x128xf32, #tpu.memory_space<vmem>>, vector<16xf32>,
        %max3A_263 = arith.maximumf %get3A_259, %get3A_262 : vector<16xf32>
        %swap3A_264 = arith.index_cast %squeeze3A_198 : i32 to index
        %swap3A_265 = arith.constant 96 : index
        %swap3A_266 = tpu.vector_load %arg14[%swap3A_264, %swap3A_265] {strides = array<i32>} : memref<321x128xf32, #tpu.memory_space<vmem>>, vector<16xf32>,
        tpu.vector_store %arg14[%swap3A_264, %swap3A_265], %max3A_263 {strides = array<i32>} : memref<321x128xf32, #tpu.memory_space<vmem>>, vector<16xf32>,
        %get3A_267 = arith.index_cast %squeeze3A_198 : i32 to index
        %get3A_268 = arith.constant 112 : index
        %get3A_269 = tpu.vector_load %arg14[%get3A_267, %get3A_268] {strides = array<i32>} : memref<321x128xf32, #tpu.memory_space<vmem>>, vector<16xf32>,
        %get3A_270 = arith.index_cast %scan3A_194 : i32 to index
        %get3A_271 = arith.constant 112 : index
        %get3A_272 = tpu.vector_load %arg13[%get3A_270, %get3A_271] {strides = array<i32>} : memref<256x128xf32, #tpu.memory_space<vmem>>, vector<16xf32>,
        %max3A_273 = arith.maximumf %get3A_269, %get3A_272 : vector<16xf32>
        %swap3A_274 = arith.index_cast %squeeze3A_198 : i32 to index
        %swap3A_275 = arith.constant 112 : index
        %swap3A_276 = tpu.vector_load %arg14[%swap3A_274, %swap3A_275] {strides = array<i32>} : memref<321x128xf32, #tpu.memory_space<vmem>>, vector<16xf32>,
        tpu.vector_store %arg14[%swap3A_274, %swap3A_275], %max3A_273 {strides = array<i32>} : memref<321x128xf32, #tpu.memory_space<vmem>>, vector<16xf32>,
      }
      %scan3A_167 = arith.constant 256 : i32
      %mul3A_168 = arith.constant 2 : i32
      %mul3A_169 = arith.muli %mul3A_168, %while3A_117 : i32
      %add3A_170 = arith.constant 3 : i32
      %add3A_171 = arith.addi %mul3A_169, %add3A_170 : i32
      %mul3A_172 = arith.constant 321024 : i32
      %mul3A_173 = arith.muli %add3A, %mul3A_172 : i32
      %mul3A_174 = arith.constant 256 : i32
      %mul3A_175 = arith.muli %add3A_171, %mul3A_174 : i32
      %add3A_176 = arith.addi %mul3A_173, %mul3A_175 : i32
      %multiple_of3A_177 = tpu.assume_multiple %add3A_176, 256 : i32
      "tpu.region"() ({
        %run_scoped3A = tpu.sem_alloc : memref<!tpu.dma_semaphore, #tpu.memory_space<semaphore_mem>>
        %dma_start3A_194 = arith.constant 0 : i32
        %dma_start3A_195 = tpu.memref_slice %arg8[%dma_start3A_194] : memref<272xi32, #tpu.memory_space<vmem>> -> memref<256xi32, #tpu.memory_space<vmem>>
        %dma_start3A_196 = tpu.memref_slice %arg3[%multiple_of3A_177] : memref<10272768xi32, #tpu.memory_space<hbm>> -> memref<256xi32, #tpu.memory_space<hbm>>
        %dma_start3A_197 = arith.constant 0 : i32
        %dma_start3A_198 = tpu.memref_slice %arg8[%dma_start3A_197] : memref<272xi32, #tpu.memory_space<vmem>> -> memref<256xi32, #tpu.memory_space<vmem>>
        %dma_start3A_199 = tpu.memref_slice %arg3[%multiple_of3A_177] : memref<10272768xi32, #tpu.memory_space<hbm>> -> memref<256xi32, #tpu.memory_space<hbm>>
        tpu.enqueue_dma source(%dma_start3A_199 : memref<256xi32, #tpu.memory_space<hbm>>) target(%dma_start3A_198 : memref<256xi32, #tpu.memory_space<vmem>>) target_semaphore(%run_scoped3A : memref<!tpu.dma_semaphore, #tpu.memory_space<semaphore_mem>>)
        %dma_wait3A_200 = arith.constant 0 : i32
        %dma_wait3A_201 = tpu.memref_slice %arg8[%dma_wait3A_200] : memref<272xi32, #tpu.memory_space<vmem>> -> memref<256xi32, #tpu.memory_space<vmem>>
        %dma_wait3A_202 = tpu.memref_slice %arg3[%multiple_of3A_177] : memref<10272768xi32, #tpu.memory_space<hbm>> -> memref<256xi32, #tpu.memory_space<hbm>>
        %dma_wait3A_203 = arith.constant 0 : i32
        %dma_wait3A_204 = tpu.memref_slice %arg8[%dma_wait3A_203] : memref<272xi32, #tpu.memory_space<vmem>> -> memref<256xi32, #tpu.memory_space<vmem>>
        %dma_wait3A_205 = tpu.memref_slice %arg3[%multiple_of3A_177] : memref<10272768xi32, #tpu.memory_space<hbm>> -> memref<256xi32, #tpu.memory_space<hbm>>
        tpu.wait_dma2 semaphore(%run_scoped3A : memref<!tpu.dma_semaphore, #tpu.memory_space<semaphore_mem>>) src(%dma_wait3A_205 : memref<256xi32, #tpu.memory_space<hbm>>) dst(%dma_wait3A_204 : memref<256xi32, #tpu.memory_space<vmem>>)
        tpu.yield
      }) : () -> ()
      "tpu.region"() ({
        %run_scoped3A = tpu.sem_alloc : memref<!tpu.dma_semaphore, #tpu.memory_space<semaphore_mem>>
        %dma_start3A_194 = tpu.memref_slice %arg4[%multiple_of3A_177] : memref<10272768xi32, #tpu.memory_space<hbm>> -> memref<256xi32, #tpu.memory_space<hbm>>
        %dma_start3A_195 = tpu.memref_slice %arg4[%multiple_of3A_177] : memref<10272768xi32, #tpu.memory_space<hbm>> -> memref<256xi32, #tpu.memory_space<hbm>>
        tpu.enqueue_dma source(%dma_start3A_195 : memref<256xi32, #tpu.memory_space<hbm>>) target(%arg10 : memref<256xi32, #tpu.memory_space<vmem>>) target_semaphore(%run_scoped3A : memref<!tpu.dma_semaphore, #tpu.memory_space<semaphore_mem>>)
        %dma_wait3A_196 = tpu.memref_slice %arg4[%multiple_of3A_177] : memref<10272768xi32, #tpu.memory_space<hbm>> -> memref<256xi32, #tpu.memory_space<hbm>>
        %dma_wait3A_197 = tpu.memref_slice %arg4[%multiple_of3A_177] : memref<10272768xi32, #tpu.memory_space<hbm>> -> memref<256xi32, #tpu.memory_space<hbm>>
        tpu.wait_dma2 semaphore(%run_scoped3A : memref<!tpu.dma_semaphore, #tpu.memory_space<semaphore_mem>>) src(%dma_wait3A_197 : memref<256xi32, #tpu.memory_space<hbm>>) dst(%arg10 : memref<256xi32, #tpu.memory_space<vmem>>)
        tpu.yield
      }) : () -> ()
      %dma_start3A_178 = arith.constant 0 : i32
      %dma_start3A_179 = arith.constant 0 : i32
      %dma_start3A_180 = tpu.memref_slice %arg13[%dma_start3A_178, %dma_start3A_179] : memref<256x128xf32, #tpu.memory_space<vmem>> -> memref<128x128xf32, #tpu.memory_space<vmem>>
      %dma_start3A_181 = arith.constant 0 : i32
      %dma_start3A_182 = tpu.memref_slice %arg10[%dma_start3A_181] : memref<256xi32, #tpu.memory_space<vmem>> -> memref<128xi32, #tpu.memory_space<vmem>>
      %dma_start3A_183 = arith.constant 0 : i32
      %dma_start3A_184 = arith.constant 0 : i32
      %dma_start3A_185 = tpu.memref_slice %arg2[%dma_start3A_183, %dma_start3A_184] : memref<320000x128xf32, #tpu.memory_space<hbm>> -> memref<320000x128xf32, #tpu.memory_space<hbm>>
      tpu.enqueue_indirect_dma source(%dma_start3A_185 : memref<320000x128xf32, #tpu.memory_space<hbm>>) target(%dma_start3A_180 : memref<128x128xf32, #tpu.memory_space<vmem>>) offsets(%dma_start3A_182 : memref<128xi32, #tpu.memory_space<vmem>>) semaphore(%arg16 : memref<!tpu.dma_semaphore, #tpu.memory_space<semaphore_mem>>)
      %dma_start3A_186 = arith.constant 128 : i32
      %dma_start3A_187 = arith.constant 0 : i32
      %dma_start3A_188 = tpu.memref_slice %arg13[%dma_start3A_186, %dma_start3A_187] : memref<256x128xf32, #tpu.memory_space<vmem>> -> memref<128x128xf32, #tpu.memory_space<vmem>>
      %dma_start3A_189 = arith.constant 128 : i32
      %dma_start3A_190 = tpu.memref_slice %arg10[%dma_start3A_189] : memref<256xi32, #tpu.memory_space<vmem>> -> memref<128xi32, #tpu.memory_space<vmem>>
      %dma_start3A_191 = arith.constant 0 : i32
      %dma_start3A_192 = arith.constant 0 : i32
      %dma_start3A_193 = tpu.memref_slice %arg2[%dma_start3A_191, %dma_start3A_192] : memref<320000x128xf32, #tpu.memory_space<hbm>> -> memref<320000x128xf32, #tpu.memory_space<hbm>>
      tpu.enqueue_indirect_dma source(%dma_start3A_193 : memref<320000x128xf32, #tpu.memory_space<hbm>>) target(%dma_start3A_188 : memref<128x128xf32, #tpu.memory_space<vmem>>) offsets(%dma_start3A_190 : memref<128xi32, #tpu.memory_space<vmem>>) semaphore(%arg16 : memref<!tpu.dma_semaphore, #tpu.memory_space<semaphore_mem>>)
    }
    %while3A_105 = arith.constant 1 : i32
    scf.for %while3A_117 = %while3A_103 to %while3A_99 step %while3A_105  : i32 {
      %dma_wait3A_118 = arith.constant 0 : i32
      %dma_wait3A_119 = arith.constant 0 : i32
      %dma_wait3A_120 = tpu.memref_slice %arg2[%dma_wait3A_118, %dma_wait3A_119] : memref<320000x128xf32, #tpu.memory_space<hbm>> -> memref<256x128xf32, #tpu.memory_space<hbm>>
      %dma_wait3A_121 = arith.constant 0 : i32
      %dma_wait3A_122 = arith.constant 0 : i32
      %dma_wait3A_123 = tpu.memref_slice %arg2[%dma_wait3A_121, %dma_wait3A_122] : memref<320000x128xf32, #tpu.memory_space<hbm>> -> memref<256x128xf32, #tpu.memory_space<hbm>>
      tpu.wait_dma2 semaphore(%arg15 : memref<!tpu.dma_semaphore, #tpu.memory_space<semaphore_mem>>) src(%dma_wait3A_123 : memref<256x128xf32, #tpu.memory_space<hbm>>) dst(%arg12 : memref<256x128xf32, #tpu.memory_space<vmem>>)
      %scan3A_124 = arith.constant 0 : i32
      %scan3A_125 = arith.constant 0 : i32
      %scan3A_126 = arith.constant 256 : i32
      %scan3A_127 = arith.addi %scan3A_125, %scan3A_126 : i32
      %scan3A_128 = arith.constant 1 : i32
      scf.for %scan3A_194 = %scan3A_125 to %scan3A_127 step %scan3A_128  : i32 {
        %get3A_195 = arith.index_cast %scan3A_194 : i32 to index
        %get3A_196 = tpu.vector_load %arg7[%get3A_195] {strides = array<i32>} : memref<272xi32, #tpu.memory_space<vmem>>, vector<16xi32>,
        %slice3A_197 = vector.extract_strided_slice %get3A_196 {offsets = [0], sizes = [1], strides = [1]} : vector<16xi32> to vector<1xi32>
        %squeeze3A_198 = vector.extract %slice3A_197[0] : i32 from vector<1xi32>
        %get3A_199 = arith.index_cast %squeeze3A_198 : i32 to index
        %get3A_200 = arith.constant 0 : index
        %get3A_201 = tpu.vector_load %arg14[%get3A_199, %get3A_200] {strides = array<i32>} : memref<321x128xf32, #tpu.memory_space<vmem>>, vector<16xf32>,
        %get3A_202 = arith.index_cast %scan3A_194 : i32 to index
        %get3A_203 = arith.constant 0 : index
        %get3A_204 = tpu.vector_load %arg12[%get3A_202, %get3A_203] {strides = array<i32>} : memref<256x128xf32, #tpu.memory_space<vmem>>, vector<16xf32>,
        %max3A = arith.maximumf %get3A_201, %get3A_204 : vector<16xf32>
        %swap3A = arith.index_cast %squeeze3A_198 : i32 to index
        %swap3A_205 = arith.constant 0 : index
        %swap3A_206 = tpu.vector_load %arg14[%swap3A, %swap3A_205] {strides = array<i32>} : memref<321x128xf32, #tpu.memory_space<vmem>>, vector<16xf32>,
        tpu.vector_store %arg14[%swap3A, %swap3A_205], %max3A {strides = array<i32>} : memref<321x128xf32, #tpu.memory_space<vmem>>, vector<16xf32>,
        %get3A_207 = arith.index_cast %squeeze3A_198 : i32 to index
        %get3A_208 = arith.constant 16 : index
        %get3A_209 = tpu.vector_load %arg14[%get3A_207, %get3A_208] {strides = array<i32>} : memref<321x128xf32, #tpu.memory_space<vmem>>, vector<16xf32>,
        %get3A_210 = arith.index_cast %scan3A_194 : i32 to index
        %get3A_211 = arith.constant 16 : index
        %get3A_212 = tpu.vector_load %arg12[%get3A_210, %get3A_211] {strides = array<i32>} : memref<256x128xf32, #tpu.memory_space<vmem>>, vector<16xf32>,
        %max3A_213 = arith.maximumf %get3A_209, %get3A_212 : vector<16xf32>
        %swap3A_214 = arith.index_cast %squeeze3A_198 : i32 to index
        %swap3A_215 = arith.constant 16 : index
        %swap3A_216 = tpu.vector_load %arg14[%swap3A_214, %swap3A_215] {strides = array<i32>} : memref<321x128xf32, #tpu.memory_space<vmem>>, vector<16xf32>,
        tpu.vector_store %arg14[%swap3A_214, %swap3A_215], %max3A_213 {strides = array<i32>} : memref<321x128xf32, #tpu.memory_space<vmem>>, vector<16xf32>,
        %get3A_217 = arith.index_cast %squeeze3A_198 : i32 to index
        %get3A_218 = arith.constant 32 : index
        %get3A_219 = tpu.vector_load %arg14[%get3A_217, %get3A_218] {strides = array<i32>} : memref<321x128xf32, #tpu.memory_space<vmem>>, vector<16xf32>,
        %get3A_220 = arith.index_cast %scan3A_194 : i32 to index
        %get3A_221 = arith.constant 32 : index
        %get3A_222 = tpu.vector_load %arg12[%get3A_220, %get3A_221] {strides = array<i32>} : memref<256x128xf32, #tpu.memory_space<vmem>>, vector<16xf32>,
        %max3A_223 = arith.maximumf %get3A_219, %get3A_222 : vector<16xf32>
        %swap3A_224 = arith.index_cast %squeeze3A_198 : i32 to index
        %swap3A_225 = arith.constant 32 : index
        %swap3A_226 = tpu.vector_load %arg14[%swap3A_224, %swap3A_225] {strides = array<i32>} : memref<321x128xf32, #tpu.memory_space<vmem>>, vector<16xf32>,
        tpu.vector_store %arg14[%swap3A_224, %swap3A_225], %max3A_223 {strides = array<i32>} : memref<321x128xf32, #tpu.memory_space<vmem>>, vector<16xf32>,
        %get3A_227 = arith.index_cast %squeeze3A_198 : i32 to index
        %get3A_228 = arith.constant 48 : index
        %get3A_229 = tpu.vector_load %arg14[%get3A_227, %get3A_228] {strides = array<i32>} : memref<321x128xf32, #tpu.memory_space<vmem>>, vector<16xf32>,
        %get3A_230 = arith.index_cast %scan3A_194 : i32 to index
        %get3A_231 = arith.constant 48 : index
        %get3A_232 = tpu.vector_load %arg12[%get3A_230, %get3A_231] {strides = array<i32>} : memref<256x128xf32, #tpu.memory_space<vmem>>, vector<16xf32>,
        %max3A_233 = arith.maximumf %get3A_229, %get3A_232 : vector<16xf32>
        %swap3A_234 = arith.index_cast %squeeze3A_198 : i32 to index
        %swap3A_235 = arith.constant 48 : index
        %swap3A_236 = tpu.vector_load %arg14[%swap3A_234, %swap3A_235] {strides = array<i32>} : memref<321x128xf32, #tpu.memory_space<vmem>>, vector<16xf32>,
        tpu.vector_store %arg14[%swap3A_234, %swap3A_235], %max3A_233 {strides = array<i32>} : memref<321x128xf32, #tpu.memory_space<vmem>>, vector<16xf32>,
        %get3A_237 = arith.index_cast %squeeze3A_198 : i32 to index
        %get3A_238 = arith.constant 64 : index
        %get3A_239 = tpu.vector_load %arg14[%get3A_237, %get3A_238] {strides = array<i32>} : memref<321x128xf32, #tpu.memory_space<vmem>>, vector<16xf32>,
        %get3A_240 = arith.index_cast %scan3A_194 : i32 to index
        %get3A_241 = arith.constant 64 : index
        %get3A_242 = tpu.vector_load %arg12[%get3A_240, %get3A_241] {strides = array<i32>} : memref<256x128xf32, #tpu.memory_space<vmem>>, vector<16xf32>,
        %max3A_243 = arith.maximumf %get3A_239, %get3A_242 : vector<16xf32>
        %swap3A_244 = arith.index_cast %squeeze3A_198 : i32 to index
        %swap3A_245 = arith.constant 64 : index
        %swap3A_246 = tpu.vector_load %arg14[%swap3A_244, %swap3A_245] {strides = array<i32>} : memref<321x128xf32, #tpu.memory_space<vmem>>, vector<16xf32>,
        tpu.vector_store %arg14[%swap3A_244, %swap3A_245], %max3A_243 {strides = array<i32>} : memref<321x128xf32, #tpu.memory_space<vmem>>, vector<16xf32>,
        %get3A_247 = arith.index_cast %squeeze3A_198 : i32 to index
        %get3A_248 = arith.constant 80 : index
        %get3A_249 = tpu.vector_load %arg14[%get3A_247, %get3A_248] {strides = array<i32>} : memref<321x128xf32, #tpu.memory_space<vmem>>, vector<16xf32>,
        %get3A_250 = arith.index_cast %scan3A_194 : i32 to index
        %get3A_251 = arith.constant 80 : index
        %get3A_252 = tpu.vector_load %arg12[%get3A_250, %get3A_251] {strides = array<i32>} : memref<256x128xf32, #tpu.memory_space<vmem>>, vector<16xf32>,
        %max3A_253 = arith.maximumf %get3A_249, %get3A_252 : vector<16xf32>
        %swap3A_254 = arith.index_cast %squeeze3A_198 : i32 to index
        %swap3A_255 = arith.constant 80 : index
        %swap3A_256 = tpu.vector_load %arg14[%swap3A_254, %swap3A_255] {strides = array<i32>} : memref<321x128xf32, #tpu.memory_space<vmem>>, vector<16xf32>,
        tpu.vector_store %arg14[%swap3A_254, %swap3A_255], %max3A_253 {strides = array<i32>} : memref<321x128xf32, #tpu.memory_space<vmem>>, vector<16xf32>,
        %get3A_257 = arith.index_cast %squeeze3A_198 : i32 to index
        %get3A_258 = arith.constant 96 : index
        %get3A_259 = tpu.vector_load %arg14[%get3A_257, %get3A_258] {strides = array<i32>} : memref<321x128xf32, #tpu.memory_space<vmem>>, vector<16xf32>,
        %get3A_260 = arith.index_cast %scan3A_194 : i32 to index
        %get3A_261 = arith.constant 96 : index
        %get3A_262 = tpu.vector_load %arg12[%get3A_260, %get3A_261] {strides = array<i32>} : memref<256x128xf32, #tpu.memory_space<vmem>>, vector<16xf32>,
        %max3A_263 = arith.maximumf %get3A_259, %get3A_262 : vector<16xf32>
        %swap3A_264 = arith.index_cast %squeeze3A_198 : i32 to index
        %swap3A_265 = arith.constant 96 : index
        %swap3A_266 = tpu.vector_load %arg14[%swap3A_264, %swap3A_265] {strides = array<i32>} : memref<321x128xf32, #tpu.memory_space<vmem>>, vector<16xf32>,
        tpu.vector_store %arg14[%swap3A_264, %swap3A_265], %max3A_263 {strides = array<i32>} : memref<321x128xf32, #tpu.memory_space<vmem>>, vector<16xf32>,
        %get3A_267 = arith.index_cast %squeeze3A_198 : i32 to index
        %get3A_268 = arith.constant 112 : index
        %get3A_269 = tpu.vector_load %arg14[%get3A_267, %get3A_268] {strides = array<i32>} : memref<321x128xf32, #tpu.memory_space<vmem>>, vector<16xf32>,
        %get3A_270 = arith.index_cast %scan3A_194 : i32 to index
        %get3A_271 = arith.constant 112 : index
        %get3A_272 = tpu.vector_load %arg12[%get3A_270, %get3A_271] {strides = array<i32>} : memref<256x128xf32, #tpu.memory_space<vmem>>, vector<16xf32>,
        %max3A_273 = arith.maximumf %get3A_269, %get3A_272 : vector<16xf32>
        %swap3A_274 = arith.index_cast %squeeze3A_198 : i32 to index
        %swap3A_275 = arith.constant 112 : index
        %swap3A_276 = tpu.vector_load %arg14[%swap3A_274, %swap3A_275] {strides = array<i32>} : memref<321x128xf32, #tpu.memory_space<vmem>>, vector<16xf32>,
        tpu.vector_store %arg14[%swap3A_274, %swap3A_275], %max3A_273 {strides = array<i32>} : memref<321x128xf32, #tpu.memory_space<vmem>>, vector<16xf32>,
      }
      %scan3A_129 = arith.constant 256 : i32
      %mul3A_130 = arith.constant 2 : i32
      %mul3A_131 = arith.muli %mul3A_130, %while3A_117 : i32
      %add3A_132 = arith.constant 2 : i32
      %add3A_133 = arith.addi %mul3A_131, %add3A_132 : i32
      %mul3A_134 = arith.constant 321024 : i32
      %mul3A_135 = arith.muli %add3A, %mul3A_134 : i32
      %mul3A_136 = arith.constant 256 : i32
      %mul3A_137 = arith.muli %add3A_133, %mul3A_136 : i32
      %add3A_138 = arith.addi %mul3A_135, %mul3A_137 : i32
      %multiple_of3A_139 = tpu.assume_multiple %add3A_138, 256 : i32
      "tpu.region"() ({
        %run_scoped3A = tpu.sem_alloc : memref<!tpu.dma_semaphore, #tpu.memory_space<semaphore_mem>>
        %dma_start3A_194 = arith.constant 0 : i32
        %dma_start3A_195 = tpu.memref_slice %arg7[%dma_start3A_194] : memref<272xi32, #tpu.memory_space<vmem>> -> memref<256xi32, #tpu.memory_space<vmem>>
        %dma_start3A_196 = tpu.memref_slice %arg3[%multiple_of3A_139] : memref<10272768xi32, #tpu.memory_space<hbm>> -> memref<256xi32, #tpu.memory_space<hbm>>
        %dma_start3A_197 = arith.constant 0 : i32
        %dma_start3A_198 = tpu.memref_slice %arg7[%dma_start3A_197] : memref<272xi32, #tpu.memory_space<vmem>> -> memref<256xi32, #tpu.memory_space<vmem>>
        %dma_start3A_199 = tpu.memref_slice %arg3[%multiple_of3A_139] : memref<10272768xi32, #tpu.memory_space<hbm>> -> memref<256xi32, #tpu.memory_space<hbm>>
        tpu.enqueue_dma source(%dma_start3A_199 : memref<256xi32, #tpu.memory_space<hbm>>) target(%dma_start3A_198 : memref<256xi32, #tpu.memory_space<vmem>>) target_semaphore(%run_scoped3A : memref<!tpu.dma_semaphore, #tpu.memory_space<semaphore_mem>>)
        %dma_wait3A_200 = arith.constant 0 : i32
        %dma_wait3A_201 = tpu.memref_slice %arg7[%dma_wait3A_200] : memref<272xi32, #tpu.memory_space<vmem>> -> memref<256xi32, #tpu.memory_space<vmem>>
        %dma_wait3A_202 = tpu.memref_slice %arg3[%multiple_of3A_139] : memref<10272768xi32, #tpu.memory_space<hbm>> -> memref<256xi32, #tpu.memory_space<hbm>>
        %dma_wait3A_203 = arith.constant 0 : i32
        %dma_wait3A_204 = tpu.memref_slice %arg7[%dma_wait3A_203] : memref<272xi32, #tpu.memory_space<vmem>> -> memref<256xi32, #tpu.memory_space<vmem>>
        %dma_wait3A_205 = tpu.memref_slice %arg3[%multiple_of3A_139] : memref<10272768xi32, #tpu.memory_space<hbm>> -> memref<256xi32, #tpu.memory_space<hbm>>
        tpu.wait_dma2 semaphore(%run_scoped3A : memref<!tpu.dma_semaphore, #tpu.memory_space<semaphore_mem>>) src(%dma_wait3A_205 : memref<256xi32, #tpu.memory_space<hbm>>) dst(%dma_wait3A_204 : memref<256xi32, #tpu.memory_space<vmem>>)
        tpu.yield
      }) : () -> ()
      "tpu.region"() ({
        %run_scoped3A = tpu.sem_alloc : memref<!tpu.dma_semaphore, #tpu.memory_space<semaphore_mem>>
        %dma_start3A_194 = tpu.memref_slice %arg4[%multiple_of3A_139] : memref<10272768xi32, #tpu.memory_space<hbm>> -> memref<256xi32, #tpu.memory_space<hbm>>
        %dma_start3A_195 = tpu.memref_slice %arg4[%multiple_of3A_139] : memref<10272768xi32, #tpu.memory_space<hbm>> -> memref<256xi32, #tpu.memory_space<hbm>>
        tpu.enqueue_dma source(%dma_start3A_195 : memref<256xi32, #tpu.memory_space<hbm>>) target(%arg9 : memref<256xi32, #tpu.memory_space<vmem>>) target_semaphore(%run_scoped3A : memref<!tpu.dma_semaphore, #tpu.memory_space<semaphore_mem>>)
        %dma_wait3A_196 = tpu.memref_slice %arg4[%multiple_of3A_139] : memref<10272768xi32, #tpu.memory_space<hbm>> -> memref<256xi32, #tpu.memory_space<hbm>>
        %dma_wait3A_197 = tpu.memref_slice %arg4[%multiple_of3A_139] : memref<10272768xi32, #tpu.memory_space<hbm>> -> memref<256xi32, #tpu.memory_space<hbm>>
        tpu.wait_dma2 semaphore(%run_scoped3A : memref<!tpu.dma_semaphore, #tpu.memory_space<semaphore_mem>>) src(%dma_wait3A_197 : memref<256xi32, #tpu.memory_space<hbm>>) dst(%arg9 : memref<256xi32, #tpu.memory_space<vmem>>)
        tpu.yield
      }) : () -> ()
      %dma_start3A_140 = arith.constant 0 : i32
      %dma_start3A_141 = arith.constant 0 : i32
      %dma_start3A_142 = tpu.memref_slice %arg12[%dma_start3A_140, %dma_start3A_141] : memref<256x128xf32, #tpu.memory_space<vmem>> -> memref<128x128xf32, #tpu.memory_space<vmem>>
      %dma_start3A_143 = arith.constant 0 : i32
      %dma_start3A_144 = tpu.memref_slice %arg9[%dma_start3A_143] : memref<256xi32, #tpu.memory_space<vmem>> -> memref<128xi32, #tpu.memory_space<vmem>>
      %dma_start3A_145 = arith.constant 0 : i32
      %dma_start3A_146 = arith.constant 0 : i32
      %dma_start3A_147 = tpu.memref_slice %arg2[%dma_start3A_145, %dma_start3A_146] : memref<320000x128xf32, #tpu.memory_space<hbm>> -> memref<320000x128xf32, #tpu.memory_space<hbm>>
      tpu.enqueue_indirect_dma source(%dma_start3A_147 : memref<320000x128xf32, #tpu.memory_space<hbm>>) target(%dma_start3A_142 : memref<128x128xf32, #tpu.memory_space<vmem>>) offsets(%dma_start3A_144 : memref<128xi32, #tpu.memory_space<vmem>>) semaphore(%arg15 : memref<!tpu.dma_semaphore, #tpu.memory_space<semaphore_mem>>)
      %dma_start3A_148 = arith.constant 128 : i32
      %dma_start3A_149 = arith.constant 0 : i32
      %dma_start3A_150 = tpu.memref_slice %arg12[%dma_start3A_148, %dma_start3A_149] : memref<256x128xf32, #tpu.memory_space<vmem>> -> memref<128x128xf32, #tpu.memory_space<vmem>>
      %dma_start3A_151 = arith.constant 128 : i32
      %dma_start3A_152 = tpu.memref_slice %arg9[%dma_start3A_151] : memref<256xi32, #tpu.memory_space<vmem>> -> memref<128xi32, #tpu.memory_space<vmem>>
      %dma_start3A_153 = arith.constant 0 : i32
      %dma_start3A_154 = arith.constant 0 : i32
      %dma_start3A_155 = tpu.memref_slice %arg2[%dma_start3A_153, %dma_start3A_154] : memref<320000x128xf32, #tpu.memory_space<hbm>> -> memref<320000x128xf32, #tpu.memory_space<hbm>>
      tpu.enqueue_indirect_dma source(%dma_start3A_155 : memref<320000x128xf32, #tpu.memory_space<hbm>>) target(%dma_start3A_150 : memref<128x128xf32, #tpu.memory_space<vmem>>) offsets(%dma_start3A_152 : memref<128xi32, #tpu.memory_space<vmem>>) semaphore(%arg15 : memref<!tpu.dma_semaphore, #tpu.memory_space<semaphore_mem>>)
      %dma_wait3A_156 = arith.constant 0 : i32
      %dma_wait3A_157 = arith.constant 0 : i32
      %dma_wait3A_158 = tpu.memref_slice %arg2[%dma_wait3A_156, %dma_wait3A_157] : memref<320000x128xf32, #tpu.memory_space<hbm>> -> memref<256x128xf32, #tpu.memory_space<hbm>>
      %dma_wait3A_159 = arith.constant 0 : i32
      %dma_wait3A_160 = arith.constant 0 : i32
      %dma_wait3A_161 = tpu.memref_slice %arg2[%dma_wait3A_159, %dma_wait3A_160] : memref<320000x128xf32, #tpu.memory_space<hbm>> -> memref<256x128xf32, #tpu.memory_space<hbm>>
      tpu.wait_dma2 semaphore(%arg16 : memref<!tpu.dma_semaphore, #tpu.memory_space<semaphore_mem>>) src(%dma_wait3A_161 : memref<256x128xf32, #tpu.memory_space<hbm>>) dst(%arg13 : memref<256x128xf32, #tpu.memory_space<vmem>>)
      %scan3A_162 = arith.constant 0 : i32
      %scan3A_163 = arith.constant 0 : i32
      %scan3A_164 = arith.constant 256 : i32
      %scan3A_165 = arith.addi %scan3A_163, %scan3A_164 : i32
      %scan3A_166 = arith.constant 1 : i32
      scf.for %scan3A_194 = %scan3A_163 to %scan3A_165 step %scan3A_166  : i32 {
        %get3A_195 = arith.index_cast %scan3A_194 : i32 to index
        %get3A_196 = tpu.vector_load %arg8[%get3A_195] {strides = array<i32>} : memref<272xi32, #tpu.memory_space<vmem>>, vector<16xi32>,
        %slice3A_197 = vector.extract_strided_slice %get3A_196 {offsets = [0], sizes = [1], strides = [1]} : vector<16xi32> to vector<1xi32>
        %squeeze3A_198 = vector.extract %slice3A_197[0] : i32 from vector<1xi32>
        %get3A_199 = arith.index_cast %squeeze3A_198 : i32 to index
        %get3A_200 = arith.constant 0 : index
        %get3A_201 = tpu.vector_load %arg14[%get3A_199, %get3A_200] {strides = array<i32>} : memref<321x128xf32, #tpu.memory_space<vmem>>, vector<16xf32>,
        %get3A_202 = arith.index_cast %scan3A_194 : i32 to index
        %get3A_203 = arith.constant 0 : index
        %get3A_204 = tpu.vector_load %arg13[%get3A_202, %get3A_203] {strides = array<i32>} : memref<256x128xf32, #tpu.memory_space<vmem>>, vector<16xf32>,
        %max3A = arith.maximumf %get3A_201, %get3A_204 : vector<16xf32>
        %swap3A = arith.index_cast %squeeze3A_198 : i32 to index
        %swap3A_205 = arith.constant 0 : index
        %swap3A_206 = tpu.vector_load %arg14[%swap3A, %swap3A_205] {strides = array<i32>} : memref<321x128xf32, #tpu.memory_space<vmem>>, vector<16xf32>,
        tpu.vector_store %arg14[%swap3A, %swap3A_205], %max3A {strides = array<i32>} : memref<321x128xf32, #tpu.memory_space<vmem>>, vector<16xf32>,
        %get3A_207 = arith.index_cast %squeeze3A_198 : i32 to index
        %get3A_208 = arith.constant 16 : index
        %get3A_209 = tpu.vector_load %arg14[%get3A_207, %get3A_208] {strides = array<i32>} : memref<321x128xf32, #tpu.memory_space<vmem>>, vector<16xf32>,
        %get3A_210 = arith.index_cast %scan3A_194 : i32 to index
        %get3A_211 = arith.constant 16 : index
        %get3A_212 = tpu.vector_load %arg13[%get3A_210, %get3A_211] {strides = array<i32>} : memref<256x128xf32, #tpu.memory_space<vmem>>, vector<16xf32>,
        %max3A_213 = arith.maximumf %get3A_209, %get3A_212 : vector<16xf32>
        %swap3A_214 = arith.index_cast %squeeze3A_198 : i32 to index
        %swap3A_215 = arith.constant 16 : index
        %swap3A_216 = tpu.vector_load %arg14[%swap3A_214, %swap3A_215] {strides = array<i32>} : memref<321x128xf32, #tpu.memory_space<vmem>>, vector<16xf32>,
        tpu.vector_store %arg14[%swap3A_214, %swap3A_215], %max3A_213 {strides = array<i32>} : memref<321x128xf32, #tpu.memory_space<vmem>>, vector<16xf32>,
        %get3A_217 = arith.index_cast %squeeze3A_198 : i32 to index
        %get3A_218 = arith.constant 32 : index
        %get3A_219 = tpu.vector_load %arg14[%get3A_217, %get3A_218] {strides = array<i32>} : memref<321x128xf32, #tpu.memory_space<vmem>>, vector<16xf32>,
        %get3A_220 = arith.index_cast %scan3A_194 : i32 to index
        %get3A_221 = arith.constant 32 : index
        %get3A_222 = tpu.vector_load %arg13[%get3A_220, %get3A_221] {strides = array<i32>} : memref<256x128xf32, #tpu.memory_space<vmem>>, vector<16xf32>,
        %max3A_223 = arith.maximumf %get3A_219, %get3A_222 : vector<16xf32>
        %swap3A_224 = arith.index_cast %squeeze3A_198 : i32 to index
        %swap3A_225 = arith.constant 32 : index
        %swap3A_226 = tpu.vector_load %arg14[%swap3A_224, %swap3A_225] {strides = array<i32>} : memref<321x128xf32, #tpu.memory_space<vmem>>, vector<16xf32>,
        tpu.vector_store %arg14[%swap3A_224, %swap3A_225], %max3A_223 {strides = array<i32>} : memref<321x128xf32, #tpu.memory_space<vmem>>, vector<16xf32>,
        %get3A_227 = arith.index_cast %squeeze3A_198 : i32 to index
        %get3A_228 = arith.constant 48 : index
        %get3A_229 = tpu.vector_load %arg14[%get3A_227, %get3A_228] {strides = array<i32>} : memref<321x128xf32, #tpu.memory_space<vmem>>, vector<16xf32>,
        %get3A_230 = arith.index_cast %scan3A_194 : i32 to index
        %get3A_231 = arith.constant 48 : index
        %get3A_232 = tpu.vector_load %arg13[%get3A_230, %get3A_231] {strides = array<i32>} : memref<256x128xf32, #tpu.memory_space<vmem>>, vector<16xf32>,
        %max3A_233 = arith.maximumf %get3A_229, %get3A_232 : vector<16xf32>
        %swap3A_234 = arith.index_cast %squeeze3A_198 : i32 to index
        %swap3A_235 = arith.constant 48 : index
        %swap3A_236 = tpu.vector_load %arg14[%swap3A_234, %swap3A_235] {strides = array<i32>} : memref<321x128xf32, #tpu.memory_space<vmem>>, vector<16xf32>,
        tpu.vector_store %arg14[%swap3A_234, %swap3A_235], %max3A_233 {strides = array<i32>} : memref<321x128xf32, #tpu.memory_space<vmem>>, vector<16xf32>,
        %get3A_237 = arith.index_cast %squeeze3A_198 : i32 to index
        %get3A_238 = arith.constant 64 : index
        %get3A_239 = tpu.vector_load %arg14[%get3A_237, %get3A_238] {strides = array<i32>} : memref<321x128xf32, #tpu.memory_space<vmem>>, vector<16xf32>,
        %get3A_240 = arith.index_cast %scan3A_194 : i32 to index
        %get3A_241 = arith.constant 64 : index
        %get3A_242 = tpu.vector_load %arg13[%get3A_240, %get3A_241] {strides = array<i32>} : memref<256x128xf32, #tpu.memory_space<vmem>>, vector<16xf32>,
        %max3A_243 = arith.maximumf %get3A_239, %get3A_242 : vector<16xf32>
        %swap3A_244 = arith.index_cast %squeeze3A_198 : i32 to index
        %swap3A_245 = arith.constant 64 : index
        %swap3A_246 = tpu.vector_load %arg14[%swap3A_244, %swap3A_245] {strides = array<i32>} : memref<321x128xf32, #tpu.memory_space<vmem>>, vector<16xf32>,
        tpu.vector_store %arg14[%swap3A_244, %swap3A_245], %max3A_243 {strides = array<i32>} : memref<321x128xf32, #tpu.memory_space<vmem>>, vector<16xf32>,
        %get3A_247 = arith.index_cast %squeeze3A_198 : i32 to index
        %get3A_248 = arith.constant 80 : index
        %get3A_249 = tpu.vector_load %arg14[%get3A_247, %get3A_248] {strides = array<i32>} : memref<321x128xf32, #tpu.memory_space<vmem>>, vector<16xf32>,
        %get3A_250 = arith.index_cast %scan3A_194 : i32 to index
        %get3A_251 = arith.constant 80 : index
        %get3A_252 = tpu.vector_load %arg13[%get3A_250, %get3A_251] {strides = array<i32>} : memref<256x128xf32, #tpu.memory_space<vmem>>, vector<16xf32>,
        %max3A_253 = arith.maximumf %get3A_249, %get3A_252 : vector<16xf32>
        %swap3A_254 = arith.index_cast %squeeze3A_198 : i32 to index
        %swap3A_255 = arith.constant 80 : index
        %swap3A_256 = tpu.vector_load %arg14[%swap3A_254, %swap3A_255] {strides = array<i32>} : memref<321x128xf32, #tpu.memory_space<vmem>>, vector<16xf32>,
        tpu.vector_store %arg14[%swap3A_254, %swap3A_255], %max3A_253 {strides = array<i32>} : memref<321x128xf32, #tpu.memory_space<vmem>>, vector<16xf32>,
        %get3A_257 = arith.index_cast %squeeze3A_198 : i32 to index
        %get3A_258 = arith.constant 96 : index
        %get3A_259 = tpu.vector_load %arg14[%get3A_257, %get3A_258] {strides = array<i32>} : memref<321x128xf32, #tpu.memory_space<vmem>>, vector<16xf32>,
        %get3A_260 = arith.index_cast %scan3A_194 : i32 to index
        %get3A_261 = arith.constant 96 : index
        %get3A_262 = tpu.vector_load %arg13[%get3A_260, %get3A_261] {strides = array<i32>} : memref<256x128xf32, #tpu.memory_space<vmem>>, vector<16xf32>,
        %max3A_263 = arith.maximumf %get3A_259, %get3A_262 : vector<16xf32>
        %swap3A_264 = arith.index_cast %squeeze3A_198 : i32 to index
        %swap3A_265 = arith.constant 96 : index
        %swap3A_266 = tpu.vector_load %arg14[%swap3A_264, %swap3A_265] {strides = array<i32>} : memref<321x128xf32, #tpu.memory_space<vmem>>, vector<16xf32>,
        tpu.vector_store %arg14[%swap3A_264, %swap3A_265], %max3A_263 {strides = array<i32>} : memref<321x128xf32, #tpu.memory_space<vmem>>, vector<16xf32>,
        %get3A_267 = arith.index_cast %squeeze3A_198 : i32 to index
        %get3A_268 = arith.constant 112 : index
        %get3A_269 = tpu.vector_load %arg14[%get3A_267, %get3A_268] {strides = array<i32>} : memref<321x128xf32, #tpu.memory_space<vmem>>, vector<16xf32>,
        %get3A_270 = arith.index_cast %scan3A_194 : i32 to index
        %get3A_271 = arith.constant 112 : index
        %get3A_272 = tpu.vector_load %arg13[%get3A_270, %get3A_271] {strides = array<i32>} : memref<256x128xf32, #tpu.memory_space<vmem>>, vector<16xf32>,
        %max3A_273 = arith.maximumf %get3A_269, %get3A_272 : vector<16xf32>
        %swap3A_274 = arith.index_cast %squeeze3A_198 : i32 to index
        %swap3A_275 = arith.constant 112 : index
        %swap3A_276 = tpu.vector_load %arg14[%swap3A_274, %swap3A_275] {strides = array<i32>} : memref<321x128xf32, #tpu.memory_space<vmem>>, vector<16xf32>,
        tpu.vector_store %arg14[%swap3A_274, %swap3A_275], %max3A_273 {strides = array<i32>} : memref<321x128xf32, #tpu.memory_space<vmem>>, vector<16xf32>,
      }
      %scan3A_167 = arith.constant 256 : i32
      %mul3A_168 = arith.constant 2 : i32
      %mul3A_169 = arith.muli %mul3A_168, %while3A_117 : i32
      %add3A_170 = arith.constant 3 : i32
      %add3A_171 = arith.addi %mul3A_169, %add3A_170 : i32
      %mul3A_172 = arith.constant 321024 : i32
      %mul3A_173 = arith.muli %add3A, %mul3A_172 : i32
      %mul3A_174 = arith.constant 256 : i32
      %mul3A_175 = arith.muli %add3A_171, %mul3A_174 : i32
      %add3A_176 = arith.addi %mul3A_173, %mul3A_175 : i32
      %multiple_of3A_177 = tpu.assume_multiple %add3A_176, 256 : i32
      "tpu.region"() ({
        %run_scoped3A = tpu.sem_alloc : memref<!tpu.dma_semaphore, #tpu.memory_space<semaphore_mem>>
        %dma_start3A_194 = arith.constant 0 : i32
        %dma_start3A_195 = tpu.memref_slice %arg8[%dma_start3A_194] : memref<272xi32, #tpu.memory_space<vmem>> -> memref<256xi32, #tpu.memory_space<vmem>>
        %dma_start3A_196 = tpu.memref_slice %arg3[%multiple_of3A_177] : memref<10272768xi32, #tpu.memory_space<hbm>> -> memref<256xi32, #tpu.memory_space<hbm>>
        %dma_start3A_197 = arith.constant 0 : i32
        %dma_start3A_198 = tpu.memref_slice %arg8[%dma_start3A_197] : memref<272xi32, #tpu.memory_space<vmem>> -> memref<256xi32, #tpu.memory_space<vmem>>
        %dma_start3A_199 = tpu.memref_slice %arg3[%multiple_of3A_177] : memref<10272768xi32, #tpu.memory_space<hbm>> -> memref<256xi32, #tpu.memory_space<hbm>>
        tpu.enqueue_dma source(%dma_start3A_199 : memref<256xi32, #tpu.memory_space<hbm>>) target(%dma_start3A_198 : memref<256xi32, #tpu.memory_space<vmem>>) target_semaphore(%run_scoped3A : memref<!tpu.dma_semaphore, #tpu.memory_space<semaphore_mem>>)
        %dma_wait3A_200 = arith.constant 0 : i32
        %dma_wait3A_201 = tpu.memref_slice %arg8[%dma_wait3A_200] : memref<272xi32, #tpu.memory_space<vmem>> -> memref<256xi32, #tpu.memory_space<vmem>>
        %dma_wait3A_202 = tpu.memref_slice %arg3[%multiple_of3A_177] : memref<10272768xi32, #tpu.memory_space<hbm>> -> memref<256xi32, #tpu.memory_space<hbm>>
        %dma_wait3A_203 = arith.constant 0 : i32
        %dma_wait3A_204 = tpu.memref_slice %arg8[%dma_wait3A_203] : memref<272xi32, #tpu.memory_space<vmem>> -> memref<256xi32, #tpu.memory_space<vmem>>
        %dma_wait3A_205 = tpu.memref_slice %arg3[%multiple_of3A_177] : memref<10272768xi32, #tpu.memory_space<hbm>> -> memref<256xi32, #tpu.memory_space<hbm>>
        tpu.wait_dma2 semaphore(%run_scoped3A : memref<!tpu.dma_semaphore, #tpu.memory_space<semaphore_mem>>) src(%dma_wait3A_205 : memref<256xi32, #tpu.memory_space<hbm>>) dst(%dma_wait3A_204 : memref<256xi32, #tpu.memory_space<vmem>>)
        tpu.yield
      }) : () -> ()
      "tpu.region"() ({
        %run_scoped3A = tpu.sem_alloc : memref<!tpu.dma_semaphore, #tpu.memory_space<semaphore_mem>>
        %dma_start3A_194 = tpu.memref_slice %arg4[%multiple_of3A_177] : memref<10272768xi32, #tpu.memory_space<hbm>> -> memref<256xi32, #tpu.memory_space<hbm>>
        %dma_start3A_195 = tpu.memref_slice %arg4[%multiple_of3A_177] : memref<10272768xi32, #tpu.memory_space<hbm>> -> memref<256xi32, #tpu.memory_space<hbm>>
        tpu.enqueue_dma source(%dma_start3A_195 : memref<256xi32, #tpu.memory_space<hbm>>) target(%arg10 : memref<256xi32, #tpu.memory_space<vmem>>) target_semaphore(%run_scoped3A : memref<!tpu.dma_semaphore, #tpu.memory_space<semaphore_mem>>)
        %dma_wait3A_196 = tpu.memref_slice %arg4[%multiple_of3A_177] : memref<10272768xi32, #tpu.memory_space<hbm>> -> memref<256xi32, #tpu.memory_space<hbm>>
        %dma_wait3A_197 = tpu.memref_slice %arg4[%multiple_of3A_177] : memref<10272768xi32, #tpu.memory_space<hbm>> -> memref<256xi32, #tpu.memory_space<hbm>>
        tpu.wait_dma2 semaphore(%run_scoped3A : memref<!tpu.dma_semaphore, #tpu.memory_space<semaphore_mem>>) src(%dma_wait3A_197 : memref<256xi32, #tpu.memory_space<hbm>>) dst(%arg10 : memref<256xi32, #tpu.memory_space<vmem>>)
        tpu.yield
      }) : () -> ()
      %dma_start3A_178 = arith.constant 0 : i32
      %dma_start3A_179 = arith.constant 0 : i32
      %dma_start3A_180 = tpu.memref_slice %arg13[%dma_start3A_178, %dma_start3A_179] : memref<256x128xf32, #tpu.memory_space<vmem>> -> memref<128x128xf32, #tpu.memory_space<vmem>>
      %dma_start3A_181 = arith.constant 0 : i32
      %dma_start3A_182 = tpu.memref_slice %arg10[%dma_start3A_181] : memref<256xi32, #tpu.memory_space<vmem>> -> memref<128xi32, #tpu.memory_space<vmem>>
      %dma_start3A_183 = arith.constant 0 : i32
      %dma_start3A_184 = arith.constant 0 : i32
      %dma_start3A_185 = tpu.memref_slice %arg2[%dma_start3A_183, %dma_start3A_184] : memref<320000x128xf32, #tpu.memory_space<hbm>> -> memref<320000x128xf32, #tpu.memory_space<hbm>>
      tpu.enqueue_indirect_dma source(%dma_start3A_185 : memref<320000x128xf32, #tpu.memory_space<hbm>>) target(%dma_start3A_180 : memref<128x128xf32, #tpu.memory_space<vmem>>) offsets(%dma_start3A_182 : memref<128xi32, #tpu.memory_space<vmem>>) semaphore(%arg16 : memref<!tpu.dma_semaphore, #tpu.memory_space<semaphore_mem>>)
      %dma_start3A_186 = arith.constant 128 : i32
      %dma_start3A_187 = arith.constant 0 : i32
      %dma_start3A_188 = tpu.memref_slice %arg13[%dma_start3A_186, %dma_start3A_187] : memref<256x128xf32, #tpu.memory_space<vmem>> -> memref<128x128xf32, #tpu.memory_space<vmem>>
      %dma_start3A_189 = arith.constant 128 : i32
      %dma_start3A_190 = tpu.memref_slice %arg10[%dma_start3A_189] : memref<256xi32, #tpu.memory_space<vmem>> -> memref<128xi32, #tpu.memory_space<vmem>>
      %dma_start3A_191 = arith.constant 0 : i32
      %dma_start3A_192 = arith.constant 0 : i32
      %dma_start3A_193 = tpu.memref_slice %arg2[%dma_start3A_191, %dma_start3A_192] : memref<320000x128xf32, #tpu.memory_space<hbm>> -> memref<320000x128xf32, #tpu.memory_space<hbm>>
      tpu.enqueue_indirect_dma source(%dma_start3A_193 : memref<320000x128xf32, #tpu.memory_space<hbm>>) target(%dma_start3A_188 : memref<128x128xf32, #tpu.memory_space<vmem>>) offsets(%dma_start3A_190 : memref<128xi32, #tpu.memory_space<vmem>>) semaphore(%arg16 : memref<!tpu.dma_semaphore, #tpu.memory_space<semaphore_mem>>)
    }
    %dma_wait3A = arith.constant 0 : i32
    %dma_wait3A_106 = arith.constant 0 : i32
    %dma_wait3A_107 = tpu.memref_slice %arg2[%dma_wait3A, %dma_wait3A_106] : memref<320000x128xf32, #tpu.memory_space<hbm>> -> memref<256x128xf32, #tpu.memory_space<hbm>>
    %dma_wait3A_108 = arith.constant 0 : i32
    %dma_wait3A_109 = arith.constant 0 : i32
    %dma_wait3A_110 = tpu.memref_slice %arg2[%dma_wait3A_108, %dma_wait3A_109] : memref<320000x128xf32, #tpu.memory_space<hbm>> -> memref<256x128xf32, #tpu.memory_space<hbm>>
    tpu.wait_dma2 semaphore(%arg15 : memref<!tpu.dma_semaphore, #tpu.memory_space<semaphore_mem>>) src(%dma_wait3A_110 : memref<256x128xf32, #tpu.memory_space<hbm>>) dst(%arg12 : memref<256x128xf32, #tpu.memory_space<vmem>>)
    %dma_wait3A_111 = arith.constant 0 : i32
    %dma_wait3A_112 = arith.constant 0 : i32
    %dma_wait3A_113 = tpu.memref_slice %arg2[%dma_wait3A_111, %dma_wait3A_112] : memref<320000x128xf32, #tpu.memory_space<hbm>> -> memref<256x128xf32, #tpu.memory_space<hbm>>
    %dma_wait3A_114 = arith.constant 0 : i32
    %dma_wait3A_115 = arith.constant 0 : i32
    %dma_wait3A_116 = tpu.memref_slice %arg2[%dma_wait3A_114, %dma_wait3A_115] : memref<320000x128xf32, #tpu.memory_space<hbm>> -> memref<256x128xf32, #tpu.memory_space<hbm>>
    tpu.wait_dma2 semaphore(%arg16 : memref<!tpu.dma_semaphore, #tpu.memory_space<semaphore_mem>>) src(%dma_wait3A_116 : memref<256x128xf32, #tpu.memory_space<hbm>>) dst(%arg13 : memref<256x128xf32, #tpu.memory_space<vmem>>)
    "tpu.region"() ({
      %run_scoped3A = tpu.sem_alloc : memref<!tpu.dma_semaphore, #tpu.memory_space<semaphore_mem>>
      %dma_start3A_117 = arith.constant 0 : i32
      %dma_start3A_118 = arith.constant 0 : i32
      %dma_start3A_119 = tpu.memref_slice %arg14[%dma_start3A_117, %dma_start3A_118] : memref<321x128xf32, #tpu.memory_space<vmem>> -> memref<320x128xf32, #tpu.memory_space<vmem>>
      %dma_start3A_120 = arith.constant 0 : i32
      %dma_start3A_121 = tpu.memref_slice %arg6[%mul3A_2, %dma_start3A_120] : memref<10240x128xf32, #tpu.memory_space<hbm>> -> memref<320x128xf32, #tpu.memory_space<hbm>>
      %dma_start3A_122 = arith.constant 0 : i32
      %dma_start3A_123 = tpu.memref_slice %arg6[%mul3A_2, %dma_start3A_122] : memref<10240x128xf32, #tpu.memory_space<hbm>> -> memref<320x128xf32, #tpu.memory_space<hbm>>
      %dma_start3A_124 = arith.constant 0 : i32
      %dma_start3A_125 = arith.constant 0 : i32
      %dma_start3A_126 = tpu.memref_slice %arg14[%dma_start3A_124, %dma_start3A_125] : memref<321x128xf32, #tpu.memory_space<vmem>> -> memref<320x128xf32, #tpu.memory_space<vmem>>
      tpu.enqueue_dma source(%dma_start3A_126 : memref<320x128xf32, #tpu.memory_space<vmem>>) target(%dma_start3A_123 : memref<320x128xf32, #tpu.memory_space<hbm>>) target_semaphore(%run_scoped3A : memref<!tpu.dma_semaphore, #tpu.memory_space<semaphore_mem>>)
      %dma_wait3A_127 = arith.constant 0 : i32
      %dma_wait3A_128 = arith.constant 0 : i32
      %dma_wait3A_129 = tpu.memref_slice %arg14[%dma_wait3A_127, %dma_wait3A_128] : memref<321x128xf32, #tpu.memory_space<vmem>> -> memref<320x128xf32, #tpu.memory_space<vmem>>
      %dma_wait3A_130 = arith.constant 0 : i32
      %dma_wait3A_131 = tpu.memref_slice %arg6[%mul3A_2, %dma_wait3A_130] : memref<10240x128xf32, #tpu.memory_space<hbm>> -> memref<320x128xf32, #tpu.memory_space<hbm>>
      %dma_wait3A_132 = arith.constant 0 : i32
      %dma_wait3A_133 = tpu.memref_slice %arg6[%mul3A_2, %dma_wait3A_132] : memref<10240x128xf32, #tpu.memory_space<hbm>> -> memref<320x128xf32, #tpu.memory_space<hbm>>
      %dma_wait3A_134 = arith.constant 0 : i32
      %dma_wait3A_135 = arith.constant 0 : i32
      %dma_wait3A_136 = tpu.memref_slice %arg14[%dma_wait3A_134, %dma_wait3A_135] : memref<321x128xf32, #tpu.memory_space<vmem>> -> memref<320x128xf32, #tpu.memory_space<vmem>>
      tpu.wait_dma2 semaphore(%run_scoped3A : memref<!tpu.dma_semaphore, #tpu.memory_space<semaphore_mem>>) src(%dma_wait3A_136 : memref<320x128xf32, #tpu.memory_space<vmem>>) dst(%dma_wait3A_133 : memref<320x128xf32, #tpu.memory_space<hbm>>)
      tpu.yield
    }) : () -> ()
    return
  }
}

#map = affine_map<(d0, d1) -> (0)>
module attributes {stable_mosaic.version = 14 : i64} {
  func.func @_scan_body(%arg0: i32, %arg1: i32, %arg2: memref<320000xi32, #tpu.memory_space<hbm>>, %arg3: memref<10272768xi32, #tpu.memory_space<hbm>>, %arg4: memref<10272768xi32, #tpu.memory_space<hbm>>, %arg5: memref<512xi32, #tpu.memory_space<hbm>>, %arg6: memref<3200xi32, #tpu.memory_space<vmem>>, %arg7: memref<4112xi32, #tpu.memory_space<vmem>>, %arg8: memref<4112xi32, #tpu.memory_space<vmem>>, %arg9: memref<16xi32, #tpu.memory_space<vmem>>) attributes {dimension_semantics = [#tpu.dimension_semantics<core_parallel>, #tpu.dimension_semantics<subcore_parallel>], iteration_bounds = array<i64: 2, 16>, scalar_prefetch = 0 : i64, scratch_operands = 4 : i64, tpu.core_type = #tpu.core_type<sc_vector_subcore>, window_params = [{transform_indices = #map}, {transform_indices = #map}, {transform_indices = #map}, {transform_indices = #map}]} {
    %mul3A = arith.constant 2 : i32
    %mul3A_0 = arith.muli %arg1, %mul3A : i32
    %add3A = arith.addi %mul3A_0, %arg0 : i32
    %mul3A_1 = arith.constant 320 : i32
    %mul3A_2 = arith.muli %add3A, %mul3A_1 : i32
    %add3A_3 = arith.constant 320 : i32
    %add3A_4 = arith.addi %mul3A_2, %add3A_3 : i32
    %iota3A = tpu.iota {dimensions = array<i32: 0>} : vector<16xi32>
    %broadcast_in_dim3A = arith.constant 320 : i32
    %broadcast_in_dim3A_5 = vector.broadcast %broadcast_in_dim3A : i32 to vector<16xi32>
    %scan3A = arith.constant 0 : i32
    %scan3A_6 = arith.constant 0 : i32
    %scan3A_7 = arith.constant 0 : i32
    %scan3A_8 = arith.constant 100 : i32
    %scan3A_9 = arith.addi %scan3A_7, %scan3A_8 : i32
    %scan3A_10 = arith.constant 1 : i32
    %scan3A_11:2 = scf.for %scan3A_28 = %scan3A_7 to %scan3A_9 step %scan3A_10 iter_args(%scan3A_29 = %scan3A, %scan3A_30 = %scan3A_6) -> (i32, i32)  : i32 {
      %mul3A_31 = arith.constant 3200 : i32
      %mul3A_32 = arith.muli %scan3A_28, %mul3A_31 : i32
      "tpu.region"() ({
        %run_scoped3A = tpu.sem_alloc : memref<!tpu.dma_semaphore, #tpu.memory_space<semaphore_mem>>
        %dma_start3A = tpu.memref_slice %arg2[%mul3A_32] : memref<320000xi32, #tpu.memory_space<hbm>> -> memref<3200xi32, #tpu.memory_space<hbm>>
        %dma_start3A_40 = tpu.memref_slice %arg2[%mul3A_32] : memref<320000xi32, #tpu.memory_space<hbm>> -> memref<3200xi32, #tpu.memory_space<hbm>>
        tpu.enqueue_dma source(%dma_start3A_40 : memref<3200xi32, #tpu.memory_space<hbm>>) target(%arg6 : memref<3200xi32, #tpu.memory_space<vmem>>) target_semaphore(%run_scoped3A : memref<!tpu.dma_semaphore, #tpu.memory_space<semaphore_mem>>)
        %dma_wait3A = tpu.memref_slice %arg2[%mul3A_32] : memref<320000xi32, #tpu.memory_space<hbm>> -> memref<3200xi32, #tpu.memory_space<hbm>>
        %dma_wait3A_41 = tpu.memref_slice %arg2[%mul3A_32] : memref<320000xi32, #tpu.memory_space<hbm>> -> memref<3200xi32, #tpu.memory_space<hbm>>
        tpu.wait_dma2 semaphore(%run_scoped3A : memref<!tpu.dma_semaphore, #tpu.memory_space<semaphore_mem>>) src(%dma_wait3A_41 : memref<3200xi32, #tpu.memory_space<hbm>>) dst(%arg6 : memref<3200xi32, #tpu.memory_space<vmem>>)
        tpu.yield
      }) : () -> ()
      %scan3A_33 = arith.constant 0 : i32
      %scan3A_34 = arith.constant 100 : i32
      %scan3A_35 = arith.addi %scan3A_33, %scan3A_34 : i32
      %scan3A_36 = arith.constant 1 : i32
      %scan3A_37 = scf.for %scan3A_40 = %scan3A_33 to %scan3A_35 step %scan3A_36 iter_args(%scan3A_41 = %scan3A_29) -> (i32)  : i32 {
        %mul3A_42 = arith.constant 2 : i32
        %mul3A_43 = arith.muli %scan3A_40, %mul3A_42 : i32
        %mul3A_44 = arith.constant 16 : i32
        %mul3A_45 = arith.muli %mul3A_43, %mul3A_44 : i32
        %get3A = arith.index_cast %mul3A_45 : i32 to index
        %get3A_46 = tpu.vector_load %arg6[%get3A] {strides = array<i32>} : memref<3200xi32, #tpu.memory_space<vmem>>, vector<16xi32>,
        %mul3A_47 = arith.constant 2 : i32
        %mul3A_48 = arith.muli %scan3A_40, %mul3A_47 : i32
        %mul3A_49 = arith.constant 16 : i32
        %mul3A_50 = arith.muli %mul3A_48, %mul3A_49 : i32
        %add3A_51 = arith.constant 16 : i32
        %add3A_52 = arith.addi %mul3A_50, %add3A_51 : i32
        %get3A_53 = arith.index_cast %add3A_52 : i32 to index
        %get3A_54 = tpu.vector_load %arg6[%get3A_53] {strides = array<i32>} : memref<3200xi32, #tpu.memory_space<vmem>>, vector<16xi32>,
        %ge3A = vector.broadcast %mul3A_2 : i32 to vector<16xi32>
        %ge3A_55 = arith.cmpi sge, %get3A_46, %ge3A : vector<16xi32>
        %lt3A = vector.broadcast %add3A_4 : i32 to vector<16xi32>
        %lt3A_56 = arith.cmpi slt, %get3A_46, %lt3A : vector<16xi32>
        %and3A = arith.andi %ge3A_55, %lt3A_56 : vector<16xi1>
        %ge3A_57 = vector.broadcast %mul3A_2 : i32 to vector<16xi32>
        %ge3A_58 = arith.cmpi sge, %get3A_54, %ge3A_57 : vector<16xi32>
        %lt3A_59 = vector.broadcast %add3A_4 : i32 to vector<16xi32>
        %lt3A_60 = arith.cmpi slt, %get3A_54, %lt3A_59 : vector<16xi32>
        %and3A_61 = arith.andi %ge3A_58, %lt3A_60 : vector<16xi1>
        %jit3A = arith.constant 1 : i32
        %jit3A_62 = arith.constant 0 : i32
        %broadcast_in_dim3A_63 = vector.broadcast %jit3A : i32 to vector<16xi32>
        %broadcast_in_dim3A_64 = vector.broadcast %jit3A_62 : i32 to vector<16xi32>
        %select_n3A = arith.select %and3A, %broadcast_in_dim3A_63, %broadcast_in_dim3A_64 : vector<16xi1>, vector<16xi32>
        %broadcast_in_dim3A_65 = arith.constant true
        %broadcast_in_dim3A_66 = vector.broadcast %broadcast_in_dim3A_65 : i1 to vector<16xi1>
        %masked_cumsum3A = tpu.scan <sum>, %select_n3A masked %broadcast_in_dim3A_66 : vector<16xi32>, vector<16xi1> -> vector<16xi32>
        %jit3A_67 = arith.constant 1 : i32
        %jit3A_68 = arith.constant 0 : i32
        %broadcast_in_dim3A_69 = vector.broadcast %jit3A_67 : i32 to vector<16xi32>
        %broadcast_in_dim3A_70 = vector.broadcast %jit3A_68 : i32 to vector<16xi32>
        %select_n3A_71 = arith.select %and3A_61, %broadcast_in_dim3A_69, %broadcast_in_dim3A_70 : vector<16xi1>, vector<16xi32>
        %broadcast_in_dim3A_72 = arith.constant true
        %broadcast_in_dim3A_73 = vector.broadcast %broadcast_in_dim3A_72 : i1 to vector<16xi1>
        %masked_cumsum3A_74 = tpu.scan <sum>, %select_n3A_71 masked %broadcast_in_dim3A_73 : vector<16xi32>, vector<16xi1> -> vector<16xi32>
        %slice3A = vector.extract_strided_slice %masked_cumsum3A {offsets = [15], sizes = [1], strides = [1]} : vector<16xi32> to vector<1xi32>
        %squeeze3A = vector.extract %slice3A[0] : i32 from vector<1xi32>
        %add3A_75 = vector.broadcast %scan3A_41 : i32 to vector<16xi32>
        %add3A_76 = arith.addi %add3A_75, %masked_cumsum3A : vector<16xi32>
        %sub3A = arith.constant 1 : i32
        %sub3A_77 = vector.broadcast %sub3A : i32 to vector<16xi32>
        %sub3A_78 = arith.subi %add3A_76, %sub3A_77 : vector<16xi32>
        %and3A_79 = arith.constant 4095 : i32
        %and3A_80 = vector.broadcast %and3A_79 : i32 to vector<16xi32>
        %and3A_81 = arith.andi %sub3A_78, %and3A_80 : vector<16xi32>
        %add3A_82 = arith.constant 4096 : i32
        %add3A_83 = vector.broadcast %add3A_82 : i32 to vector<16xi32>
        %add3A_84 = arith.addi %add3A_83, %iota3A : vector<16xi32>
        %select_n3A_85 = arith.select %and3A, %and3A_81, %add3A_84 : vector<16xi1>, vector<16xi32>
        %add3A_86 = arith.addi %scan3A_41, %squeeze3A : i32
        %add3A_87 = vector.broadcast %add3A_86 : i32 to vector<16xi32>
        %add3A_88 = arith.addi %add3A_87, %masked_cumsum3A_74 : vector<16xi32>
        %sub3A_89 = arith.constant 1 : i32
        %sub3A_90 = vector.broadcast %sub3A_89 : i32 to vector<16xi32>
        %sub3A_91 = arith.subi %add3A_88, %sub3A_90 : vector<16xi32>
        %and3A_92 = arith.constant 4095 : i32
        %and3A_93 = vector.broadcast %and3A_92 : i32 to vector<16xi32>
        %and3A_94 = arith.andi %sub3A_91, %and3A_93 : vector<16xi32>
        %add3A_95 = arith.constant 4096 : i32
        %add3A_96 = vector.broadcast %add3A_95 : i32 to vector<16xi32>
        %add3A_97 = arith.addi %add3A_96, %iota3A : vector<16xi32>
        %select_n3A_98 = arith.select %and3A_61, %and3A_94, %add3A_97 : vector<16xi1>, vector<16xi32>
        %sub3A_99 = vector.broadcast %mul3A_2 : i32 to vector<16xi32>
        %sub3A_100 = arith.subi %get3A_46, %sub3A_99 : vector<16xi32>
        tpu.vector_store_idx %arg7[%select_n3A_85], %sub3A_100 : memref<4112xi32, #tpu.memory_space<vmem>>[vector<16xi32>], vector<16xi32>,
        %mul3A_101 = arith.constant 2 : i32
        %mul3A_102 = arith.muli %scan3A_40, %mul3A_101 : i32
        %mul3A_103 = arith.constant 16 : i32
        %mul3A_104 = arith.muli %mul3A_102, %mul3A_103 : i32
        %add3A_105 = arith.addi %mul3A_32, %mul3A_104 : i32
        %add3A_106 = vector.broadcast %add3A_105 : i32 to vector<16xi32>
        %add3A_107 = arith.addi %add3A_106, %iota3A : vector<16xi32>
        tpu.vector_store_idx %arg8[%select_n3A_85], %add3A_107 : memref<4112xi32, #tpu.memory_space<vmem>>[vector<16xi32>], vector<16xi32>,
        %sub3A_108 = vector.broadcast %mul3A_2 : i32 to vector<16xi32>
        %sub3A_109 = arith.subi %get3A_54, %sub3A_108 : vector<16xi32>
        tpu.vector_store_idx %arg7[%select_n3A_98], %sub3A_109 : memref<4112xi32, #tpu.memory_space<vmem>>[vector<16xi32>], vector<16xi32>,
        %mul3A_110 = arith.constant 2 : i32
        %mul3A_111 = arith.muli %scan3A_40, %mul3A_110 : i32
        %mul3A_112 = arith.constant 16 : i32
        %mul3A_113 = arith.muli %mul3A_111, %mul3A_112 : i32
        %add3A_114 = arith.addi %mul3A_32, %mul3A_113 : i32
        %add3A_115 = arith.constant 16 : i32
        %add3A_116 = arith.addi %add3A_114, %add3A_115 : i32
        %add3A_117 = vector.broadcast %add3A_116 : i32 to vector<16xi32>
        %add3A_118 = arith.addi %add3A_117, %iota3A : vector<16xi32>
        tpu.vector_store_idx %arg8[%select_n3A_98], %add3A_118 : memref<4112xi32, #tpu.memory_space<vmem>>[vector<16xi32>], vector<16xi32>,
        %add3A_119 = arith.addi %scan3A_41, %squeeze3A : i32
        %slice3A_120 = vector.extract_strided_slice %masked_cumsum3A_74 {offsets = [15], sizes = [1], strides = [1]} : vector<16xi32> to vector<1xi32>
        %squeeze3A_121 = vector.extract %slice3A_120[0] : i32 from vector<1xi32>
        %add3A_122 = arith.addi %add3A_119, %squeeze3A_121 : i32
        scf.yield %add3A_122 : i32
      }
      %scan3A_38 = arith.constant 100 : i32
      %while3A_39:2 = scf.while (%while3A_40 = %scan3A_37, %while3A_41 = %scan3A_30) : (i32, i32) -> (i32, i32) {
        %sub3A = arith.subi %while3A_40, %while3A_41 : i32
        %ge3A = arith.constant 256 : i32
        %ge3A_42 = arith.cmpi sge, %sub3A, %ge3A : i32
        scf.condition(%ge3A_42) %while3A_40, %while3A_41 : i32, i32
      } do {
      ^bb0(%while3A_40: i32, %while3A_41: i32):
        %and3A = arith.constant 4095 : i32
        %and3A_42 = arith.andi %while3A_41, %and3A : i32
        %multiple_of3A_43 = tpu.assume_multiple %and3A_42, 256 : i32
        %mul3A_44 = arith.constant 321024 : i32
        %mul3A_45 = arith.muli %add3A, %mul3A_44 : i32
        %add3A_46 = arith.addi %mul3A_45, %while3A_41 : i32
        %multiple_of3A_47 = tpu.assume_multiple %add3A_46, 256 : i32
        "tpu.region"() ({
          %run_scoped3A = tpu.sem_alloc : memref<!tpu.dma_semaphore, #tpu.memory_space<semaphore_mem>>
          %dma_start3A = tpu.memref_slice %arg7[%multiple_of3A_43] : memref<4112xi32, #tpu.memory_space<vmem>> -> memref<256xi32, #tpu.memory_space<vmem>>
          %dma_start3A_50 = tpu.memref_slice %arg3[%multiple_of3A_47] : memref<10272768xi32, #tpu.memory_space<hbm>> -> memref<256xi32, #tpu.memory_space<hbm>>
          %dma_start3A_51 = tpu.memref_slice %arg3[%multiple_of3A_47] : memref<10272768xi32, #tpu.memory_space<hbm>> -> memref<256xi32, #tpu.memory_space<hbm>>
          %dma_start3A_52 = tpu.memref_slice %arg7[%multiple_of3A_43] : memref<4112xi32, #tpu.memory_space<vmem>> -> memref<256xi32, #tpu.memory_space<vmem>>
          tpu.enqueue_dma source(%dma_start3A_52 : memref<256xi32, #tpu.memory_space<vmem>>) target(%dma_start3A_51 : memref<256xi32, #tpu.memory_space<hbm>>) target_semaphore(%run_scoped3A : memref<!tpu.dma_semaphore, #tpu.memory_space<semaphore_mem>>)
          %dma_wait3A = tpu.memref_slice %arg7[%multiple_of3A_43] : memref<4112xi32, #tpu.memory_space<vmem>> -> memref<256xi32, #tpu.memory_space<vmem>>
          %dma_wait3A_53 = tpu.memref_slice %arg3[%multiple_of3A_47] : memref<10272768xi32, #tpu.memory_space<hbm>> -> memref<256xi32, #tpu.memory_space<hbm>>
          %dma_wait3A_54 = tpu.memref_slice %arg3[%multiple_of3A_47] : memref<10272768xi32, #tpu.memory_space<hbm>> -> memref<256xi32, #tpu.memory_space<hbm>>
          %dma_wait3A_55 = tpu.memref_slice %arg7[%multiple_of3A_43] : memref<4112xi32, #tpu.memory_space<vmem>> -> memref<256xi32, #tpu.memory_space<vmem>>
          tpu.wait_dma2 semaphore(%run_scoped3A : memref<!tpu.dma_semaphore, #tpu.memory_space<semaphore_mem>>) src(%dma_wait3A_55 : memref<256xi32, #tpu.memory_space<vmem>>) dst(%dma_wait3A_54 : memref<256xi32, #tpu.memory_space<hbm>>)
          tpu.yield
        }) : () -> ()
        "tpu.region"() ({
          %run_scoped3A = tpu.sem_alloc : memref<!tpu.dma_semaphore, #tpu.memory_space<semaphore_mem>>
          %dma_start3A = tpu.memref_slice %arg8[%multiple_of3A_43] : memref<4112xi32, #tpu.memory_space<vmem>> -> memref<256xi32, #tpu.memory_space<vmem>>
          %dma_start3A_50 = tpu.memref_slice %arg4[%multiple_of3A_47] : memref<10272768xi32, #tpu.memory_space<hbm>> -> memref<256xi32, #tpu.memory_space<hbm>>
          %dma_start3A_51 = tpu.memref_slice %arg4[%multiple_of3A_47] : memref<10272768xi32, #tpu.memory_space<hbm>> -> memref<256xi32, #tpu.memory_space<hbm>>
          %dma_start3A_52 = tpu.memref_slice %arg8[%multiple_of3A_43] : memref<4112xi32, #tpu.memory_space<vmem>> -> memref<256xi32, #tpu.memory_space<vmem>>
          tpu.enqueue_dma source(%dma_start3A_52 : memref<256xi32, #tpu.memory_space<vmem>>) target(%dma_start3A_51 : memref<256xi32, #tpu.memory_space<hbm>>) target_semaphore(%run_scoped3A : memref<!tpu.dma_semaphore, #tpu.memory_space<semaphore_mem>>)
          %dma_wait3A = tpu.memref_slice %arg8[%multiple_of3A_43] : memref<4112xi32, #tpu.memory_space<vmem>> -> memref<256xi32, #tpu.memory_space<vmem>>
          %dma_wait3A_53 = tpu.memref_slice %arg4[%multiple_of3A_47] : memref<10272768xi32, #tpu.memory_space<hbm>> -> memref<256xi32, #tpu.memory_space<hbm>>
          %dma_wait3A_54 = tpu.memref_slice %arg4[%multiple_of3A_47] : memref<10272768xi32, #tpu.memory_space<hbm>> -> memref<256xi32, #tpu.memory_space<hbm>>
          %dma_wait3A_55 = tpu.memref_slice %arg8[%multiple_of3A_43] : memref<4112xi32, #tpu.memory_space<vmem>> -> memref<256xi32, #tpu.memory_space<vmem>>
          tpu.wait_dma2 semaphore(%run_scoped3A : memref<!tpu.dma_semaphore, #tpu.memory_space<semaphore_mem>>) src(%dma_wait3A_55 : memref<256xi32, #tpu.memory_space<vmem>>) dst(%dma_wait3A_54 : memref<256xi32, #tpu.memory_space<hbm>>)
          tpu.yield
        }) : () -> ()
        %add3A_48 = arith.constant 256 : i32
        %add3A_49 = arith.addi %while3A_41, %add3A_48 : i32
        scf.yield %while3A_40, %add3A_49 : i32, i32
      }
      scf.yield %while3A_39#0, %while3A_39#1 : i32, i32
    }
    %scan3A_12 = arith.constant 100 : i32
    %mul3A_13 = arith.constant 1024 : i32
    %mul3A_14 = arith.muli %add3A, %mul3A_13 : i32
    %scan3A_15 = arith.constant 0 : i32
    %scan3A_16 = arith.constant 0 : i32
    %scan3A_17 = arith.constant 64 : i32
    %scan3A_18 = arith.addi %scan3A_16, %scan3A_17 : i32
    %scan3A_19 = arith.constant 1 : i32
    scf.for %scan3A_28 = %scan3A_16 to %scan3A_18 step %scan3A_19  : i32 {
      %mul3A_29 = arith.constant 16 : i32
      %mul3A_30 = arith.muli %scan3A_28, %mul3A_29 : i32
      %add3A_31 = arith.addi %scan3A_11#0, %mul3A_30 : i32
      %add3A_32 = vector.broadcast %add3A_31 : i32 to vector<16xi32>
      %add3A_33 = arith.addi %add3A_32, %iota3A : vector<16xi32>
      %and3A = arith.constant 4095 : i32
      %and3A_34 = vector.broadcast %and3A : i32 to vector<16xi32>
      %and3A_35 = arith.andi %add3A_33, %and3A_34 : vector<16xi32>
      %mul3A_36 = arith.constant 16 : i32
      %mul3A_37 = arith.muli %scan3A_28, %mul3A_36 : i32
      %add3A_38 = arith.addi %mul3A_14, %mul3A_37 : i32
      %add3A_39 = vector.broadcast %add3A_38 : i32 to vector<16xi32>
      %add3A_40 = arith.addi %add3A_39, %iota3A : vector<16xi32>
      tpu.vector_store_idx %arg8[%and3A_35], %add3A_40 : memref<4112xi32, #tpu.memory_space<vmem>>[vector<16xi32>], vector<16xi32>,
      tpu.vector_store_idx %arg7[%and3A_35], %broadcast_in_dim3A_5 : memref<4112xi32, #tpu.memory_space<vmem>>[vector<16xi32>], vector<16xi32>,
    }
    %scan3A_20 = arith.constant 64 : i32
    %while3A:2 = scf.while (%while3A_28 = %scan3A_11#0, %while3A_29 = %scan3A_11#1) : (i32, i32) -> (i32, i32) {
      %add3A_30 = arith.constant 768 : i32
      %add3A_31 = arith.addi %while3A_28, %add3A_30 : i32
      %lt3A = arith.cmpi slt, %while3A_29, %add3A_31 : i32
      scf.condition(%lt3A) %while3A_28, %while3A_29 : i32, i32
    } do {
    ^bb0(%while3A_28: i32, %while3A_29: i32):
      %and3A = arith.constant 4095 : i32
      %and3A_30 = arith.andi %while3A_29, %and3A : i32
      %multiple_of3A_31 = tpu.assume_multiple %and3A_30, 256 : i32
      %mul3A_32 = arith.constant 321024 : i32
      %mul3A_33 = arith.muli %add3A, %mul3A_32 : i32
      %add3A_34 = arith.addi %mul3A_33, %while3A_29 : i32
      %multiple_of3A_35 = tpu.assume_multiple %add3A_34, 256 : i32
      "tpu.region"() ({
        %run_scoped3A = tpu.sem_alloc : memref<!tpu.dma_semaphore, #tpu.memory_space<semaphore_mem>>
        %dma_start3A = tpu.memref_slice %arg7[%multiple_of3A_31] : memref<4112xi32, #tpu.memory_space<vmem>> -> memref<256xi32, #tpu.memory_space<vmem>>
        %dma_start3A_38 = tpu.memref_slice %arg3[%multiple_of3A_35] : memref<10272768xi32, #tpu.memory_space<hbm>> -> memref<256xi32, #tpu.memory_space<hbm>>
        %dma_start3A_39 = tpu.memref_slice %arg3[%multiple_of3A_35] : memref<10272768xi32, #tpu.memory_space<hbm>> -> memref<256xi32, #tpu.memory_space<hbm>>
        %dma_start3A_40 = tpu.memref_slice %arg7[%multiple_of3A_31] : memref<4112xi32, #tpu.memory_space<vmem>> -> memref<256xi32, #tpu.memory_space<vmem>>
        tpu.enqueue_dma source(%dma_start3A_40 : memref<256xi32, #tpu.memory_space<vmem>>) target(%dma_start3A_39 : memref<256xi32, #tpu.memory_space<hbm>>) target_semaphore(%run_scoped3A : memref<!tpu.dma_semaphore, #tpu.memory_space<semaphore_mem>>)
        %dma_wait3A = tpu.memref_slice %arg7[%multiple_of3A_31] : memref<4112xi32, #tpu.memory_space<vmem>> -> memref<256xi32, #tpu.memory_space<vmem>>
        %dma_wait3A_41 = tpu.memref_slice %arg3[%multiple_of3A_35] : memref<10272768xi32, #tpu.memory_space<hbm>> -> memref<256xi32, #tpu.memory_space<hbm>>
        %dma_wait3A_42 = tpu.memref_slice %arg3[%multiple_of3A_35] : memref<10272768xi32, #tpu.memory_space<hbm>> -> memref<256xi32, #tpu.memory_space<hbm>>
        %dma_wait3A_43 = tpu.memref_slice %arg7[%multiple_of3A_31] : memref<4112xi32, #tpu.memory_space<vmem>> -> memref<256xi32, #tpu.memory_space<vmem>>
        tpu.wait_dma2 semaphore(%run_scoped3A : memref<!tpu.dma_semaphore, #tpu.memory_space<semaphore_mem>>) src(%dma_wait3A_43 : memref<256xi32, #tpu.memory_space<vmem>>) dst(%dma_wait3A_42 : memref<256xi32, #tpu.memory_space<hbm>>)
        tpu.yield
      }) : () -> ()
      "tpu.region"() ({
        %run_scoped3A = tpu.sem_alloc : memref<!tpu.dma_semaphore, #tpu.memory_space<semaphore_mem>>
        %dma_start3A = tpu.memref_slice %arg8[%multiple_of3A_31] : memref<4112xi32, #tpu.memory_space<vmem>> -> memref<256xi32, #tpu.memory_space<vmem>>
        %dma_start3A_38 = tpu.memref_slice %arg4[%multiple_of3A_35] : memref<10272768xi32, #tpu.memory_space<hbm>> -> memref<256xi32, #tpu.memory_space<hbm>>
        %dma_start3A_39 = tpu.memref_slice %arg4[%multiple_of3A_35] : memref<10272768xi32, #tpu.memory_space<hbm>> -> memref<256xi32, #tpu.memory_space<hbm>>
        %dma_start3A_40 = tpu.memref_slice %arg8[%multiple_of3A_31] : memref<4112xi32, #tpu.memory_space<vmem>> -> memref<256xi32, #tpu.memory_space<vmem>>
        tpu.enqueue_dma source(%dma_start3A_40 : memref<256xi32, #tpu.memory_space<vmem>>) target(%dma_start3A_39 : memref<256xi32, #tpu.memory_space<hbm>>) target_semaphore(%run_scoped3A : memref<!tpu.dma_semaphore, #tpu.memory_space<semaphore_mem>>)
        %dma_wait3A = tpu.memref_slice %arg8[%multiple_of3A_31] : memref<4112xi32, #tpu.memory_space<vmem>> -> memref<256xi32, #tpu.memory_space<vmem>>
        %dma_wait3A_41 = tpu.memref_slice %arg4[%multiple_of3A_35] : memref<10272768xi32, #tpu.memory_space<hbm>> -> memref<256xi32, #tpu.memory_space<hbm>>
        %dma_wait3A_42 = tpu.memref_slice %arg4[%multiple_of3A_35] : memref<10272768xi32, #tpu.memory_space<hbm>> -> memref<256xi32, #tpu.memory_space<hbm>>
        %dma_wait3A_43 = tpu.memref_slice %arg8[%multiple_of3A_31] : memref<4112xi32, #tpu.memory_space<vmem>> -> memref<256xi32, #tpu.memory_space<vmem>>
        tpu.wait_dma2 semaphore(%run_scoped3A : memref<!tpu.dma_semaphore, #tpu.memory_space<semaphore_mem>>) src(%dma_wait3A_43 : memref<256xi32, #tpu.memory_space<vmem>>) dst(%dma_wait3A_42 : memref<256xi32, #tpu.memory_space<hbm>>)
        tpu.yield
      }) : () -> ()
      %add3A_36 = arith.constant 256 : i32
      %add3A_37 = arith.addi %while3A_29, %add3A_36 : i32
      scf.yield %while3A_28, %add3A_37 : i32, i32
    }
    %broadcast_in_dim3A_21 = arith.constant 0 : i32
    %broadcast_in_dim3A_22 = vector.broadcast %broadcast_in_dim3A_21 : i32 to vector<16xi32>
    %add3A_23 = vector.broadcast %scan3A_11#0 : i32 to vector<16xi32>
    %add3A_24 = arith.addi %broadcast_in_dim3A_22, %add3A_23 : vector<16xi32>
    %swap3A = arith.constant 0 : index
    %swap3A_25 = tpu.vector_load %arg9[%swap3A] {strides = array<i32>} : memref<16xi32, #tpu.memory_space<vmem>>, vector<16xi32>,
    tpu.vector_store %arg9[%swap3A], %add3A_24 {strides = array<i32>} : memref<16xi32, #tpu.memory_space<vmem>>, vector<16xi32>,
    %mul3A_26 = arith.constant 16 : i32
    %mul3A_27 = arith.muli %add3A, %mul3A_26 : i32
    %multiple_of3A = tpu.assume_multiple %mul3A_27, 16 : i32
    "tpu.region"() ({
      %run_scoped3A = tpu.sem_alloc : memref<!tpu.dma_semaphore, #tpu.memory_space<semaphore_mem>>
      %dma_start3A = tpu.memref_slice %arg5[%multiple_of3A] : memref<512xi32, #tpu.memory_space<hbm>> -> memref<16xi32, #tpu.memory_space<hbm>>
      %dma_start3A_28 = tpu.memref_slice %arg5[%multiple_of3A] : memref<512xi32, #tpu.memory_space<hbm>> -> memref<16xi32, #tpu.memory_space<hbm>>
      tpu.enqueue_dma source(%arg9 : memref<16xi32, #tpu.memory_space<vmem>>) target(%dma_start3A_28 : memref<16xi32, #tpu.memory_space<hbm>>) target_semaphore(%run_scoped3A : memref<!tpu.dma_semaphore, #tpu.memory_space<semaphore_mem>>)
      %dma_wait3A = tpu.memref_slice %arg5[%multiple_of3A] : memref<512xi32, #tpu.memory_space<hbm>> -> memref<16xi32, #tpu.memory_space<hbm>>
      %dma_wait3A_29 = tpu.memref_slice %arg5[%multiple_of3A] : memref<512xi32, #tpu.memory_space<hbm>> -> memref<16xi32, #tpu.memory_space<hbm>>
      tpu.wait_dma2 semaphore(%run_scoped3A : memref<!tpu.dma_semaphore, #tpu.memory_space<semaphore_mem>>) src(%arg9 : memref<16xi32, #tpu.memory_space<vmem>>) dst(%dma_wait3A_29 : memref<16xi32, #tpu.memory_space<hbm>>)
      tpu.yield
    }) : () -> ()
    return
  }
}

#map = affine_map<(d0, d1) -> (0, 0)>
#map1 = affine_map<(d0, d1) -> (0)>
module attributes {stable_mosaic.version = 14 : i64} {
  func.func @_gather_body(%arg0: i32, %arg1: i32, %arg2: memref<10000x128xf32, #tpu.memory_space<hbm>>, %arg3: memref<10000x128xf32, #tpu.memory_space<hbm>>, %arg4: memref<320000xi32, #tpu.memory_space<hbm>>, %arg5: memref<320000xi32, #tpu.memory_space<hbm>>, %arg6: memref<320000x128xf32, #tpu.memory_space<hbm>>, %arg7: memref<320000x128xf32, #tpu.memory_space<hbm>>, %arg8: memref<200xi32, #tpu.memory_space<vmem>>, %arg9: memref<200xi32, #tpu.memory_space<vmem>>, %arg10: memref<200xi32, #tpu.memory_space<vmem>>, %arg11: memref<200xi32, #tpu.memory_space<vmem>>, %arg12: memref<200x128xf32, #tpu.memory_space<vmem>>, %arg13: memref<200x128xf32, #tpu.memory_space<vmem>>, %arg14: memref<200x128xf32, #tpu.memory_space<vmem>>, %arg15: memref<200x128xf32, #tpu.memory_space<vmem>>, %arg16: memref<!tpu.dma_semaphore, #tpu.memory_space<semaphore_mem>>, %arg17: memref<!tpu.dma_semaphore, #tpu.memory_space<semaphore_mem>>) attributes {dimension_semantics = [#tpu.dimension_semantics<core_parallel>, #tpu.dimension_semantics<subcore_parallel>], iteration_bounds = array<i64: 2, 16>, scalar_prefetch = 0 : i64, scratch_operands = 10 : i64, tpu.core_type = #tpu.core_type<sc_vector_subcore>, window_params = [{transform_indices = #map}, {transform_indices = #map}, {transform_indices = #map1}, {transform_indices = #map1}, {transform_indices = #map}, {transform_indices = #map}]} {
    %mul3A = arith.constant 2 : i32
    %mul3A_0 = arith.muli %arg1, %mul3A : i32
    %add3A = arith.addi %mul3A_0, %arg0 : i32
    %mul3A_1 = arith.constant 10000 : i32
    %mul3A_2 = arith.muli %add3A, %mul3A_1 : i32
    %add3A_3 = arith.constant 0 : i32
    %add3A_4 = arith.addi %mul3A_2, %add3A_3 : i32
    "tpu.region"() ({
      %run_scoped3A = tpu.sem_alloc : memref<!tpu.dma_semaphore, #tpu.memory_space<semaphore_mem>>
      %dma_start3A_198 = tpu.memref_slice %arg4[%add3A_4] : memref<320000xi32, #tpu.memory_space<hbm>> -> memref<200xi32, #tpu.memory_space<hbm>>
      %dma_start3A_199 = tpu.memref_slice %arg4[%add3A_4] : memref<320000xi32, #tpu.memory_space<hbm>> -> memref<200xi32, #tpu.memory_space<hbm>>
      tpu.enqueue_dma source(%dma_start3A_199 : memref<200xi32, #tpu.memory_space<hbm>>) target(%arg8 : memref<200xi32, #tpu.memory_space<vmem>>) target_semaphore(%run_scoped3A : memref<!tpu.dma_semaphore, #tpu.memory_space<semaphore_mem>>)
      %dma_wait3A_200 = tpu.memref_slice %arg4[%add3A_4] : memref<320000xi32, #tpu.memory_space<hbm>> -> memref<200xi32, #tpu.memory_space<hbm>>
      %dma_wait3A_201 = tpu.memref_slice %arg4[%add3A_4] : memref<320000xi32, #tpu.memory_space<hbm>> -> memref<200xi32, #tpu.memory_space<hbm>>
      tpu.wait_dma2 semaphore(%run_scoped3A : memref<!tpu.dma_semaphore, #tpu.memory_space<semaphore_mem>>) src(%dma_wait3A_201 : memref<200xi32, #tpu.memory_space<hbm>>) dst(%arg8 : memref<200xi32, #tpu.memory_space<vmem>>)
      tpu.yield
    }) : () -> ()
    "tpu.region"() ({
      %run_scoped3A = tpu.sem_alloc : memref<!tpu.dma_semaphore, #tpu.memory_space<semaphore_mem>>
      %dma_start3A_198 = tpu.memref_slice %arg5[%add3A_4] : memref<320000xi32, #tpu.memory_space<hbm>> -> memref<200xi32, #tpu.memory_space<hbm>>
      %dma_start3A_199 = tpu.memref_slice %arg5[%add3A_4] : memref<320000xi32, #tpu.memory_space<hbm>> -> memref<200xi32, #tpu.memory_space<hbm>>
      tpu.enqueue_dma source(%dma_start3A_199 : memref<200xi32, #tpu.memory_space<hbm>>) target(%arg9 : memref<200xi32, #tpu.memory_space<vmem>>) target_semaphore(%run_scoped3A : memref<!tpu.dma_semaphore, #tpu.memory_space<semaphore_mem>>)
      %dma_wait3A_200 = tpu.memref_slice %arg5[%add3A_4] : memref<320000xi32, #tpu.memory_space<hbm>> -> memref<200xi32, #tpu.memory_space<hbm>>
      %dma_wait3A_201 = tpu.memref_slice %arg5[%add3A_4] : memref<320000xi32, #tpu.memory_space<hbm>> -> memref<200xi32, #tpu.memory_space<hbm>>
      tpu.wait_dma2 semaphore(%run_scoped3A : memref<!tpu.dma_semaphore, #tpu.memory_space<semaphore_mem>>) src(%dma_wait3A_201 : memref<200xi32, #tpu.memory_space<hbm>>) dst(%arg9 : memref<200xi32, #tpu.memory_space<vmem>>)
      tpu.yield
    }) : () -> ()
    %dma_start3A = arith.constant 0 : i32
    %dma_start3A_5 = arith.constant 0 : i32
    %dma_start3A_6 = tpu.memref_slice %arg12[%dma_start3A, %dma_start3A_5] : memref<200x128xf32, #tpu.memory_space<vmem>> -> memref<40x128xf32, #tpu.memory_space<vmem>>
    %dma_start3A_7 = arith.constant 0 : i32
    %dma_start3A_8 = tpu.memref_slice %arg8[%dma_start3A_7] : memref<200xi32, #tpu.memory_space<vmem>> -> memref<40xi32, #tpu.memory_space<vmem>>
    %dma_start3A_9 = arith.constant 0 : i32
    %dma_start3A_10 = arith.constant 0 : i32
    %dma_start3A_11 = tpu.memref_slice %arg2[%dma_start3A_9, %dma_start3A_10] : memref<10000x128xf32, #tpu.memory_space<hbm>> -> memref<10000x128xf32, #tpu.memory_space<hbm>>
    tpu.enqueue_indirect_dma source(%dma_start3A_11 : memref<10000x128xf32, #tpu.memory_space<hbm>>) target(%dma_start3A_6 : memref<40x128xf32, #tpu.memory_space<vmem>>) offsets(%dma_start3A_8 : memref<40xi32, #tpu.memory_space<vmem>>) semaphore(%arg16 : memref<!tpu.dma_semaphore, #tpu.memory_space<semaphore_mem>>)
    %dma_start3A_12 = arith.constant 0 : i32
    %dma_start3A_13 = arith.constant 0 : i32
    %dma_start3A_14 = tpu.memref_slice %arg13[%dma_start3A_12, %dma_start3A_13] : memref<200x128xf32, #tpu.memory_space<vmem>> -> memref<40x128xf32, #tpu.memory_space<vmem>>
    %dma_start3A_15 = arith.constant 0 : i32
    %dma_start3A_16 = tpu.memref_slice %arg9[%dma_start3A_15] : memref<200xi32, #tpu.memory_space<vmem>> -> memref<40xi32, #tpu.memory_space<vmem>>
    %dma_start3A_17 = arith.constant 0 : i32
    %dma_start3A_18 = arith.constant 0 : i32
    %dma_start3A_19 = tpu.memref_slice %arg3[%dma_start3A_17, %dma_start3A_18] : memref<10000x128xf32, #tpu.memory_space<hbm>> -> memref<10000x128xf32, #tpu.memory_space<hbm>>
    tpu.enqueue_indirect_dma source(%dma_start3A_19 : memref<10000x128xf32, #tpu.memory_space<hbm>>) target(%dma_start3A_14 : memref<40x128xf32, #tpu.memory_space<vmem>>) offsets(%dma_start3A_16 : memref<40xi32, #tpu.memory_space<vmem>>) semaphore(%arg16 : memref<!tpu.dma_semaphore, #tpu.memory_space<semaphore_mem>>)
    %dma_start3A_20 = arith.constant 40 : i32
    %dma_start3A_21 = arith.constant 0 : i32
    %dma_start3A_22 = tpu.memref_slice %arg12[%dma_start3A_20, %dma_start3A_21] : memref<200x128xf32, #tpu.memory_space<vmem>> -> memref<40x128xf32, #tpu.memory_space<vmem>>
    %dma_start3A_23 = arith.constant 40 : i32
    %dma_start3A_24 = tpu.memref_slice %arg8[%dma_start3A_23] : memref<200xi32, #tpu.memory_space<vmem>> -> memref<40xi32, #tpu.memory_space<vmem>>
    %dma_start3A_25 = arith.constant 0 : i32
    %dma_start3A_26 = arith.constant 0 : i32
    %dma_start3A_27 = tpu.memref_slice %arg2[%dma_start3A_25, %dma_start3A_26] : memref<10000x128xf32, #tpu.memory_space<hbm>> -> memref<10000x128xf32, #tpu.memory_space<hbm>>
    tpu.enqueue_indirect_dma source(%dma_start3A_27 : memref<10000x128xf32, #tpu.memory_space<hbm>>) target(%dma_start3A_22 : memref<40x128xf32, #tpu.memory_space<vmem>>) offsets(%dma_start3A_24 : memref<40xi32, #tpu.memory_space<vmem>>) semaphore(%arg16 : memref<!tpu.dma_semaphore, #tpu.memory_space<semaphore_mem>>)
    %dma_start3A_28 = arith.constant 40 : i32
    %dma_start3A_29 = arith.constant 0 : i32
    %dma_start3A_30 = tpu.memref_slice %arg13[%dma_start3A_28, %dma_start3A_29] : memref<200x128xf32, #tpu.memory_space<vmem>> -> memref<40x128xf32, #tpu.memory_space<vmem>>
    %dma_start3A_31 = arith.constant 40 : i32
    %dma_start3A_32 = tpu.memref_slice %arg9[%dma_start3A_31] : memref<200xi32, #tpu.memory_space<vmem>> -> memref<40xi32, #tpu.memory_space<vmem>>
    %dma_start3A_33 = arith.constant 0 : i32
    %dma_start3A_34 = arith.constant 0 : i32
    %dma_start3A_35 = tpu.memref_slice %arg3[%dma_start3A_33, %dma_start3A_34] : memref<10000x128xf32, #tpu.memory_space<hbm>> -> memref<10000x128xf32, #tpu.memory_space<hbm>>
    tpu.enqueue_indirect_dma source(%dma_start3A_35 : memref<10000x128xf32, #tpu.memory_space<hbm>>) target(%dma_start3A_30 : memref<40x128xf32, #tpu.memory_space<vmem>>) offsets(%dma_start3A_32 : memref<40xi32, #tpu.memory_space<vmem>>) semaphore(%arg16 : memref<!tpu.dma_semaphore, #tpu.memory_space<semaphore_mem>>)
    %dma_start3A_36 = arith.constant 80 : i32
    %dma_start3A_37 = arith.constant 0 : i32
    %dma_start3A_38 = tpu.memref_slice %arg12[%dma_start3A_36, %dma_start3A_37] : memref<200x128xf32, #tpu.memory_space<vmem>> -> memref<40x128xf32, #tpu.memory_space<vmem>>
    %dma_start3A_39 = arith.constant 80 : i32
    %dma_start3A_40 = tpu.memref_slice %arg8[%dma_start3A_39] : memref<200xi32, #tpu.memory_space<vmem>> -> memref<40xi32, #tpu.memory_space<vmem>>
    %dma_start3A_41 = arith.constant 0 : i32
    %dma_start3A_42 = arith.constant 0 : i32
    %dma_start3A_43 = tpu.memref_slice %arg2[%dma_start3A_41, %dma_start3A_42] : memref<10000x128xf32, #tpu.memory_space<hbm>> -> memref<10000x128xf32, #tpu.memory_space<hbm>>
    tpu.enqueue_indirect_dma source(%dma_start3A_43 : memref<10000x128xf32, #tpu.memory_space<hbm>>) target(%dma_start3A_38 : memref<40x128xf32, #tpu.memory_space<vmem>>) offsets(%dma_start3A_40 : memref<40xi32, #tpu.memory_space<vmem>>) semaphore(%arg16 : memref<!tpu.dma_semaphore, #tpu.memory_space<semaphore_mem>>)
    %dma_start3A_44 = arith.constant 80 : i32
    %dma_start3A_45 = arith.constant 0 : i32
    %dma_start3A_46 = tpu.memref_slice %arg13[%dma_start3A_44, %dma_start3A_45] : memref<200x128xf32, #tpu.memory_space<vmem>> -> memref<40x128xf32, #tpu.memory_space<vmem>>
    %dma_start3A_47 = arith.constant 80 : i32
    %dma_start3A_48 = tpu.memref_slice %arg9[%dma_start3A_47] : memref<200xi32, #tpu.memory_space<vmem>> -> memref<40xi32, #tpu.memory_space<vmem>>
    %dma_start3A_49 = arith.constant 0 : i32
    %dma_start3A_50 = arith.constant 0 : i32
    %dma_start3A_51 = tpu.memref_slice %arg3[%dma_start3A_49, %dma_start3A_50] : memref<10000x128xf32, #tpu.memory_space<hbm>> -> memref<10000x128xf32, #tpu.memory_space<hbm>>
    tpu.enqueue_indirect_dma source(%dma_start3A_51 : memref<10000x128xf32, #tpu.memory_space<hbm>>) target(%dma_start3A_46 : memref<40x128xf32, #tpu.memory_space<vmem>>) offsets(%dma_start3A_48 : memref<40xi32, #tpu.memory_space<vmem>>) semaphore(%arg16 : memref<!tpu.dma_semaphore, #tpu.memory_space<semaphore_mem>>)
    %dma_start3A_52 = arith.constant 120 : i32
    %dma_start3A_53 = arith.constant 0 : i32
    %dma_start3A_54 = tpu.memref_slice %arg12[%dma_start3A_52, %dma_start3A_53] : memref<200x128xf32, #tpu.memory_space<vmem>> -> memref<40x128xf32, #tpu.memory_space<vmem>>
    %dma_start3A_55 = arith.constant 120 : i32
    %dma_start3A_56 = tpu.memref_slice %arg8[%dma_start3A_55] : memref<200xi32, #tpu.memory_space<vmem>> -> memref<40xi32, #tpu.memory_space<vmem>>
    %dma_start3A_57 = arith.constant 0 : i32
    %dma_start3A_58 = arith.constant 0 : i32
    %dma_start3A_59 = tpu.memref_slice %arg2[%dma_start3A_57, %dma_start3A_58] : memref<10000x128xf32, #tpu.memory_space<hbm>> -> memref<10000x128xf32, #tpu.memory_space<hbm>>
    tpu.enqueue_indirect_dma source(%dma_start3A_59 : memref<10000x128xf32, #tpu.memory_space<hbm>>) target(%dma_start3A_54 : memref<40x128xf32, #tpu.memory_space<vmem>>) offsets(%dma_start3A_56 : memref<40xi32, #tpu.memory_space<vmem>>) semaphore(%arg16 : memref<!tpu.dma_semaphore, #tpu.memory_space<semaphore_mem>>)
    %dma_start3A_60 = arith.constant 120 : i32
    %dma_start3A_61 = arith.constant 0 : i32
    %dma_start3A_62 = tpu.memref_slice %arg13[%dma_start3A_60, %dma_start3A_61] : memref<200x128xf32, #tpu.memory_space<vmem>> -> memref<40x128xf32, #tpu.memory_space<vmem>>
    %dma_start3A_63 = arith.constant 120 : i32
    %dma_start3A_64 = tpu.memref_slice %arg9[%dma_start3A_63] : memref<200xi32, #tpu.memory_space<vmem>> -> memref<40xi32, #tpu.memory_space<vmem>>
    %dma_start3A_65 = arith.constant 0 : i32
    %dma_start3A_66 = arith.constant 0 : i32
    %dma_start3A_67 = tpu.memref_slice %arg3[%dma_start3A_65, %dma_start3A_66] : memref<10000x128xf32, #tpu.memory_space<hbm>> -> memref<10000x128xf32, #tpu.memory_space<hbm>>
    tpu.enqueue_indirect_dma source(%dma_start3A_67 : memref<10000x128xf32, #tpu.memory_space<hbm>>) target(%dma_start3A_62 : memref<40x128xf32, #tpu.memory_space<vmem>>) offsets(%dma_start3A_64 : memref<40xi32, #tpu.memory_space<vmem>>) semaphore(%arg16 : memref<!tpu.dma_semaphore, #tpu.memory_space<semaphore_mem>>)
    %dma_start3A_68 = arith.constant 160 : i32
    %dma_start3A_69 = arith.constant 0 : i32
    %dma_start3A_70 = tpu.memref_slice %arg12[%dma_start3A_68, %dma_start3A_69] : memref<200x128xf32, #tpu.memory_space<vmem>> -> memref<40x128xf32, #tpu.memory_space<vmem>>
    %dma_start3A_71 = arith.constant 160 : i32
    %dma_start3A_72 = tpu.memref_slice %arg8[%dma_start3A_71] : memref<200xi32, #tpu.memory_space<vmem>> -> memref<40xi32, #tpu.memory_space<vmem>>
    %dma_start3A_73 = arith.constant 0 : i32
    %dma_start3A_74 = arith.constant 0 : i32
    %dma_start3A_75 = tpu.memref_slice %arg2[%dma_start3A_73, %dma_start3A_74] : memref<10000x128xf32, #tpu.memory_space<hbm>> -> memref<10000x128xf32, #tpu.memory_space<hbm>>
    tpu.enqueue_indirect_dma source(%dma_start3A_75 : memref<10000x128xf32, #tpu.memory_space<hbm>>) target(%dma_start3A_70 : memref<40x128xf32, #tpu.memory_space<vmem>>) offsets(%dma_start3A_72 : memref<40xi32, #tpu.memory_space<vmem>>) semaphore(%arg16 : memref<!tpu.dma_semaphore, #tpu.memory_space<semaphore_mem>>)
    %dma_start3A_76 = arith.constant 160 : i32
    %dma_start3A_77 = arith.constant 0 : i32
    %dma_start3A_78 = tpu.memref_slice %arg13[%dma_start3A_76, %dma_start3A_77] : memref<200x128xf32, #tpu.memory_space<vmem>> -> memref<40x128xf32, #tpu.memory_space<vmem>>
    %dma_start3A_79 = arith.constant 160 : i32
    %dma_start3A_80 = tpu.memref_slice %arg9[%dma_start3A_79] : memref<200xi32, #tpu.memory_space<vmem>> -> memref<40xi32, #tpu.memory_space<vmem>>
    %dma_start3A_81 = arith.constant 0 : i32
    %dma_start3A_82 = arith.constant 0 : i32
    %dma_start3A_83 = tpu.memref_slice %arg3[%dma_start3A_81, %dma_start3A_82] : memref<10000x128xf32, #tpu.memory_space<hbm>> -> memref<10000x128xf32, #tpu.memory_space<hbm>>
    tpu.enqueue_indirect_dma source(%dma_start3A_83 : memref<10000x128xf32, #tpu.memory_space<hbm>>) target(%dma_start3A_78 : memref<40x128xf32, #tpu.memory_space<vmem>>) offsets(%dma_start3A_80 : memref<40xi32, #tpu.memory_space<vmem>>) semaphore(%arg16 : memref<!tpu.dma_semaphore, #tpu.memory_space<semaphore_mem>>)
    %scan3A = arith.constant 0 : i32
    %scan3A_84 = arith.constant 0 : i32
    %scan3A_85 = arith.constant 24 : i32
    %scan3A_86 = arith.addi %scan3A_84, %scan3A_85 : i32
    %scan3A_87 = arith.constant 1 : i32
    scf.for %scan3A_198 = %scan3A_84 to %scan3A_86 step %scan3A_87  : i32 {
      %mul3A_199 = arith.constant 2 : i32
      %mul3A_200 = arith.muli %scan3A_198, %mul3A_199 : i32
      %add3A_201 = arith.constant 1 : i32
      %add3A_202 = arith.addi %mul3A_200, %add3A_201 : i32
      %mul3A_203 = arith.constant 200 : i32
      %mul3A_204 = arith.muli %add3A_202, %mul3A_203 : i32
      %add3A_205 = arith.addi %mul3A_2, %mul3A_204 : i32
      "tpu.region"() ({
        %run_scoped3A = tpu.sem_alloc : memref<!tpu.dma_semaphore, #tpu.memory_space<semaphore_mem>>
        %dma_start3A_403 = tpu.memref_slice %arg4[%add3A_205] : memref<320000xi32, #tpu.memory_space<hbm>> -> memref<200xi32, #tpu.memory_space<hbm>>
        %dma_start3A_404 = tpu.memref_slice %arg4[%add3A_205] : memref<320000xi32, #tpu.memory_space<hbm>> -> memref<200xi32, #tpu.memory_space<hbm>>
        tpu.enqueue_dma source(%dma_start3A_404 : memref<200xi32, #tpu.memory_space<hbm>>) target(%arg10 : memref<200xi32, #tpu.memory_space<vmem>>) target_semaphore(%run_scoped3A : memref<!tpu.dma_semaphore, #tpu.memory_space<semaphore_mem>>)
        %dma_wait3A_405 = tpu.memref_slice %arg4[%add3A_205] : memref<320000xi32, #tpu.memory_space<hbm>> -> memref<200xi32, #tpu.memory_space<hbm>>
        %dma_wait3A_406 = tpu.memref_slice %arg4[%add3A_205] : memref<320000xi32, #tpu.memory_space<hbm>> -> memref<200xi32, #tpu.memory_space<hbm>>
        tpu.wait_dma2 semaphore(%run_scoped3A : memref<!tpu.dma_semaphore, #tpu.memory_space<semaphore_mem>>) src(%dma_wait3A_406 : memref<200xi32, #tpu.memory_space<hbm>>) dst(%arg10 : memref<200xi32, #tpu.memory_space<vmem>>)
        tpu.yield
      }) : () -> ()
      "tpu.region"() ({
        %run_scoped3A = tpu.sem_alloc : memref<!tpu.dma_semaphore, #tpu.memory_space<semaphore_mem>>
        %dma_start3A_403 = tpu.memref_slice %arg5[%add3A_205] : memref<320000xi32, #tpu.memory_space<hbm>> -> memref<200xi32, #tpu.memory_space<hbm>>
        %dma_start3A_404 = tpu.memref_slice %arg5[%add3A_205] : memref<320000xi32, #tpu.memory_space<hbm>> -> memref<200xi32, #tpu.memory_space<hbm>>
        tpu.enqueue_dma source(%dma_start3A_404 : memref<200xi32, #tpu.memory_space<hbm>>) target(%arg11 : memref<200xi32, #tpu.memory_space<vmem>>) target_semaphore(%run_scoped3A : memref<!tpu.dma_semaphore, #tpu.memory_space<semaphore_mem>>)
        %dma_wait3A_405 = tpu.memref_slice %arg5[%add3A_205] : memref<320000xi32, #tpu.memory_space<hbm>> -> memref<200xi32, #tpu.memory_space<hbm>>
        %dma_wait3A_406 = tpu.memref_slice %arg5[%add3A_205] : memref<320000xi32, #tpu.memory_space<hbm>> -> memref<200xi32, #tpu.memory_space<hbm>>
        tpu.wait_dma2 semaphore(%run_scoped3A : memref<!tpu.dma_semaphore, #tpu.memory_space<semaphore_mem>>) src(%dma_wait3A_406 : memref<200xi32, #tpu.memory_space<hbm>>) dst(%arg11 : memref<200xi32, #tpu.memory_space<vmem>>)
        tpu.yield
      }) : () -> ()
      %dma_start3A_206 = arith.constant 0 : i32
      %dma_start3A_207 = arith.constant 0 : i32
      %dma_start3A_208 = tpu.memref_slice %arg14[%dma_start3A_206, %dma_start3A_207] : memref<200x128xf32, #tpu.memory_space<vmem>> -> memref<40x128xf32, #tpu.memory_space<vmem>>
      %dma_start3A_209 = arith.constant 0 : i32
      %dma_start3A_210 = tpu.memref_slice %arg10[%dma_start3A_209] : memref<200xi32, #tpu.memory_space<vmem>> -> memref<40xi32, #tpu.memory_space<vmem>>
      %dma_start3A_211 = arith.constant 0 : i32
      %dma_start3A_212 = arith.constant 0 : i32
      %dma_start3A_213 = tpu.memref_slice %arg2[%dma_start3A_211, %dma_start3A_212] : memref<10000x128xf32, #tpu.memory_space<hbm>> -> memref<10000x128xf32, #tpu.memory_space<hbm>>
      tpu.enqueue_indirect_dma source(%dma_start3A_213 : memref<10000x128xf32, #tpu.memory_space<hbm>>) target(%dma_start3A_208 : memref<40x128xf32, #tpu.memory_space<vmem>>) offsets(%dma_start3A_210 : memref<40xi32, #tpu.memory_space<vmem>>) semaphore(%arg17 : memref<!tpu.dma_semaphore, #tpu.memory_space<semaphore_mem>>)
      %dma_start3A_214 = arith.constant 0 : i32
      %dma_start3A_215 = arith.constant 0 : i32
      %dma_start3A_216 = tpu.memref_slice %arg15[%dma_start3A_214, %dma_start3A_215] : memref<200x128xf32, #tpu.memory_space<vmem>> -> memref<40x128xf32, #tpu.memory_space<vmem>>
      %dma_start3A_217 = arith.constant 0 : i32
      %dma_start3A_218 = tpu.memref_slice %arg11[%dma_start3A_217] : memref<200xi32, #tpu.memory_space<vmem>> -> memref<40xi32, #tpu.memory_space<vmem>>
      %dma_start3A_219 = arith.constant 0 : i32
      %dma_start3A_220 = arith.constant 0 : i32
      %dma_start3A_221 = tpu.memref_slice %arg3[%dma_start3A_219, %dma_start3A_220] : memref<10000x128xf32, #tpu.memory_space<hbm>> -> memref<10000x128xf32, #tpu.memory_space<hbm>>
      tpu.enqueue_indirect_dma source(%dma_start3A_221 : memref<10000x128xf32, #tpu.memory_space<hbm>>) target(%dma_start3A_216 : memref<40x128xf32, #tpu.memory_space<vmem>>) offsets(%dma_start3A_218 : memref<40xi32, #tpu.memory_space<vmem>>) semaphore(%arg17 : memref<!tpu.dma_semaphore, #tpu.memory_space<semaphore_mem>>)
      %dma_start3A_222 = arith.constant 40 : i32
      %dma_start3A_223 = arith.constant 0 : i32
      %dma_start3A_224 = tpu.memref_slice %arg14[%dma_start3A_222, %dma_start3A_223] : memref<200x128xf32, #tpu.memory_space<vmem>> -> memref<40x128xf32, #tpu.memory_space<vmem>>
      %dma_start3A_225 = arith.constant 40 : i32
      %dma_start3A_226 = tpu.memref_slice %arg10[%dma_start3A_225] : memref<200xi32, #tpu.memory_space<vmem>> -> memref<40xi32, #tpu.memory_space<vmem>>
      %dma_start3A_227 = arith.constant 0 : i32
      %dma_start3A_228 = arith.constant 0 : i32
      %dma_start3A_229 = tpu.memref_slice %arg2[%dma_start3A_227, %dma_start3A_228] : memref<10000x128xf32, #tpu.memory_space<hbm>> -> memref<10000x128xf32, #tpu.memory_space<hbm>>
      tpu.enqueue_indirect_dma source(%dma_start3A_229 : memref<10000x128xf32, #tpu.memory_space<hbm>>) target(%dma_start3A_224 : memref<40x128xf32, #tpu.memory_space<vmem>>) offsets(%dma_start3A_226 : memref<40xi32, #tpu.memory_space<vmem>>) semaphore(%arg17 : memref<!tpu.dma_semaphore, #tpu.memory_space<semaphore_mem>>)
      %dma_start3A_230 = arith.constant 40 : i32
      %dma_start3A_231 = arith.constant 0 : i32
      %dma_start3A_232 = tpu.memref_slice %arg15[%dma_start3A_230, %dma_start3A_231] : memref<200x128xf32, #tpu.memory_space<vmem>> -> memref<40x128xf32, #tpu.memory_space<vmem>>
      %dma_start3A_233 = arith.constant 40 : i32
      %dma_start3A_234 = tpu.memref_slice %arg11[%dma_start3A_233] : memref<200xi32, #tpu.memory_space<vmem>> -> memref<40xi32, #tpu.memory_space<vmem>>
      %dma_start3A_235 = arith.constant 0 : i32
      %dma_start3A_236 = arith.constant 0 : i32
      %dma_start3A_237 = tpu.memref_slice %arg3[%dma_start3A_235, %dma_start3A_236] : memref<10000x128xf32, #tpu.memory_space<hbm>> -> memref<10000x128xf32, #tpu.memory_space<hbm>>
      tpu.enqueue_indirect_dma source(%dma_start3A_237 : memref<10000x128xf32, #tpu.memory_space<hbm>>) target(%dma_start3A_232 : memref<40x128xf32, #tpu.memory_space<vmem>>) offsets(%dma_start3A_234 : memref<40xi32, #tpu.memory_space<vmem>>) semaphore(%arg17 : memref<!tpu.dma_semaphore, #tpu.memory_space<semaphore_mem>>)
      %dma_start3A_238 = arith.constant 80 : i32
      %dma_start3A_239 = arith.constant 0 : i32
      %dma_start3A_240 = tpu.memref_slice %arg14[%dma_start3A_238, %dma_start3A_239] : memref<200x128xf32, #tpu.memory_space<vmem>> -> memref<40x128xf32, #tpu.memory_space<vmem>>
      %dma_start3A_241 = arith.constant 80 : i32
      %dma_start3A_242 = tpu.memref_slice %arg10[%dma_start3A_241] : memref<200xi32, #tpu.memory_space<vmem>> -> memref<40xi32, #tpu.memory_space<vmem>>
      %dma_start3A_243 = arith.constant 0 : i32
      %dma_start3A_244 = arith.constant 0 : i32
      %dma_start3A_245 = tpu.memref_slice %arg2[%dma_start3A_243, %dma_start3A_244] : memref<10000x128xf32, #tpu.memory_space<hbm>> -> memref<10000x128xf32, #tpu.memory_space<hbm>>
      tpu.enqueue_indirect_dma source(%dma_start3A_245 : memref<10000x128xf32, #tpu.memory_space<hbm>>) target(%dma_start3A_240 : memref<40x128xf32, #tpu.memory_space<vmem>>) offsets(%dma_start3A_242 : memref<40xi32, #tpu.memory_space<vmem>>) semaphore(%arg17 : memref<!tpu.dma_semaphore, #tpu.memory_space<semaphore_mem>>)
      %dma_start3A_246 = arith.constant 80 : i32
      %dma_start3A_247 = arith.constant 0 : i32
      %dma_start3A_248 = tpu.memref_slice %arg15[%dma_start3A_246, %dma_start3A_247] : memref<200x128xf32, #tpu.memory_space<vmem>> -> memref<40x128xf32, #tpu.memory_space<vmem>>
      %dma_start3A_249 = arith.constant 80 : i32
      %dma_start3A_250 = tpu.memref_slice %arg11[%dma_start3A_249] : memref<200xi32, #tpu.memory_space<vmem>> -> memref<40xi32, #tpu.memory_space<vmem>>
      %dma_start3A_251 = arith.constant 0 : i32
      %dma_start3A_252 = arith.constant 0 : i32
      %dma_start3A_253 = tpu.memref_slice %arg3[%dma_start3A_251, %dma_start3A_252] : memref<10000x128xf32, #tpu.memory_space<hbm>> -> memref<10000x128xf32, #tpu.memory_space<hbm>>
      tpu.enqueue_indirect_dma source(%dma_start3A_253 : memref<10000x128xf32, #tpu.memory_space<hbm>>) target(%dma_start3A_248 : memref<40x128xf32, #tpu.memory_space<vmem>>) offsets(%dma_start3A_250 : memref<40xi32, #tpu.memory_space<vmem>>) semaphore(%arg17 : memref<!tpu.dma_semaphore, #tpu.memory_space<semaphore_mem>>)
      %dma_start3A_254 = arith.constant 120 : i32
      %dma_start3A_255 = arith.constant 0 : i32
      %dma_start3A_256 = tpu.memref_slice %arg14[%dma_start3A_254, %dma_start3A_255] : memref<200x128xf32, #tpu.memory_space<vmem>> -> memref<40x128xf32, #tpu.memory_space<vmem>>
      %dma_start3A_257 = arith.constant 120 : i32
      %dma_start3A_258 = tpu.memref_slice %arg10[%dma_start3A_257] : memref<200xi32, #tpu.memory_space<vmem>> -> memref<40xi32, #tpu.memory_space<vmem>>
      %dma_start3A_259 = arith.constant 0 : i32
      %dma_start3A_260 = arith.constant 0 : i32
      %dma_start3A_261 = tpu.memref_slice %arg2[%dma_start3A_259, %dma_start3A_260] : memref<10000x128xf32, #tpu.memory_space<hbm>> -> memref<10000x128xf32, #tpu.memory_space<hbm>>
      tpu.enqueue_indirect_dma source(%dma_start3A_261 : memref<10000x128xf32, #tpu.memory_space<hbm>>) target(%dma_start3A_256 : memref<40x128xf32, #tpu.memory_space<vmem>>) offsets(%dma_start3A_258 : memref<40xi32, #tpu.memory_space<vmem>>) semaphore(%arg17 : memref<!tpu.dma_semaphore, #tpu.memory_space<semaphore_mem>>)
      %dma_start3A_262 = arith.constant 120 : i32
      %dma_start3A_263 = arith.constant 0 : i32
      %dma_start3A_264 = tpu.memref_slice %arg15[%dma_start3A_262, %dma_start3A_263] : memref<200x128xf32, #tpu.memory_space<vmem>> -> memref<40x128xf32, #tpu.memory_space<vmem>>
      %dma_start3A_265 = arith.constant 120 : i32
      %dma_start3A_266 = tpu.memref_slice %arg11[%dma_start3A_265] : memref<200xi32, #tpu.memory_space<vmem>> -> memref<40xi32, #tpu.memory_space<vmem>>
      %dma_start3A_267 = arith.constant 0 : i32
      %dma_start3A_268 = arith.constant 0 : i32
      %dma_start3A_269 = tpu.memref_slice %arg3[%dma_start3A_267, %dma_start3A_268] : memref<10000x128xf32, #tpu.memory_space<hbm>> -> memref<10000x128xf32, #tpu.memory_space<hbm>>
      tpu.enqueue_indirect_dma source(%dma_start3A_269 : memref<10000x128xf32, #tpu.memory_space<hbm>>) target(%dma_start3A_264 : memref<40x128xf32, #tpu.memory_space<vmem>>) offsets(%dma_start3A_266 : memref<40xi32, #tpu.memory_space<vmem>>) semaphore(%arg17 : memref<!tpu.dma_semaphore, #tpu.memory_space<semaphore_mem>>)
      %dma_start3A_270 = arith.constant 160 : i32
      %dma_start3A_271 = arith.constant 0 : i32
      %dma_start3A_272 = tpu.memref_slice %arg14[%dma_start3A_270, %dma_start3A_271] : memref<200x128xf32, #tpu.memory_space<vmem>> -> memref<40x128xf32, #tpu.memory_space<vmem>>
      %dma_start3A_273 = arith.constant 160 : i32
      %dma_start3A_274 = tpu.memref_slice %arg10[%dma_start3A_273] : memref<200xi32, #tpu.memory_space<vmem>> -> memref<40xi32, #tpu.memory_space<vmem>>
      %dma_start3A_275 = arith.constant 0 : i32
      %dma_start3A_276 = arith.constant 0 : i32
      %dma_start3A_277 = tpu.memref_slice %arg2[%dma_start3A_275, %dma_start3A_276] : memref<10000x128xf32, #tpu.memory_space<hbm>> -> memref<10000x128xf32, #tpu.memory_space<hbm>>
      tpu.enqueue_indirect_dma source(%dma_start3A_277 : memref<10000x128xf32, #tpu.memory_space<hbm>>) target(%dma_start3A_272 : memref<40x128xf32, #tpu.memory_space<vmem>>) offsets(%dma_start3A_274 : memref<40xi32, #tpu.memory_space<vmem>>) semaphore(%arg17 : memref<!tpu.dma_semaphore, #tpu.memory_space<semaphore_mem>>)
      %dma_start3A_278 = arith.constant 160 : i32
      %dma_start3A_279 = arith.constant 0 : i32
      %dma_start3A_280 = tpu.memref_slice %arg15[%dma_start3A_278, %dma_start3A_279] : memref<200x128xf32, #tpu.memory_space<vmem>> -> memref<40x128xf32, #tpu.memory_space<vmem>>
      %dma_start3A_281 = arith.constant 160 : i32
      %dma_start3A_282 = tpu.memref_slice %arg11[%dma_start3A_281] : memref<200xi32, #tpu.memory_space<vmem>> -> memref<40xi32, #tpu.memory_space<vmem>>
      %dma_start3A_283 = arith.constant 0 : i32
      %dma_start3A_284 = arith.constant 0 : i32
      %dma_start3A_285 = tpu.memref_slice %arg3[%dma_start3A_283, %dma_start3A_284] : memref<10000x128xf32, #tpu.memory_space<hbm>> -> memref<10000x128xf32, #tpu.memory_space<hbm>>
      tpu.enqueue_indirect_dma source(%dma_start3A_285 : memref<10000x128xf32, #tpu.memory_space<hbm>>) target(%dma_start3A_280 : memref<40x128xf32, #tpu.memory_space<vmem>>) offsets(%dma_start3A_282 : memref<40xi32, #tpu.memory_space<vmem>>) semaphore(%arg17 : memref<!tpu.dma_semaphore, #tpu.memory_space<semaphore_mem>>)
      %mul3A_286 = arith.constant 200 : i32
      %mul3A_287 = arith.muli %mul3A_200, %mul3A_286 : i32
      %add3A_288 = arith.addi %mul3A_2, %mul3A_287 : i32
      %dma_wait3A_289 = arith.constant 0 : i32
      %dma_wait3A_290 = arith.constant 0 : i32
      %dma_wait3A_291 = tpu.memref_slice %arg2[%dma_wait3A_289, %dma_wait3A_290] : memref<10000x128xf32, #tpu.memory_space<hbm>> -> memref<200x128xf32, #tpu.memory_space<hbm>>
      %dma_wait3A_292 = arith.constant 0 : i32
      %dma_wait3A_293 = arith.constant 0 : i32
      %dma_wait3A_294 = tpu.memref_slice %arg2[%dma_wait3A_292, %dma_wait3A_293] : memref<10000x128xf32, #tpu.memory_space<hbm>> -> memref<200x128xf32, #tpu.memory_space<hbm>>
      tpu.wait_dma2 semaphore(%arg16 : memref<!tpu.dma_semaphore, #tpu.memory_space<semaphore_mem>>) src(%dma_wait3A_294 : memref<200x128xf32, #tpu.memory_space<hbm>>) dst(%arg12 : memref<200x128xf32, #tpu.memory_space<vmem>>)
      %dma_wait3A_295 = arith.constant 0 : i32
      %dma_wait3A_296 = arith.constant 0 : i32
      %dma_wait3A_297 = tpu.memref_slice %arg3[%dma_wait3A_295, %dma_wait3A_296] : memref<10000x128xf32, #tpu.memory_space<hbm>> -> memref<200x128xf32, #tpu.memory_space<hbm>>
      %dma_wait3A_298 = arith.constant 0 : i32
      %dma_wait3A_299 = arith.constant 0 : i32
      %dma_wait3A_300 = tpu.memref_slice %arg3[%dma_wait3A_298, %dma_wait3A_299] : memref<10000x128xf32, #tpu.memory_space<hbm>> -> memref<200x128xf32, #tpu.memory_space<hbm>>
      tpu.wait_dma2 semaphore(%arg16 : memref<!tpu.dma_semaphore, #tpu.memory_space<semaphore_mem>>) src(%dma_wait3A_300 : memref<200x128xf32, #tpu.memory_space<hbm>>) dst(%arg13 : memref<200x128xf32, #tpu.memory_space<vmem>>)
      "tpu.region"() ({
        %run_scoped3A = tpu.sem_alloc : memref<!tpu.dma_semaphore, #tpu.memory_space<semaphore_mem>>
        %dma_start3A_403 = arith.constant 0 : i32
        %dma_start3A_404 = tpu.memref_slice %arg6[%add3A_288, %dma_start3A_403] : memref<320000x128xf32, #tpu.memory_space<hbm>> -> memref<200x128xf32, #tpu.memory_space<hbm>>
        %dma_start3A_405 = arith.constant 0 : i32
        %dma_start3A_406 = tpu.memref_slice %arg6[%add3A_288, %dma_start3A_405] : memref<320000x128xf32, #tpu.memory_space<hbm>> -> memref<200x128xf32, #tpu.memory_space<hbm>>
        tpu.enqueue_dma source(%arg12 : memref<200x128xf32, #tpu.memory_space<vmem>>) target(%dma_start3A_406 : memref<200x128xf32, #tpu.memory_space<hbm>>) target_semaphore(%run_scoped3A : memref<!tpu.dma_semaphore, #tpu.memory_space<semaphore_mem>>)
        %dma_wait3A_407 = arith.constant 0 : i32
        %dma_wait3A_408 = tpu.memref_slice %arg6[%add3A_288, %dma_wait3A_407] : memref<320000x128xf32, #tpu.memory_space<hbm>> -> memref<200x128xf32, #tpu.memory_space<hbm>>
        %dma_wait3A_409 = arith.constant 0 : i32
        %dma_wait3A_410 = tpu.memref_slice %arg6[%add3A_288, %dma_wait3A_409] : memref<320000x128xf32, #tpu.memory_space<hbm>> -> memref<200x128xf32, #tpu.memory_space<hbm>>
        tpu.wait_dma2 semaphore(%run_scoped3A : memref<!tpu.dma_semaphore, #tpu.memory_space<semaphore_mem>>) src(%arg12 : memref<200x128xf32, #tpu.memory_space<vmem>>) dst(%dma_wait3A_410 : memref<200x128xf32, #tpu.memory_space<hbm>>)
        tpu.yield
      }) : () -> ()
      "tpu.region"() ({
        %run_scoped3A = tpu.sem_alloc : memref<!tpu.dma_semaphore, #tpu.memory_space<semaphore_mem>>
        %dma_start3A_403 = arith.constant 0 : i32
        %dma_start3A_404 = tpu.memref_slice %arg7[%add3A_288, %dma_start3A_403] : memref<320000x128xf32, #tpu.memory_space<hbm>> -> memref<200x128xf32, #tpu.memory_space<hbm>>
        %dma_start3A_405 = arith.constant 0 : i32
        %dma_start3A_406 = tpu.memref_slice %arg7[%add3A_288, %dma_start3A_405] : memref<320000x128xf32, #tpu.memory_space<hbm>> -> memref<200x128xf32, #tpu.memory_space<hbm>>
        tpu.enqueue_dma source(%arg13 : memref<200x128xf32, #tpu.memory_space<vmem>>) target(%dma_start3A_406 : memref<200x128xf32, #tpu.memory_space<hbm>>) target_semaphore(%run_scoped3A : memref<!tpu.dma_semaphore, #tpu.memory_space<semaphore_mem>>)
        %dma_wait3A_407 = arith.constant 0 : i32
        %dma_wait3A_408 = tpu.memref_slice %arg7[%add3A_288, %dma_wait3A_407] : memref<320000x128xf32, #tpu.memory_space<hbm>> -> memref<200x128xf32, #tpu.memory_space<hbm>>
        %dma_wait3A_409 = arith.constant 0 : i32
        %dma_wait3A_410 = tpu.memref_slice %arg7[%add3A_288, %dma_wait3A_409] : memref<320000x128xf32, #tpu.memory_space<hbm>> -> memref<200x128xf32, #tpu.memory_space<hbm>>
        tpu.wait_dma2 semaphore(%run_scoped3A : memref<!tpu.dma_semaphore, #tpu.memory_space<semaphore_mem>>) src(%arg13 : memref<200x128xf32, #tpu.memory_space<vmem>>) dst(%dma_wait3A_410 : memref<200x128xf32, #tpu.memory_space<hbm>>)
        tpu.yield
      }) : () -> ()
      %add3A_301 = arith.constant 2 : i32
      %add3A_302 = arith.addi %mul3A_200, %add3A_301 : i32
      %mul3A_303 = arith.constant 200 : i32
      %mul3A_304 = arith.muli %add3A_302, %mul3A_303 : i32
      %add3A_305 = arith.addi %mul3A_2, %mul3A_304 : i32
      "tpu.region"() ({
        %run_scoped3A = tpu.sem_alloc : memref<!tpu.dma_semaphore, #tpu.memory_space<semaphore_mem>>
        %dma_start3A_403 = tpu.memref_slice %arg4[%add3A_305] : memref<320000xi32, #tpu.memory_space<hbm>> -> memref<200xi32, #tpu.memory_space<hbm>>
        %dma_start3A_404 = tpu.memref_slice %arg4[%add3A_305] : memref<320000xi32, #tpu.memory_space<hbm>> -> memref<200xi32, #tpu.memory_space<hbm>>
        tpu.enqueue_dma source(%dma_start3A_404 : memref<200xi32, #tpu.memory_space<hbm>>) target(%arg8 : memref<200xi32, #tpu.memory_space<vmem>>) target_semaphore(%run_scoped3A : memref<!tpu.dma_semaphore, #tpu.memory_space<semaphore_mem>>)
        %dma_wait3A_405 = tpu.memref_slice %arg4[%add3A_305] : memref<320000xi32, #tpu.memory_space<hbm>> -> memref<200xi32, #tpu.memory_space<hbm>>
        %dma_wait3A_406 = tpu.memref_slice %arg4[%add3A_305] : memref<320000xi32, #tpu.memory_space<hbm>> -> memref<200xi32, #tpu.memory_space<hbm>>
        tpu.wait_dma2 semaphore(%run_scoped3A : memref<!tpu.dma_semaphore, #tpu.memory_space<semaphore_mem>>) src(%dma_wait3A_406 : memref<200xi32, #tpu.memory_space<hbm>>) dst(%arg8 : memref<200xi32, #tpu.memory_space<vmem>>)
        tpu.yield
      }) : () -> ()
      "tpu.region"() ({
        %run_scoped3A = tpu.sem_alloc : memref<!tpu.dma_semaphore, #tpu.memory_space<semaphore_mem>>
        %dma_start3A_403 = tpu.memref_slice %arg5[%add3A_305] : memref<320000xi32, #tpu.memory_space<hbm>> -> memref<200xi32, #tpu.memory_space<hbm>>
        %dma_start3A_404 = tpu.memref_slice %arg5[%add3A_305] : memref<320000xi32, #tpu.memory_space<hbm>> -> memref<200xi32, #tpu.memory_space<hbm>>
        tpu.enqueue_dma source(%dma_start3A_404 : memref<200xi32, #tpu.memory_space<hbm>>) target(%arg9 : memref<200xi32, #tpu.memory_space<vmem>>) target_semaphore(%run_scoped3A : memref<!tpu.dma_semaphore, #tpu.memory_space<semaphore_mem>>)
        %dma_wait3A_405 = tpu.memref_slice %arg5[%add3A_305] : memref<320000xi32, #tpu.memory_space<hbm>> -> memref<200xi32, #tpu.memory_space<hbm>>
        %dma_wait3A_406 = tpu.memref_slice %arg5[%add3A_305] : memref<320000xi32, #tpu.memory_space<hbm>> -> memref<200xi32, #tpu.memory_space<hbm>>
        tpu.wait_dma2 semaphore(%run_scoped3A : memref<!tpu.dma_semaphore, #tpu.memory_space<semaphore_mem>>) src(%dma_wait3A_406 : memref<200xi32, #tpu.memory_space<hbm>>) dst(%arg9 : memref<200xi32, #tpu.memory_space<vmem>>)
        tpu.yield
      }) : () -> ()
      %dma_start3A_306 = arith.constant 0 : i32
      %dma_start3A_307 = arith.constant 0 : i32
      %dma_start3A_308 = tpu.memref_slice %arg12[%dma_start3A_306, %dma_start3A_307] : memref<200x128xf32, #tpu.memory_space<vmem>> -> memref<40x128xf32, #tpu.memory_space<vmem>>
      %dma_start3A_309 = arith.constant 0 : i32
      %dma_start3A_310 = tpu.memref_slice %arg8[%dma_start3A_309] : memref<200xi32, #tpu.memory_space<vmem>> -> memref<40xi32, #tpu.memory_space<vmem>>
      %dma_start3A_311 = arith.constant 0 : i32
      %dma_start3A_312 = arith.constant 0 : i32
      %dma_start3A_313 = tpu.memref_slice %arg2[%dma_start3A_311, %dma_start3A_312] : memref<10000x128xf32, #tpu.memory_space<hbm>> -> memref<10000x128xf32, #tpu.memory_space<hbm>>
      tpu.enqueue_indirect_dma source(%dma_start3A_313 : memref<10000x128xf32, #tpu.memory_space<hbm>>) target(%dma_start3A_308 : memref<40x128xf32, #tpu.memory_space<vmem>>) offsets(%dma_start3A_310 : memref<40xi32, #tpu.memory_space<vmem>>) semaphore(%arg16 : memref<!tpu.dma_semaphore, #tpu.memory_space<semaphore_mem>>)
      %dma_start3A_314 = arith.constant 0 : i32
      %dma_start3A_315 = arith.constant 0 : i32
      %dma_start3A_316 = tpu.memref_slice %arg13[%dma_start3A_314, %dma_start3A_315] : memref<200x128xf32, #tpu.memory_space<vmem>> -> memref<40x128xf32, #tpu.memory_space<vmem>>
      %dma_start3A_317 = arith.constant 0 : i32
      %dma_start3A_318 = tpu.memref_slice %arg9[%dma_start3A_317] : memref<200xi32, #tpu.memory_space<vmem>> -> memref<40xi32, #tpu.memory_space<vmem>>
      %dma_start3A_319 = arith.constant 0 : i32
      %dma_start3A_320 = arith.constant 0 : i32
      %dma_start3A_321 = tpu.memref_slice %arg3[%dma_start3A_319, %dma_start3A_320] : memref<10000x128xf32, #tpu.memory_space<hbm>> -> memref<10000x128xf32, #tpu.memory_space<hbm>>
      tpu.enqueue_indirect_dma source(%dma_start3A_321 : memref<10000x128xf32, #tpu.memory_space<hbm>>) target(%dma_start3A_316 : memref<40x128xf32, #tpu.memory_space<vmem>>) offsets(%dma_start3A_318 : memref<40xi32, #tpu.memory_space<vmem>>) semaphore(%arg16 : memref<!tpu.dma_semaphore, #tpu.memory_space<semaphore_mem>>)
      %dma_start3A_322 = arith.constant 40 : i32
      %dma_start3A_323 = arith.constant 0 : i32
      %dma_start3A_324 = tpu.memref_slice %arg12[%dma_start3A_322, %dma_start3A_323] : memref<200x128xf32, #tpu.memory_space<vmem>> -> memref<40x128xf32, #tpu.memory_space<vmem>>
      %dma_start3A_325 = arith.constant 40 : i32
      %dma_start3A_326 = tpu.memref_slice %arg8[%dma_start3A_325] : memref<200xi32, #tpu.memory_space<vmem>> -> memref<40xi32, #tpu.memory_space<vmem>>
      %dma_start3A_327 = arith.constant 0 : i32
      %dma_start3A_328 = arith.constant 0 : i32
      %dma_start3A_329 = tpu.memref_slice %arg2[%dma_start3A_327, %dma_start3A_328] : memref<10000x128xf32, #tpu.memory_space<hbm>> -> memref<10000x128xf32, #tpu.memory_space<hbm>>
      tpu.enqueue_indirect_dma source(%dma_start3A_329 : memref<10000x128xf32, #tpu.memory_space<hbm>>) target(%dma_start3A_324 : memref<40x128xf32, #tpu.memory_space<vmem>>) offsets(%dma_start3A_326 : memref<40xi32, #tpu.memory_space<vmem>>) semaphore(%arg16 : memref<!tpu.dma_semaphore, #tpu.memory_space<semaphore_mem>>)
      %dma_start3A_330 = arith.constant 40 : i32
      %dma_start3A_331 = arith.constant 0 : i32
      %dma_start3A_332 = tpu.memref_slice %arg13[%dma_start3A_330, %dma_start3A_331] : memref<200x128xf32, #tpu.memory_space<vmem>> -> memref<40x128xf32, #tpu.memory_space<vmem>>
      %dma_start3A_333 = arith.constant 40 : i32
      %dma_start3A_334 = tpu.memref_slice %arg9[%dma_start3A_333] : memref<200xi32, #tpu.memory_space<vmem>> -> memref<40xi32, #tpu.memory_space<vmem>>
      %dma_start3A_335 = arith.constant 0 : i32
      %dma_start3A_336 = arith.constant 0 : i32
      %dma_start3A_337 = tpu.memref_slice %arg3[%dma_start3A_335, %dma_start3A_336] : memref<10000x128xf32, #tpu.memory_space<hbm>> -> memref<10000x128xf32, #tpu.memory_space<hbm>>
      tpu.enqueue_indirect_dma source(%dma_start3A_337 : memref<10000x128xf32, #tpu.memory_space<hbm>>) target(%dma_start3A_332 : memref<40x128xf32, #tpu.memory_space<vmem>>) offsets(%dma_start3A_334 : memref<40xi32, #tpu.memory_space<vmem>>) semaphore(%arg16 : memref<!tpu.dma_semaphore, #tpu.memory_space<semaphore_mem>>)
      %dma_start3A_338 = arith.constant 80 : i32
      %dma_start3A_339 = arith.constant 0 : i32
      %dma_start3A_340 = tpu.memref_slice %arg12[%dma_start3A_338, %dma_start3A_339] : memref<200x128xf32, #tpu.memory_space<vmem>> -> memref<40x128xf32, #tpu.memory_space<vmem>>
      %dma_start3A_341 = arith.constant 80 : i32
      %dma_start3A_342 = tpu.memref_slice %arg8[%dma_start3A_341] : memref<200xi32, #tpu.memory_space<vmem>> -> memref<40xi32, #tpu.memory_space<vmem>>
      %dma_start3A_343 = arith.constant 0 : i32
      %dma_start3A_344 = arith.constant 0 : i32
      %dma_start3A_345 = tpu.memref_slice %arg2[%dma_start3A_343, %dma_start3A_344] : memref<10000x128xf32, #tpu.memory_space<hbm>> -> memref<10000x128xf32, #tpu.memory_space<hbm>>
      tpu.enqueue_indirect_dma source(%dma_start3A_345 : memref<10000x128xf32, #tpu.memory_space<hbm>>) target(%dma_start3A_340 : memref<40x128xf32, #tpu.memory_space<vmem>>) offsets(%dma_start3A_342 : memref<40xi32, #tpu.memory_space<vmem>>) semaphore(%arg16 : memref<!tpu.dma_semaphore, #tpu.memory_space<semaphore_mem>>)
      %dma_start3A_346 = arith.constant 80 : i32
      %dma_start3A_347 = arith.constant 0 : i32
      %dma_start3A_348 = tpu.memref_slice %arg13[%dma_start3A_346, %dma_start3A_347] : memref<200x128xf32, #tpu.memory_space<vmem>> -> memref<40x128xf32, #tpu.memory_space<vmem>>
      %dma_start3A_349 = arith.constant 80 : i32
      %dma_start3A_350 = tpu.memref_slice %arg9[%dma_start3A_349] : memref<200xi32, #tpu.memory_space<vmem>> -> memref<40xi32, #tpu.memory_space<vmem>>
      %dma_start3A_351 = arith.constant 0 : i32
      %dma_start3A_352 = arith.constant 0 : i32
      %dma_start3A_353 = tpu.memref_slice %arg3[%dma_start3A_351, %dma_start3A_352] : memref<10000x128xf32, #tpu.memory_space<hbm>> -> memref<10000x128xf32, #tpu.memory_space<hbm>>
      tpu.enqueue_indirect_dma source(%dma_start3A_353 : memref<10000x128xf32, #tpu.memory_space<hbm>>) target(%dma_start3A_348 : memref<40x128xf32, #tpu.memory_space<vmem>>) offsets(%dma_start3A_350 : memref<40xi32, #tpu.memory_space<vmem>>) semaphore(%arg16 : memref<!tpu.dma_semaphore, #tpu.memory_space<semaphore_mem>>)
      %dma_start3A_354 = arith.constant 120 : i32
      %dma_start3A_355 = arith.constant 0 : i32
      %dma_start3A_356 = tpu.memref_slice %arg12[%dma_start3A_354, %dma_start3A_355] : memref<200x128xf32, #tpu.memory_space<vmem>> -> memref<40x128xf32, #tpu.memory_space<vmem>>
      %dma_start3A_357 = arith.constant 120 : i32
      %dma_start3A_358 = tpu.memref_slice %arg8[%dma_start3A_357] : memref<200xi32, #tpu.memory_space<vmem>> -> memref<40xi32, #tpu.memory_space<vmem>>
      %dma_start3A_359 = arith.constant 0 : i32
      %dma_start3A_360 = arith.constant 0 : i32
      %dma_start3A_361 = tpu.memref_slice %arg2[%dma_start3A_359, %dma_start3A_360] : memref<10000x128xf32, #tpu.memory_space<hbm>> -> memref<10000x128xf32, #tpu.memory_space<hbm>>
      tpu.enqueue_indirect_dma source(%dma_start3A_361 : memref<10000x128xf32, #tpu.memory_space<hbm>>) target(%dma_start3A_356 : memref<40x128xf32, #tpu.memory_space<vmem>>) offsets(%dma_start3A_358 : memref<40xi32, #tpu.memory_space<vmem>>) semaphore(%arg16 : memref<!tpu.dma_semaphore, #tpu.memory_space<semaphore_mem>>)
      %dma_start3A_362 = arith.constant 120 : i32
      %dma_start3A_363 = arith.constant 0 : i32
      %dma_start3A_364 = tpu.memref_slice %arg13[%dma_start3A_362, %dma_start3A_363] : memref<200x128xf32, #tpu.memory_space<vmem>> -> memref<40x128xf32, #tpu.memory_space<vmem>>
      %dma_start3A_365 = arith.constant 120 : i32
      %dma_start3A_366 = tpu.memref_slice %arg9[%dma_start3A_365] : memref<200xi32, #tpu.memory_space<vmem>> -> memref<40xi32, #tpu.memory_space<vmem>>
      %dma_start3A_367 = arith.constant 0 : i32
      %dma_start3A_368 = arith.constant 0 : i32
      %dma_start3A_369 = tpu.memref_slice %arg3[%dma_start3A_367, %dma_start3A_368] : memref<10000x128xf32, #tpu.memory_space<hbm>> -> memref<10000x128xf32, #tpu.memory_space<hbm>>
      tpu.enqueue_indirect_dma source(%dma_start3A_369 : memref<10000x128xf32, #tpu.memory_space<hbm>>) target(%dma_start3A_364 : memref<40x128xf32, #tpu.memory_space<vmem>>) offsets(%dma_start3A_366 : memref<40xi32, #tpu.memory_space<vmem>>) semaphore(%arg16 : memref<!tpu.dma_semaphore, #tpu.memory_space<semaphore_mem>>)
      %dma_start3A_370 = arith.constant 160 : i32
      %dma_start3A_371 = arith.constant 0 : i32
      %dma_start3A_372 = tpu.memref_slice %arg12[%dma_start3A_370, %dma_start3A_371] : memref<200x128xf32, #tpu.memory_space<vmem>> -> memref<40x128xf32, #tpu.memory_space<vmem>>
      %dma_start3A_373 = arith.constant 160 : i32
      %dma_start3A_374 = tpu.memref_slice %arg8[%dma_start3A_373] : memref<200xi32, #tpu.memory_space<vmem>> -> memref<40xi32, #tpu.memory_space<vmem>>
      %dma_start3A_375 = arith.constant 0 : i32
      %dma_start3A_376 = arith.constant 0 : i32
      %dma_start3A_377 = tpu.memref_slice %arg2[%dma_start3A_375, %dma_start3A_376] : memref<10000x128xf32, #tpu.memory_space<hbm>> -> memref<10000x128xf32, #tpu.memory_space<hbm>>
      tpu.enqueue_indirect_dma source(%dma_start3A_377 : memref<10000x128xf32, #tpu.memory_space<hbm>>) target(%dma_start3A_372 : memref<40x128xf32, #tpu.memory_space<vmem>>) offsets(%dma_start3A_374 : memref<40xi32, #tpu.memory_space<vmem>>) semaphore(%arg16 : memref<!tpu.dma_semaphore, #tpu.memory_space<semaphore_mem>>)
      %dma_start3A_378 = arith.constant 160 : i32
      %dma_start3A_379 = arith.constant 0 : i32
      %dma_start3A_380 = tpu.memref_slice %arg13[%dma_start3A_378, %dma_start3A_379] : memref<200x128xf32, #tpu.memory_space<vmem>> -> memref<40x128xf32, #tpu.memory_space<vmem>>
      %dma_start3A_381 = arith.constant 160 : i32
      %dma_start3A_382 = tpu.memref_slice %arg9[%dma_start3A_381] : memref<200xi32, #tpu.memory_space<vmem>> -> memref<40xi32, #tpu.memory_space<vmem>>
      %dma_start3A_383 = arith.constant 0 : i32
      %dma_start3A_384 = arith.constant 0 : i32
      %dma_start3A_385 = tpu.memref_slice %arg3[%dma_start3A_383, %dma_start3A_384] : memref<10000x128xf32, #tpu.memory_space<hbm>> -> memref<10000x128xf32, #tpu.memory_space<hbm>>
      tpu.enqueue_indirect_dma source(%dma_start3A_385 : memref<10000x128xf32, #tpu.memory_space<hbm>>) target(%dma_start3A_380 : memref<40x128xf32, #tpu.memory_space<vmem>>) offsets(%dma_start3A_382 : memref<40xi32, #tpu.memory_space<vmem>>) semaphore(%arg16 : memref<!tpu.dma_semaphore, #tpu.memory_space<semaphore_mem>>)
      %add3A_386 = arith.constant 1 : i32
      %add3A_387 = arith.addi %mul3A_200, %add3A_386 : i32
      %mul3A_388 = arith.constant 200 : i32
      %mul3A_389 = arith.muli %add3A_387, %mul3A_388 : i32
      %add3A_390 = arith.addi %mul3A_2, %mul3A_389 : i32
      %dma_wait3A_391 = arith.constant 0 : i32
      %dma_wait3A_392 = arith.constant 0 : i32
      %dma_wait3A_393 = tpu.memref_slice %arg2[%dma_wait3A_391, %dma_wait3A_392] : memref<10000x128xf32, #tpu.memory_space<hbm>> -> memref<200x128xf32, #tpu.memory_space<hbm>>
      %dma_wait3A_394 = arith.constant 0 : i32
      %dma_wait3A_395 = arith.constant 0 : i32
      %dma_wait3A_396 = tpu.memref_slice %arg2[%dma_wait3A_394, %dma_wait3A_395] : memref<10000x128xf32, #tpu.memory_space<hbm>> -> memref<200x128xf32, #tpu.memory_space<hbm>>
      tpu.wait_dma2 semaphore(%arg17 : memref<!tpu.dma_semaphore, #tpu.memory_space<semaphore_mem>>) src(%dma_wait3A_396 : memref<200x128xf32, #tpu.memory_space<hbm>>) dst(%arg14 : memref<200x128xf32, #tpu.memory_space<vmem>>)
      %dma_wait3A_397 = arith.constant 0 : i32
      %dma_wait3A_398 = arith.constant 0 : i32
      %dma_wait3A_399 = tpu.memref_slice %arg3[%dma_wait3A_397, %dma_wait3A_398] : memref<10000x128xf32, #tpu.memory_space<hbm>> -> memref<200x128xf32, #tpu.memory_space<hbm>>
      %dma_wait3A_400 = arith.constant 0 : i32
      %dma_wait3A_401 = arith.constant 0 : i32
      %dma_wait3A_402 = tpu.memref_slice %arg3[%dma_wait3A_400, %dma_wait3A_401] : memref<10000x128xf32, #tpu.memory_space<hbm>> -> memref<200x128xf32, #tpu.memory_space<hbm>>
      tpu.wait_dma2 semaphore(%arg17 : memref<!tpu.dma_semaphore, #tpu.memory_space<semaphore_mem>>) src(%dma_wait3A_402 : memref<200x128xf32, #tpu.memory_space<hbm>>) dst(%arg15 : memref<200x128xf32, #tpu.memory_space<vmem>>)
      "tpu.region"() ({
        %run_scoped3A = tpu.sem_alloc : memref<!tpu.dma_semaphore, #tpu.memory_space<semaphore_mem>>
        %dma_start3A_403 = arith.constant 0 : i32
        %dma_start3A_404 = tpu.memref_slice %arg6[%add3A_390, %dma_start3A_403] : memref<320000x128xf32, #tpu.memory_space<hbm>> -> memref<200x128xf32, #tpu.memory_space<hbm>>
        %dma_start3A_405 = arith.constant 0 : i32
        %dma_start3A_406 = tpu.memref_slice %arg6[%add3A_390, %dma_start3A_405] : memref<320000x128xf32, #tpu.memory_space<hbm>> -> memref<200x128xf32, #tpu.memory_space<hbm>>
        tpu.enqueue_dma source(%arg14 : memref<200x128xf32, #tpu.memory_space<vmem>>) target(%dma_start3A_406 : memref<200x128xf32, #tpu.memory_space<hbm>>) target_semaphore(%run_scoped3A : memref<!tpu.dma_semaphore, #tpu.memory_space<semaphore_mem>>)
        %dma_wait3A_407 = arith.constant 0 : i32
        %dma_wait3A_408 = tpu.memref_slice %arg6[%add3A_390, %dma_wait3A_407] : memref<320000x128xf32, #tpu.memory_space<hbm>> -> memref<200x128xf32, #tpu.memory_space<hbm>>
        %dma_wait3A_409 = arith.constant 0 : i32
        %dma_wait3A_410 = tpu.memref_slice %arg6[%add3A_390, %dma_wait3A_409] : memref<320000x128xf32, #tpu.memory_space<hbm>> -> memref<200x128xf32, #tpu.memory_space<hbm>>
        tpu.wait_dma2 semaphore(%run_scoped3A : memref<!tpu.dma_semaphore, #tpu.memory_space<semaphore_mem>>) src(%arg14 : memref<200x128xf32, #tpu.memory_space<vmem>>) dst(%dma_wait3A_410 : memref<200x128xf32, #tpu.memory_space<hbm>>)
        tpu.yield
      }) : () -> ()
      "tpu.region"() ({
        %run_scoped3A = tpu.sem_alloc : memref<!tpu.dma_semaphore, #tpu.memory_space<semaphore_mem>>
        %dma_start3A_403 = arith.constant 0 : i32
        %dma_start3A_404 = tpu.memref_slice %arg7[%add3A_390, %dma_start3A_403] : memref<320000x128xf32, #tpu.memory_space<hbm>> -> memref<200x128xf32, #tpu.memory_space<hbm>>
        %dma_start3A_405 = arith.constant 0 : i32
        %dma_start3A_406 = tpu.memref_slice %arg7[%add3A_390, %dma_start3A_405] : memref<320000x128xf32, #tpu.memory_space<hbm>> -> memref<200x128xf32, #tpu.memory_space<hbm>>
        tpu.enqueue_dma source(%arg15 : memref<200x128xf32, #tpu.memory_space<vmem>>) target(%dma_start3A_406 : memref<200x128xf32, #tpu.memory_space<hbm>>) target_semaphore(%run_scoped3A : memref<!tpu.dma_semaphore, #tpu.memory_space<semaphore_mem>>)
        %dma_wait3A_407 = arith.constant 0 : i32
        %dma_wait3A_408 = tpu.memref_slice %arg7[%add3A_390, %dma_wait3A_407] : memref<320000x128xf32, #tpu.memory_space<hbm>> -> memref<200x128xf32, #tpu.memory_space<hbm>>
        %dma_wait3A_409 = arith.constant 0 : i32
        %dma_wait3A_410 = tpu.memref_slice %arg7[%add3A_390, %dma_wait3A_409] : memref<320000x128xf32, #tpu.memory_space<hbm>> -> memref<200x128xf32, #tpu.memory_space<hbm>>
        tpu.wait_dma2 semaphore(%run_scoped3A : memref<!tpu.dma_semaphore, #tpu.memory_space<semaphore_mem>>) src(%arg15 : memref<200x128xf32, #tpu.memory_space<vmem>>) dst(%dma_wait3A_410 : memref<200x128xf32, #tpu.memory_space<hbm>>)
        tpu.yield
      }) : () -> ()
    }
    %scan3A_88 = arith.constant 24 : i32
    %add3A_89 = arith.constant 9800 : i32
    %add3A_90 = arith.addi %mul3A_2, %add3A_89 : i32
    "tpu.region"() ({
      %run_scoped3A = tpu.sem_alloc : memref<!tpu.dma_semaphore, #tpu.memory_space<semaphore_mem>>
      %dma_start3A_198 = tpu.memref_slice %arg4[%add3A_90] : memref<320000xi32, #tpu.memory_space<hbm>> -> memref<200xi32, #tpu.memory_space<hbm>>
      %dma_start3A_199 = tpu.memref_slice %arg4[%add3A_90] : memref<320000xi32, #tpu.memory_space<hbm>> -> memref<200xi32, #tpu.memory_space<hbm>>
      tpu.enqueue_dma source(%dma_start3A_199 : memref<200xi32, #tpu.memory_space<hbm>>) target(%arg10 : memref<200xi32, #tpu.memory_space<vmem>>) target_semaphore(%run_scoped3A : memref<!tpu.dma_semaphore, #tpu.memory_space<semaphore_mem>>)
      %dma_wait3A_200 = tpu.memref_slice %arg4[%add3A_90] : memref<320000xi32, #tpu.memory_space<hbm>> -> memref<200xi32, #tpu.memory_space<hbm>>
      %dma_wait3A_201 = tpu.memref_slice %arg4[%add3A_90] : memref<320000xi32, #tpu.memory_space<hbm>> -> memref<200xi32, #tpu.memory_space<hbm>>
      tpu.wait_dma2 semaphore(%run_scoped3A : memref<!tpu.dma_semaphore, #tpu.memory_space<semaphore_mem>>) src(%dma_wait3A_201 : memref<200xi32, #tpu.memory_space<hbm>>) dst(%arg10 : memref<200xi32, #tpu.memory_space<vmem>>)
      tpu.yield
    }) : () -> ()
    "tpu.region"() ({
      %run_scoped3A = tpu.sem_alloc : memref<!tpu.dma_semaphore, #tpu.memory_space<semaphore_mem>>
      %dma_start3A_198 = tpu.memref_slice %arg5[%add3A_90] : memref<320000xi32, #tpu.memory_space<hbm>> -> memref<200xi32, #tpu.memory_space<hbm>>
      %dma_start3A_199 = tpu.memref_slice %arg5[%add3A_90] : memref<320000xi32, #tpu.memory_space<hbm>> -> memref<200xi32, #tpu.memory_space<hbm>>
      tpu.enqueue_dma source(%dma_start3A_199 : memref<200xi32, #tpu.memory_space<hbm>>) target(%arg11 : memref<200xi32, #tpu.memory_space<vmem>>) target_semaphore(%run_scoped3A : memref<!tpu.dma_semaphore, #tpu.memory_space<semaphore_mem>>)
      %dma_wait3A_200 = tpu.memref_slice %arg5[%add3A_90] : memref<320000xi32, #tpu.memory_space<hbm>> -> memref<200xi32, #tpu.memory_space<hbm>>
      %dma_wait3A_201 = tpu.memref_slice %arg5[%add3A_90] : memref<320000xi32, #tpu.memory_space<hbm>> -> memref<200xi32, #tpu.memory_space<hbm>>
      tpu.wait_dma2 semaphore(%run_scoped3A : memref<!tpu.dma_semaphore, #tpu.memory_space<semaphore_mem>>) src(%dma_wait3A_201 : memref<200xi32, #tpu.memory_space<hbm>>) dst(%arg11 : memref<200xi32, #tpu.memory_space<vmem>>)
      tpu.yield
    }) : () -> ()
    %dma_start3A_91 = arith.constant 0 : i32
    %dma_start3A_92 = arith.constant 0 : i32
    %dma_start3A_93 = tpu.memref_slice %arg14[%dma_start3A_91, %dma_start3A_92] : memref<200x128xf32, #tpu.memory_space<vmem>> -> memref<40x128xf32, #tpu.memory_space<vmem>>
    %dma_start3A_94 = arith.constant 0 : i32
    %dma_start3A_95 = tpu.memref_slice %arg10[%dma_start3A_94] : memref<200xi32, #tpu.memory_space<vmem>> -> memref<40xi32, #tpu.memory_space<vmem>>
    %dma_start3A_96 = arith.constant 0 : i32
    %dma_start3A_97 = arith.constant 0 : i32
    %dma_start3A_98 = tpu.memref_slice %arg2[%dma_start3A_96, %dma_start3A_97] : memref<10000x128xf32, #tpu.memory_space<hbm>> -> memref<10000x128xf32, #tpu.memory_space<hbm>>
    tpu.enqueue_indirect_dma source(%dma_start3A_98 : memref<10000x128xf32, #tpu.memory_space<hbm>>) target(%dma_start3A_93 : memref<40x128xf32, #tpu.memory_space<vmem>>) offsets(%dma_start3A_95 : memref<40xi32, #tpu.memory_space<vmem>>) semaphore(%arg17 : memref<!tpu.dma_semaphore, #tpu.memory_space<semaphore_mem>>)
    %dma_start3A_99 = arith.constant 0 : i32
    %dma_start3A_100 = arith.constant 0 : i32
    %dma_start3A_101 = tpu.memref_slice %arg15[%dma_start3A_99, %dma_start3A_100] : memref<200x128xf32, #tpu.memory_space<vmem>> -> memref<40x128xf32, #tpu.memory_space<vmem>>
    %dma_start3A_102 = arith.constant 0 : i32
    %dma_start3A_103 = tpu.memref_slice %arg11[%dma_start3A_102] : memref<200xi32, #tpu.memory_space<vmem>> -> memref<40xi32, #tpu.memory_space<vmem>>
    %dma_start3A_104 = arith.constant 0 : i32
    %dma_start3A_105 = arith.constant 0 : i32
    %dma_start3A_106 = tpu.memref_slice %arg3[%dma_start3A_104, %dma_start3A_105] : memref<10000x128xf32, #tpu.memory_space<hbm>> -> memref<10000x128xf32, #tpu.memory_space<hbm>>
    tpu.enqueue_indirect_dma source(%dma_start3A_106 : memref<10000x128xf32, #tpu.memory_space<hbm>>) target(%dma_start3A_101 : memref<40x128xf32, #tpu.memory_space<vmem>>) offsets(%dma_start3A_103 : memref<40xi32, #tpu.memory_space<vmem>>) semaphore(%arg17 : memref<!tpu.dma_semaphore, #tpu.memory_space<semaphore_mem>>)
    %dma_start3A_107 = arith.constant 40 : i32
    %dma_start3A_108 = arith.constant 0 : i32
    %dma_start3A_109 = tpu.memref_slice %arg14[%dma_start3A_107, %dma_start3A_108] : memref<200x128xf32, #tpu.memory_space<vmem>> -> memref<40x128xf32, #tpu.memory_space<vmem>>
    %dma_start3A_110 = arith.constant 40 : i32
    %dma_start3A_111 = tpu.memref_slice %arg10[%dma_start3A_110] : memref<200xi32, #tpu.memory_space<vmem>> -> memref<40xi32, #tpu.memory_space<vmem>>
    %dma_start3A_112 = arith.constant 0 : i32
    %dma_start3A_113 = arith.constant 0 : i32
    %dma_start3A_114 = tpu.memref_slice %arg2[%dma_start3A_112, %dma_start3A_113] : memref<10000x128xf32, #tpu.memory_space<hbm>> -> memref<10000x128xf32, #tpu.memory_space<hbm>>
    tpu.enqueue_indirect_dma source(%dma_start3A_114 : memref<10000x128xf32, #tpu.memory_space<hbm>>) target(%dma_start3A_109 : memref<40x128xf32, #tpu.memory_space<vmem>>) offsets(%dma_start3A_111 : memref<40xi32, #tpu.memory_space<vmem>>) semaphore(%arg17 : memref<!tpu.dma_semaphore, #tpu.memory_space<semaphore_mem>>)
    %dma_start3A_115 = arith.constant 40 : i32
    %dma_start3A_116 = arith.constant 0 : i32
    %dma_start3A_117 = tpu.memref_slice %arg15[%dma_start3A_115, %dma_start3A_116] : memref<200x128xf32, #tpu.memory_space<vmem>> -> memref<40x128xf32, #tpu.memory_space<vmem>>
    %dma_start3A_118 = arith.constant 40 : i32
    %dma_start3A_119 = tpu.memref_slice %arg11[%dma_start3A_118] : memref<200xi32, #tpu.memory_space<vmem>> -> memref<40xi32, #tpu.memory_space<vmem>>
    %dma_start3A_120 = arith.constant 0 : i32
    %dma_start3A_121 = arith.constant 0 : i32
    %dma_start3A_122 = tpu.memref_slice %arg3[%dma_start3A_120, %dma_start3A_121] : memref<10000x128xf32, #tpu.memory_space<hbm>> -> memref<10000x128xf32, #tpu.memory_space<hbm>>
    tpu.enqueue_indirect_dma source(%dma_start3A_122 : memref<10000x128xf32, #tpu.memory_space<hbm>>) target(%dma_start3A_117 : memref<40x128xf32, #tpu.memory_space<vmem>>) offsets(%dma_start3A_119 : memref<40xi32, #tpu.memory_space<vmem>>) semaphore(%arg17 : memref<!tpu.dma_semaphore, #tpu.memory_space<semaphore_mem>>)
    %dma_start3A_123 = arith.constant 80 : i32
    %dma_start3A_124 = arith.constant 0 : i32
    %dma_start3A_125 = tpu.memref_slice %arg14[%dma_start3A_123, %dma_start3A_124] : memref<200x128xf32, #tpu.memory_space<vmem>> -> memref<40x128xf32, #tpu.memory_space<vmem>>
    %dma_start3A_126 = arith.constant 80 : i32
    %dma_start3A_127 = tpu.memref_slice %arg10[%dma_start3A_126] : memref<200xi32, #tpu.memory_space<vmem>> -> memref<40xi32, #tpu.memory_space<vmem>>
    %dma_start3A_128 = arith.constant 0 : i32
    %dma_start3A_129 = arith.constant 0 : i32
    %dma_start3A_130 = tpu.memref_slice %arg2[%dma_start3A_128, %dma_start3A_129] : memref<10000x128xf32, #tpu.memory_space<hbm>> -> memref<10000x128xf32, #tpu.memory_space<hbm>>
    tpu.enqueue_indirect_dma source(%dma_start3A_130 : memref<10000x128xf32, #tpu.memory_space<hbm>>) target(%dma_start3A_125 : memref<40x128xf32, #tpu.memory_space<vmem>>) offsets(%dma_start3A_127 : memref<40xi32, #tpu.memory_space<vmem>>) semaphore(%arg17 : memref<!tpu.dma_semaphore, #tpu.memory_space<semaphore_mem>>)
    %dma_start3A_131 = arith.constant 80 : i32
    %dma_start3A_132 = arith.constant 0 : i32
    %dma_start3A_133 = tpu.memref_slice %arg15[%dma_start3A_131, %dma_start3A_132] : memref<200x128xf32, #tpu.memory_space<vmem>> -> memref<40x128xf32, #tpu.memory_space<vmem>>
    %dma_start3A_134 = arith.constant 80 : i32
    %dma_start3A_135 = tpu.memref_slice %arg11[%dma_start3A_134] : memref<200xi32, #tpu.memory_space<vmem>> -> memref<40xi32, #tpu.memory_space<vmem>>
    %dma_start3A_136 = arith.constant 0 : i32
    %dma_start3A_137 = arith.constant 0 : i32
    %dma_start3A_138 = tpu.memref_slice %arg3[%dma_start3A_136, %dma_start3A_137] : memref<10000x128xf32, #tpu.memory_space<hbm>> -> memref<10000x128xf32, #tpu.memory_space<hbm>>
    tpu.enqueue_indirect_dma source(%dma_start3A_138 : memref<10000x128xf32, #tpu.memory_space<hbm>>) target(%dma_start3A_133 : memref<40x128xf32, #tpu.memory_space<vmem>>) offsets(%dma_start3A_135 : memref<40xi32, #tpu.memory_space<vmem>>) semaphore(%arg17 : memref<!tpu.dma_semaphore, #tpu.memory_space<semaphore_mem>>)
    %dma_start3A_139 = arith.constant 120 : i32
    %dma_start3A_140 = arith.constant 0 : i32
    %dma_start3A_141 = tpu.memref_slice %arg14[%dma_start3A_139, %dma_start3A_140] : memref<200x128xf32, #tpu.memory_space<vmem>> -> memref<40x128xf32, #tpu.memory_space<vmem>>
    %dma_start3A_142 = arith.constant 120 : i32
    %dma_start3A_143 = tpu.memref_slice %arg10[%dma_start3A_142] : memref<200xi32, #tpu.memory_space<vmem>> -> memref<40xi32, #tpu.memory_space<vmem>>
    %dma_start3A_144 = arith.constant 0 : i32
    %dma_start3A_145 = arith.constant 0 : i32
    %dma_start3A_146 = tpu.memref_slice %arg2[%dma_start3A_144, %dma_start3A_145] : memref<10000x128xf32, #tpu.memory_space<hbm>> -> memref<10000x128xf32, #tpu.memory_space<hbm>>
    tpu.enqueue_indirect_dma source(%dma_start3A_146 : memref<10000x128xf32, #tpu.memory_space<hbm>>) target(%dma_start3A_141 : memref<40x128xf32, #tpu.memory_space<vmem>>) offsets(%dma_start3A_143 : memref<40xi32, #tpu.memory_space<vmem>>) semaphore(%arg17 : memref<!tpu.dma_semaphore, #tpu.memory_space<semaphore_mem>>)
    %dma_start3A_147 = arith.constant 120 : i32
    %dma_start3A_148 = arith.constant 0 : i32
    %dma_start3A_149 = tpu.memref_slice %arg15[%dma_start3A_147, %dma_start3A_148] : memref<200x128xf32, #tpu.memory_space<vmem>> -> memref<40x128xf32, #tpu.memory_space<vmem>>
    %dma_start3A_150 = arith.constant 120 : i32
    %dma_start3A_151 = tpu.memref_slice %arg11[%dma_start3A_150] : memref<200xi32, #tpu.memory_space<vmem>> -> memref<40xi32, #tpu.memory_space<vmem>>
    %dma_start3A_152 = arith.constant 0 : i32
    %dma_start3A_153 = arith.constant 0 : i32
    %dma_start3A_154 = tpu.memref_slice %arg3[%dma_start3A_152, %dma_start3A_153] : memref<10000x128xf32, #tpu.memory_space<hbm>> -> memref<10000x128xf32, #tpu.memory_space<hbm>>
    tpu.enqueue_indirect_dma source(%dma_start3A_154 : memref<10000x128xf32, #tpu.memory_space<hbm>>) target(%dma_start3A_149 : memref<40x128xf32, #tpu.memory_space<vmem>>) offsets(%dma_start3A_151 : memref<40xi32, #tpu.memory_space<vmem>>) semaphore(%arg17 : memref<!tpu.dma_semaphore, #tpu.memory_space<semaphore_mem>>)
    %dma_start3A_155 = arith.constant 160 : i32
    %dma_start3A_156 = arith.constant 0 : i32
    %dma_start3A_157 = tpu.memref_slice %arg14[%dma_start3A_155, %dma_start3A_156] : memref<200x128xf32, #tpu.memory_space<vmem>> -> memref<40x128xf32, #tpu.memory_space<vmem>>
    %dma_start3A_158 = arith.constant 160 : i32
    %dma_start3A_159 = tpu.memref_slice %arg10[%dma_start3A_158] : memref<200xi32, #tpu.memory_space<vmem>> -> memref<40xi32, #tpu.memory_space<vmem>>
    %dma_start3A_160 = arith.constant 0 : i32
    %dma_start3A_161 = arith.constant 0 : i32
    %dma_start3A_162 = tpu.memref_slice %arg2[%dma_start3A_160, %dma_start3A_161] : memref<10000x128xf32, #tpu.memory_space<hbm>> -> memref<10000x128xf32, #tpu.memory_space<hbm>>
    tpu.enqueue_indirect_dma source(%dma_start3A_162 : memref<10000x128xf32, #tpu.memory_space<hbm>>) target(%dma_start3A_157 : memref<40x128xf32, #tpu.memory_space<vmem>>) offsets(%dma_start3A_159 : memref<40xi32, #tpu.memory_space<vmem>>) semaphore(%arg17 : memref<!tpu.dma_semaphore, #tpu.memory_space<semaphore_mem>>)
    %dma_start3A_163 = arith.constant 160 : i32
    %dma_start3A_164 = arith.constant 0 : i32
    %dma_start3A_165 = tpu.memref_slice %arg15[%dma_start3A_163, %dma_start3A_164] : memref<200x128xf32, #tpu.memory_space<vmem>> -> memref<40x128xf32, #tpu.memory_space<vmem>>
    %dma_start3A_166 = arith.constant 160 : i32
    %dma_start3A_167 = tpu.memref_slice %arg11[%dma_start3A_166] : memref<200xi32, #tpu.memory_space<vmem>> -> memref<40xi32, #tpu.memory_space<vmem>>
    %dma_start3A_168 = arith.constant 0 : i32
    %dma_start3A_169 = arith.constant 0 : i32
    %dma_start3A_170 = tpu.memref_slice %arg3[%dma_start3A_168, %dma_start3A_169] : memref<10000x128xf32, #tpu.memory_space<hbm>> -> memref<10000x128xf32, #tpu.memory_space<hbm>>
    tpu.enqueue_indirect_dma source(%dma_start3A_170 : memref<10000x128xf32, #tpu.memory_space<hbm>>) target(%dma_start3A_165 : memref<40x128xf32, #tpu.memory_space<vmem>>) offsets(%dma_start3A_167 : memref<40xi32, #tpu.memory_space<vmem>>) semaphore(%arg17 : memref<!tpu.dma_semaphore, #tpu.memory_space<semaphore_mem>>)
    %add3A_171 = arith.constant 9600 : i32
    %add3A_172 = arith.addi %mul3A_2, %add3A_171 : i32
    %dma_wait3A = arith.constant 0 : i32
    %dma_wait3A_173 = arith.constant 0 : i32
    %dma_wait3A_174 = tpu.memref_slice %arg2[%dma_wait3A, %dma_wait3A_173] : memref<10000x128xf32, #tpu.memory_space<hbm>> -> memref<200x128xf32, #tpu.memory_space<hbm>>
    %dma_wait3A_175 = arith.constant 0 : i32
    %dma_wait3A_176 = arith.constant 0 : i32
    %dma_wait3A_177 = tpu.memref_slice %arg2[%dma_wait3A_175, %dma_wait3A_176] : memref<10000x128xf32, #tpu.memory_space<hbm>> -> memref<200x128xf32, #tpu.memory_space<hbm>>
    tpu.wait_dma2 semaphore(%arg16 : memref<!tpu.dma_semaphore, #tpu.memory_space<semaphore_mem>>) src(%dma_wait3A_177 : memref<200x128xf32, #tpu.memory_space<hbm>>) dst(%arg12 : memref<200x128xf32, #tpu.memory_space<vmem>>)
    %dma_wait3A_178 = arith.constant 0 : i32
    %dma_wait3A_179 = arith.constant 0 : i32
    %dma_wait3A_180 = tpu.memref_slice %arg3[%dma_wait3A_178, %dma_wait3A_179] : memref<10000x128xf32, #tpu.memory_space<hbm>> -> memref<200x128xf32, #tpu.memory_space<hbm>>
    %dma_wait3A_181 = arith.constant 0 : i32
    %dma_wait3A_182 = arith.constant 0 : i32
    %dma_wait3A_183 = tpu.memref_slice %arg3[%dma_wait3A_181, %dma_wait3A_182] : memref<10000x128xf32, #tpu.memory_space<hbm>> -> memref<200x128xf32, #tpu.memory_space<hbm>>
    tpu.wait_dma2 semaphore(%arg16 : memref<!tpu.dma_semaphore, #tpu.memory_space<semaphore_mem>>) src(%dma_wait3A_183 : memref<200x128xf32, #tpu.memory_space<hbm>>) dst(%arg13 : memref<200x128xf32, #tpu.memory_space<vmem>>)
    "tpu.region"() ({
      %run_scoped3A = tpu.sem_alloc : memref<!tpu.dma_semaphore, #tpu.memory_space<semaphore_mem>>
      %dma_start3A_198 = arith.constant 0 : i32
      %dma_start3A_199 = tpu.memref_slice %arg6[%add3A_172, %dma_start3A_198] : memref<320000x128xf32, #tpu.memory_space<hbm>> -> memref<200x128xf32, #tpu.memory_space<hbm>>
      %dma_start3A_200 = arith.constant 0 : i32
      %dma_start3A_201 = tpu.memref_slice %arg6[%add3A_172, %dma_start3A_200] : memref<320000x128xf32, #tpu.memory_space<hbm>> -> memref<200x128xf32, #tpu.memory_space<hbm>>
      tpu.enqueue_dma source(%arg12 : memref<200x128xf32, #tpu.memory_space<vmem>>) target(%dma_start3A_201 : memref<200x128xf32, #tpu.memory_space<hbm>>) target_semaphore(%run_scoped3A : memref<!tpu.dma_semaphore, #tpu.memory_space<semaphore_mem>>)
      %dma_wait3A_202 = arith.constant 0 : i32
      %dma_wait3A_203 = tpu.memref_slice %arg6[%add3A_172, %dma_wait3A_202] : memref<320000x128xf32, #tpu.memory_space<hbm>> -> memref<200x128xf32, #tpu.memory_space<hbm>>
      %dma_wait3A_204 = arith.constant 0 : i32
      %dma_wait3A_205 = tpu.memref_slice %arg6[%add3A_172, %dma_wait3A_204] : memref<320000x128xf32, #tpu.memory_space<hbm>> -> memref<200x128xf32, #tpu.memory_space<hbm>>
      tpu.wait_dma2 semaphore(%run_scoped3A : memref<!tpu.dma_semaphore, #tpu.memory_space<semaphore_mem>>) src(%arg12 : memref<200x128xf32, #tpu.memory_space<vmem>>) dst(%dma_wait3A_205 : memref<200x128xf32, #tpu.memory_space<hbm>>)
      tpu.yield
    }) : () -> ()
    "tpu.region"() ({
      %run_scoped3A = tpu.sem_alloc : memref<!tpu.dma_semaphore, #tpu.memory_space<semaphore_mem>>
      %dma_start3A_198 = arith.constant 0 : i32
      %dma_start3A_199 = tpu.memref_slice %arg7[%add3A_172, %dma_start3A_198] : memref<320000x128xf32, #tpu.memory_space<hbm>> -> memref<200x128xf32, #tpu.memory_space<hbm>>
      %dma_start3A_200 = arith.constant 0 : i32
      %dma_start3A_201 = tpu.memref_slice %arg7[%add3A_172, %dma_start3A_200] : memref<320000x128xf32, #tpu.memory_space<hbm>> -> memref<200x128xf32, #tpu.memory_space<hbm>>
      tpu.enqueue_dma source(%arg13 : memref<200x128xf32, #tpu.memory_space<vmem>>) target(%dma_start3A_201 : memref<200x128xf32, #tpu.memory_space<hbm>>) target_semaphore(%run_scoped3A : memref<!tpu.dma_semaphore, #tpu.memory_space<semaphore_mem>>)
      %dma_wait3A_202 = arith.constant 0 : i32
      %dma_wait3A_203 = tpu.memref_slice %arg7[%add3A_172, %dma_wait3A_202] : memref<320000x128xf32, #tpu.memory_space<hbm>> -> memref<200x128xf32, #tpu.memory_space<hbm>>
      %dma_wait3A_204 = arith.constant 0 : i32
      %dma_wait3A_205 = tpu.memref_slice %arg7[%add3A_172, %dma_wait3A_204] : memref<320000x128xf32, #tpu.memory_space<hbm>> -> memref<200x128xf32, #tpu.memory_space<hbm>>
      tpu.wait_dma2 semaphore(%run_scoped3A : memref<!tpu.dma_semaphore, #tpu.memory_space<semaphore_mem>>) src(%arg13 : memref<200x128xf32, #tpu.memory_space<vmem>>) dst(%dma_wait3A_205 : memref<200x128xf32, #tpu.memory_space<hbm>>)
      tpu.yield
    }) : () -> ()
    %add3A_184 = arith.constant 9800 : i32
    %add3A_185 = arith.addi %mul3A_2, %add3A_184 : i32
    %dma_wait3A_186 = arith.constant 0 : i32
    %dma_wait3A_187 = arith.constant 0 : i32
    %dma_wait3A_188 = tpu.memref_slice %arg2[%dma_wait3A_186, %dma_wait3A_187] : memref<10000x128xf32, #tpu.memory_space<hbm>> -> memref<200x128xf32, #tpu.memory_space<hbm>>
    %dma_wait3A_189 = arith.constant 0 : i32
    %dma_wait3A_190 = arith.constant 0 : i32
    %dma_wait3A_191 = tpu.memref_slice %arg2[%dma_wait3A_189, %dma_wait3A_190] : memref<10000x128xf32, #tpu.memory_space<hbm>> -> memref<200x128xf32, #tpu.memory_space<hbm>>
    tpu.wait_dma2 semaphore(%arg17 : memref<!tpu.dma_semaphore, #tpu.memory_space<semaphore_mem>>) src(%dma_wait3A_191 : memref<200x128xf32, #tpu.memory_space<hbm>>) dst(%arg14 : memref<200x128xf32, #tpu.memory_space<vmem>>)
    %dma_wait3A_192 = arith.constant 0 : i32
    %dma_wait3A_193 = arith.constant 0 : i32
    %dma_wait3A_194 = tpu.memref_slice %arg3[%dma_wait3A_192, %dma_wait3A_193] : memref<10000x128xf32, #tpu.memory_space<hbm>> -> memref<200x128xf32, #tpu.memory_space<hbm>>
    %dma_wait3A_195 = arith.constant 0 : i32
    %dma_wait3A_196 = arith.constant 0 : i32
    %dma_wait3A_197 = tpu.memref_slice %arg3[%dma_wait3A_195, %dma_wait3A_196] : memref<10000x128xf32, #tpu.memory_space<hbm>> -> memref<200x128xf32, #tpu.memory_space<hbm>>
    tpu.wait_dma2 semaphore(%arg17 : memref<!tpu.dma_semaphore, #tpu.memory_space<semaphore_mem>>) src(%dma_wait3A_197 : memref<200x128xf32, #tpu.memory_space<hbm>>) dst(%arg15 : memref<200x128xf32, #tpu.memory_space<vmem>>)
    "tpu.region"() ({
      %run_scoped3A = tpu.sem_alloc : memref<!tpu.dma_semaphore, #tpu.memory_space<semaphore_mem>>
      %dma_start3A_198 = arith.constant 0 : i32
      %dma_start3A_199 = tpu.memref_slice %arg6[%add3A_185, %dma_start3A_198] : memref<320000x128xf32, #tpu.memory_space<hbm>> -> memref<200x128xf32, #tpu.memory_space<hbm>>
      %dma_start3A_200 = arith.constant 0 : i32
      %dma_start3A_201 = tpu.memref_slice %arg6[%add3A_185, %dma_start3A_200] : memref<320000x128xf32, #tpu.memory_space<hbm>> -> memref<200x128xf32, #tpu.memory_space<hbm>>
      tpu.enqueue_dma source(%arg14 : memref<200x128xf32, #tpu.memory_space<vmem>>) target(%dma_start3A_201 : memref<200x128xf32, #tpu.memory_space<hbm>>) target_semaphore(%run_scoped3A : memref<!tpu.dma_semaphore, #tpu.memory_space<semaphore_mem>>)
      %dma_wait3A_202 = arith.constant 0 : i32
      %dma_wait3A_203 = tpu.memref_slice %arg6[%add3A_185, %dma_wait3A_202] : memref<320000x128xf32, #tpu.memory_space<hbm>> -> memref<200x128xf32, #tpu.memory_space<hbm>>
      %dma_wait3A_204 = arith.constant 0 : i32
      %dma_wait3A_205 = tpu.memref_slice %arg6[%add3A_185, %dma_wait3A_204] : memref<320000x128xf32, #tpu.memory_space<hbm>> -> memref<200x128xf32, #tpu.memory_space<hbm>>
      tpu.wait_dma2 semaphore(%run_scoped3A : memref<!tpu.dma_semaphore, #tpu.memory_space<semaphore_mem>>) src(%arg14 : memref<200x128xf32, #tpu.memory_space<vmem>>) dst(%dma_wait3A_205 : memref<200x128xf32, #tpu.memory_space<hbm>>)
      tpu.yield
    }) : () -> ()
    "tpu.region"() ({
      %run_scoped3A = tpu.sem_alloc : memref<!tpu.dma_semaphore, #tpu.memory_space<semaphore_mem>>
      %dma_start3A_198 = arith.constant 0 : i32
      %dma_start3A_199 = tpu.memref_slice %arg7[%add3A_185, %dma_start3A_198] : memref<320000x128xf32, #tpu.memory_space<hbm>> -> memref<200x128xf32, #tpu.memory_space<hbm>>
      %dma_start3A_200 = arith.constant 0 : i32
      %dma_start3A_201 = tpu.memref_slice %arg7[%add3A_185, %dma_start3A_200] : memref<320000x128xf32, #tpu.memory_space<hbm>> -> memref<200x128xf32, #tpu.memory_space<hbm>>
      tpu.enqueue_dma source(%arg15 : memref<200x128xf32, #tpu.memory_space<vmem>>) target(%dma_start3A_201 : memref<200x128xf32, #tpu.memory_space<hbm>>) target_semaphore(%run_scoped3A : memref<!tpu.dma_semaphore, #tpu.memory_space<semaphore_mem>>)
      %dma_wait3A_202 = arith.constant 0 : i32
      %dma_wait3A_203 = tpu.memref_slice %arg7[%add3A_185, %dma_wait3A_202] : memref<320000x128xf32, #tpu.memory_space<hbm>> -> memref<200x128xf32, #tpu.memory_space<hbm>>
      %dma_wait3A_204 = arith.constant 0 : i32
      %dma_wait3A_205 = tpu.memref_slice %arg7[%add3A_185, %dma_wait3A_204] : memref<320000x128xf32, #tpu.memory_space<hbm>> -> memref<200x128xf32, #tpu.memory_space<hbm>>
      tpu.wait_dma2 semaphore(%run_scoped3A : memref<!tpu.dma_semaphore, #tpu.memory_space<semaphore_mem>>) src(%arg15 : memref<200x128xf32, #tpu.memory_space<vmem>>) dst(%dma_wait3A_205 : memref<200x128xf32, #tpu.memory_space<hbm>>)
      tpu.yield
    }) : () -> ()
    return
  }
}

module attributes {stable_mosaic.version = 14 : i64} {
  func.func @_mlp_body(%arg0: i32, %arg1: memref<512x128xf32, #tpu.memory_space<vmem>>, %arg2: memref<512x128xf32, #tpu.memory_space<vmem>>, %arg3: memref<128x128xf32, #tpu.memory_space<vmem>>, %arg4: memref<1x128xf32, #tpu.memory_space<vmem>>, %arg5: memref<512x128xf32, #tpu.memory_space<vmem>>) attributes {dimension_semantics = [#tpu.dimension_semantics<arbitrary>], iteration_bounds = array<i64: 625>, scalar_prefetch = 0 : i64, scratch_operands = 0 : i64, tpu.core_type = #tpu.core_type<tc>, window_params = [{transform_indices = @transform_0, window_bounds = array<i64: 512, 128>}, {transform_indices = @transform_1, window_bounds = array<i64: 512, 128>}, {pipeline_mode = #tpu.pipeline_mode<synchronous>, transform_indices = @transform_2, window_bounds = array<i64: 128, 128>}, {pipeline_mode = #tpu.pipeline_mode<synchronous>, transform_indices = @transform_3, window_bounds = array<i64: 1, 128>}, {transform_indices = @transform_4, window_bounds = array<i64: 512, 128>}]} {
    %get3A = arith.constant 0 : index
    %get3A_0 = arith.constant 0 : index
    %get3A_1 = vector.load %arg1[%get3A, %get3A_0] : memref<512x128xf32, #tpu.memory_space<vmem>>, vector<512x128xf32>
    %get3A_2 = arith.constant 0 : index
    %get3A_3 = arith.constant 0 : index
    %get3A_4 = vector.load %arg2[%get3A_2, %get3A_3] : memref<512x128xf32, #tpu.memory_space<vmem>>, vector<512x128xf32>
    %add3A = arith.addf %get3A_1, %get3A_4 : vector<512x128xf32>
    %custom_jvp_call3A = arith.constant 0.000000e+00 : f32
    %max3A = vector.broadcast %custom_jvp_call3A : f32 to vector<512x128xf32>
    %max3A_5 = arith.maximumf %add3A, %max3A : vector<512x128xf32>
    %sub3A = vector.broadcast %custom_jvp_call3A : f32 to vector<512x128xf32>
    %sub3A_6 = arith.subf %add3A, %sub3A : vector<512x128xf32>
    %ne3A = arith.cmpf one, %sub3A_6, %sub3A_6 : vector<512x128xf32>
    %add3A_7 = vector.broadcast %custom_jvp_call3A : f32 to vector<512x128xf32>
    %add3A_8 = arith.addf %add3A, %add3A_7 : vector<512x128xf32>
    %abs3A = math.absf %sub3A_6 : vector<512x128xf32>
    %neg3A = arith.constant 0.000000e+00 : f32
    %neg3A_9 = vector.broadcast %neg3A : f32 to vector<512x128xf32>
    %neg3A_10 = arith.subf %neg3A_9, %abs3A : vector<512x128xf32>
    %exp3A = math.exp %neg3A_10 : vector<512x128xf32>
    %log1p3A = math.log1p %exp3A : vector<512x128xf32>
    %add3A_11 = arith.addf %max3A_5, %log1p3A : vector<512x128xf32>
    %select_n3A = arith.select %ne3A, %add3A_8, %add3A_11 : vector<512x128xi1>, vector<512x128xf32>
    %tanh3A = math.tanh %select_n3A : vector<512x128xf32>
    %mul3A = arith.mulf %add3A, %tanh3A : vector<512x128xf32>
    %get3A_12 = arith.constant 0 : index
    %get3A_13 = arith.constant 0 : index
    %get3A_14 = vector.load %arg3[%get3A_12, %get3A_13] : memref<128x128xf32, #tpu.memory_space<vmem>>, vector<128x128xf32>
    %dot_general3A = arith.constant dense<0.000000e+00> : vector<512x128xf32>
    %dot_general3A_15 = tpu.matmul %mul3A, %get3A_14, %dot_general3A {dimension_numbers = #tpu.dot_dimension_numbers<[1], [0], [0], [1], [0, 0, 1, 1], [], []>, transpose_lhs_hint = false} : vector<512x128xf32>, vector<128x128xf32>, vector<512x128xf32> -> vector<512x128xf32>
    %get3A_16 = arith.constant 0 : index
    %get3A_17 = arith.constant 0 : index
    %get3A_18 = vector.load %arg4[%get3A_16, %get3A_17] : memref<1x128xf32, #tpu.memory_space<vmem>>, vector<1x128xf32>
    %add3A_19 = vector.broadcast %get3A_18 : vector<1x128xf32> to vector<512x128xf32>
    %add3A_20 = arith.addf %dot_general3A_15, %add3A_19 : vector<512x128xf32>
    %swap3A = arith.constant 0 : index
    %swap3A_21 = arith.constant 0 : index
    %swap3A_22 = vector.load %arg5[%swap3A, %swap3A_21] : memref<512x128xf32, #tpu.memory_space<vmem>>, vector<512x128xf32>
    tpu.vector_store %arg5[%swap3A, %swap3A_21], %add3A_20 {strides = array<i32>} : memref<512x128xf32, #tpu.memory_space<vmem>>, vector<512x128xf32>,
    return
  }
  func.func @transform_0(%arg0: i32) -> (i32, i32) {
    %c0_i32 = arith.constant 0 : i32
    %c0_i32_0 = arith.constant 0 : i32
    return %arg0, %c0_i32 : i32, i32
  }
  func.func @transform_1(%arg0: i32) -> (i32, i32) {
    %c0_i32 = arith.constant 0 : i32
    %c0_i32_0 = arith.constant 0 : i32
    return %arg0, %c0_i32 : i32, i32
  }
  func.func @transform_2(%arg0: i32) -> (i32, i32) {
    %c0_i32 = arith.constant 0 : i32
    %c0_i32_0 = arith.constant 0 : i32
    %c0_i32_1 = arith.constant 0 : i32
    return %c0_i32, %c0_i32_0 : i32, i32
  }
  func.func @transform_3(%arg0: i32) -> (i32, i32) {
    %c0_i32 = arith.constant 0 : i32
    %c0_i32_0 = arith.constant 0 : i32
    %c0_i32_1 = arith.constant 0 : i32
    return %c0_i32, %c0_i32_0 : i32, i32
  }
  func.func @transform_4(%arg0: i32) -> (i32, i32) {
    %c0_i32 = arith.constant 0 : i32
    %c0_i32_0 = arith.constant 0 : i32
    return %arg0, %c0_i32 : i32, i32
  }
}

module attributes {stable_mosaic.version = 14 : i64} {
  func.func @_pre_body(%arg0: i32, %arg1: memref<1000x128xf32, #tpu.memory_space<vmem>>, %arg2: memref<256x128xf32, #tpu.memory_space<vmem>>, %arg3: memref<1x128xf32, #tpu.memory_space<vmem>>, %arg4: memref<1000x128xf32, #tpu.memory_space<vmem>>, %arg5: memref<1000x128xf32, #tpu.memory_space<vmem>>) attributes {dimension_semantics = [#tpu.dimension_semantics<arbitrary>], iteration_bounds = array<i64: 10>, scalar_prefetch = 0 : i64, scratch_operands = 0 : i64, tpu.core_type = #tpu.core_type<tc>, window_params = [{transform_indices = @transform_0, window_bounds = array<i64: 1000, 128>}, {pipeline_mode = #tpu.pipeline_mode<synchronous>, transform_indices = @transform_1, window_bounds = array<i64: 256, 128>}, {pipeline_mode = #tpu.pipeline_mode<synchronous>, transform_indices = @transform_2, window_bounds = array<i64: 1, 128>}, {transform_indices = @transform_3, window_bounds = array<i64: 1000, 128>}, {transform_indices = @transform_4, window_bounds = array<i64: 1000, 128>}]} {
    %get3A = arith.constant 0 : index
    %get3A_0 = arith.constant 0 : index
    %get3A_1 = vector.load %arg1[%get3A, %get3A_0] : memref<1000x128xf32, #tpu.memory_space<vmem>>, vector<1000x128xf32>
    %get3A_2 = arith.constant 0 : index
    %get3A_3 = arith.constant 0 : index
    %get3A_4 = vector.load %arg2[%get3A_2, %get3A_3] : memref<256x128xf32, #tpu.memory_space<vmem>>, vector<128x128xf32>
    %get3A_5 = arith.constant 128 : index
    %get3A_6 = arith.constant 0 : index
    %get3A_7 = vector.load %arg2[%get3A_5, %get3A_6] : memref<256x128xf32, #tpu.memory_space<vmem>>, vector<128x128xf32>
    %sub3A = arith.subf %get3A_4, %get3A_7 : vector<128x128xf32>
    %dot_general3A = arith.constant dense<0.000000e+00> : vector<1000x128xf32>
    %dot_general3A_8 = tpu.matmul %get3A_1, %sub3A, %dot_general3A {dimension_numbers = #tpu.dot_dimension_numbers<[1], [0], [0], [1], [0, 0, 1, 1], [], []>, transpose_lhs_hint = false} : vector<1000x128xf32>, vector<128x128xf32>, vector<1000x128xf32> -> vector<1000x128xf32>
    %get3A_9 = arith.constant 0 : index
    %get3A_10 = arith.constant 0 : index
    %get3A_11 = vector.load %arg3[%get3A_9, %get3A_10] : memref<1x128xf32, #tpu.memory_space<vmem>>, vector<1x128xf32>
    %add3A = vector.broadcast %get3A_11 : vector<1x128xf32> to vector<1000x128xf32>
    %add3A_12 = arith.addf %dot_general3A_8, %add3A : vector<1000x128xf32>
    %swap3A = arith.constant 0 : index
    %swap3A_13 = arith.constant 0 : index
    %swap3A_14 = vector.load %arg4[%swap3A, %swap3A_13] : memref<1000x128xf32, #tpu.memory_space<vmem>>, vector<1000x128xf32>
    tpu.vector_store %arg4[%swap3A, %swap3A_13], %add3A_12 {strides = array<i32>} : memref<1000x128xf32, #tpu.memory_space<vmem>>, vector<1000x128xf32>,
    %dot_general3A_15 = arith.constant dense<0.000000e+00> : vector<1000x128xf32>
    %dot_general3A_16 = tpu.matmul %get3A_1, %get3A_7, %dot_general3A_15 {dimension_numbers = #tpu.dot_dimension_numbers<[1], [0], [0], [1], [0, 0, 1, 1], [], []>, transpose_lhs_hint = false} : vector<1000x128xf32>, vector<128x128xf32>, vector<1000x128xf32> -> vector<1000x128xf32>
    %swap3A_17 = arith.constant 0 : index
    %swap3A_18 = arith.constant 0 : index
    %swap3A_19 = vector.load %arg5[%swap3A_17, %swap3A_18] : memref<1000x128xf32, #tpu.memory_space<vmem>>, vector<1000x128xf32>
    tpu.vector_store %arg5[%swap3A_17, %swap3A_18], %dot_general3A_16 {strides = array<i32>} : memref<1000x128xf32, #tpu.memory_space<vmem>>, vector<1000x128xf32>,
    return
  }
  func.func @transform_0(%arg0: i32) -> (i32, i32) {
    %c0_i32 = arith.constant 0 : i32
    %c0_i32_0 = arith.constant 0 : i32
    return %arg0, %c0_i32 : i32, i32
  }
  func.func @transform_1(%arg0: i32) -> (i32, i32) {
    %c0_i32 = arith.constant 0 : i32
    %c0_i32_0 = arith.constant 0 : i32
    %c0_i32_1 = arith.constant 0 : i32
    return %c0_i32, %c0_i32_0 : i32, i32
  }
  func.func @transform_2(%arg0: i32) -> (i32, i32) {
    %c0_i32 = arith.constant 0 : i32
    %c0_i32_0 = arith.constant 0 : i32
    %c0_i32_1 = arith.constant 0 : i32
    return %c0_i32, %c0_i32_0 : i32, i32
  }
  func.func @transform_3(%arg0: i32) -> (i32, i32) {
    %c0_i32 = arith.constant 0 : i32
    %c0_i32_0 = arith.constant 0 : i32
    return %arg0, %c0_i32 : i32, i32
  }
  func.func @transform_4(%arg0: i32) -> (i32, i32) {
    %c0_i32 = arith.constant 0 : i32
    %c0_i32_0 = arith.constant 0 : i32
    return %arg0, %c0_i32 : i32, i32
  }
}

module attributes {stable_mosaic.version = 14 : i64} {
  func.func @_bn_body(%arg0: memref<10000x128xf32, #tpu.memory_space<vmem>>, %arg1: memref<1x128xf32, #tpu.memory_space<vmem>>, %arg2: memref<1x128xf32, #tpu.memory_space<vmem>>, %arg3: memref<10000x128xf32, #tpu.memory_space<vmem>>) attributes {dimension_semantics = [], scalar_prefetch = 0 : i64, scratch_operands = 0 : i64, tpu.core_type = #tpu.core_type<tc>} {
    %get3A = arith.constant 0 : index
    %get3A_0 = arith.constant 0 : index
    %get3A_1 = vector.load %arg0[%get3A, %get3A_0] : memref<10000x128xf32, #tpu.memory_space<vmem>>, vector<10000x128xf32>
    %eq3A = arith.constant 0xFF800000 : f32
    %eq3A_2 = vector.broadcast %eq3A : f32 to vector<10000x128xf32>
    %eq3A_3 = arith.cmpf oeq, %get3A_1, %eq3A_2 : vector<10000x128xf32>
    %jit3A = arith.constant 0.000000e+00 : f32
    %broadcast_in_dim3A = vector.broadcast %jit3A : f32 to vector<10000x128xf32>
    %select_n3A = arith.select %eq3A_3, %broadcast_in_dim3A, %get3A_1 : vector<10000x128xi1>, vector<10000x128xf32>
    %reduce_sum3A = arith.constant dense<0.000000e+00> : vector<128xf32>
    %reduce_sum3A_4 = vector.multi_reduction <add>, %select_n3A, %reduce_sum3A [0] : vector<10000x128xf32> to vector<128xf32>
    %broadcast_in_dim3A_5 = vector.shape_cast %reduce_sum3A_4 : vector<128xf32> to vector<1x128xf32>
    %div3A = arith.constant 1.000000e+04 : f32
    %div3A_6 = vector.broadcast %div3A : f32 to vector<1x128xf32>
    %div3A_7 = arith.divf %broadcast_in_dim3A_5, %div3A_6 : vector<1x128xf32>
    %sub3A = vector.broadcast %div3A_7 : vector<1x128xf32> to vector<10000x128xf32>
    %sub3A_8 = arith.subf %select_n3A, %sub3A : vector<10000x128xf32>
    %integer_pow3A = arith.mulf %sub3A_8, %sub3A_8 : vector<10000x128xf32>
    %reduce_sum3A_9 = arith.constant dense<0.000000e+00> : vector<128xf32>
    %reduce_sum3A_10 = vector.multi_reduction <add>, %integer_pow3A, %reduce_sum3A_9 [0] : vector<10000x128xf32> to vector<128xf32>
    %broadcast_in_dim3A_11 = vector.shape_cast %reduce_sum3A_10 : vector<128xf32> to vector<1x128xf32>
    %div3A_12 = arith.constant 1.000000e+04 : f32
    %div3A_13 = vector.broadcast %div3A_12 : f32 to vector<1x128xf32>
    %div3A_14 = arith.divf %broadcast_in_dim3A_11, %div3A_13 : vector<1x128xf32>
    %get3A_15 = arith.constant 0 : index
    %get3A_16 = arith.constant 0 : index
    %get3A_17 = vector.load %arg1[%get3A_15, %get3A_16] : memref<1x128xf32, #tpu.memory_space<vmem>>, vector<1x128xf32>
    %sub3A_18 = vector.broadcast %div3A_7 : vector<1x128xf32> to vector<10000x128xf32>
    %sub3A_19 = arith.subf %select_n3A, %sub3A_18 : vector<10000x128xf32>
    %mul3A = vector.broadcast %get3A_17 : vector<1x128xf32> to vector<10000x128xf32>
    %mul3A_20 = arith.mulf %mul3A, %sub3A_19 : vector<10000x128xf32>
    %add3A = arith.constant 9.99999974E-6 : f32
    %add3A_21 = vector.broadcast %add3A : f32 to vector<1x128xf32>
    %add3A_22 = arith.addf %div3A_14, %add3A_21 : vector<1x128xf32>
    %sqrt3A = math.sqrt %add3A_22 : vector<1x128xf32>
    %div3A_23 = vector.broadcast %sqrt3A : vector<1x128xf32> to vector<10000x128xf32>
    %div3A_24 = arith.divf %mul3A_20, %div3A_23 : vector<10000x128xf32>
    %get3A_25 = arith.constant 0 : index
    %get3A_26 = arith.constant 0 : index
    %get3A_27 = vector.load %arg2[%get3A_25, %get3A_26] : memref<1x128xf32, #tpu.memory_space<vmem>>, vector<1x128xf32>
    %add3A_28 = vector.broadcast %get3A_27 : vector<1x128xf32> to vector<10000x128xf32>
    %add3A_29 = arith.addf %div3A_24, %add3A_28 : vector<10000x128xf32>
    %swap3A = arith.constant 0 : index
    %swap3A_30 = arith.constant 0 : index
    %swap3A_31 = vector.load %arg3[%swap3A, %swap3A_30] : memref<10000x128xf32, #tpu.memory_space<vmem>>, vector<10000x128xf32>
    tpu.vector_store %arg3[%swap3A, %swap3A_30], %add3A_29 {strides = array<i32>} : memref<10000x128xf32, #tpu.memory_space<vmem>>, vector<10000x128xf32>,
    return
  }
}

</mosaic_0001>

<sc_bundles>
// kernel: kernel.11.cloned.1.call-start
scs
__scs_entry_jumppad:
0x0: {  	(pc) =	sbr.rel $0x88, $3  }
0x1: {  	(tag) =	ssettag $0x0;
	lr =	simm.s32 $0x1  }
0x2: {  	[smem:$0x3F98] =	sst lr;
	_ =	strace $0xD0000000  }
0x3: {  	_ = 	snop  }
0x4: {  	_ = 	snop  }
0x5: {  	_ = 	snop  }
0x6: {  	_ = 	snop  }
0x7: {  	_ = 	snop  }
__scs_overlays_trampoline_lowered:
0x8: {  	[smem:$0x3FA7] =	sst s0  }
0x9: {  	[smem:$0x3FA8] =	sst s1  }
0xa: {  	[smem:$0x3FA9] =	sst s2  }
0xb: {  	[smem:$0x3FAA] =	sst s3  }
0xc: {  	[smem:$0x3FAB] =	sst s4  }
0xd: {  	[smem:$0x3FAC] =	sst s5  }
0xe: {  	[smem:$0x3FAD] =	sst s6  }
0xf: {  	[smem:$0x3FAE] =	sst s7  }
0x10: {  	[smem:$0x3FAF] =	sst s8  }
0x11: {  	[smem:$0x3FB0] =	sst s9;
	s0 =	simm.s32 @!p0 $0x0  }
0x12: {  	s1 =	sld [smem:$0x3F96];
	s0 =	simm.s32 @p0 $0x1  }
0x13: {  	[smem:$0x3FB1] =	sst s0;
	s0 =	simm.s32 @!p1 $0x0  }
0x14: {  	s2 =	sld [smem:$0x3F95];
	s0 =	simm.s32 @p1 $0x1  }
0x15: {  	[smem:$0x3FB2] =	sst s0;
	s0 =	simm.s32 @!p2 $0x0  }
0x16: {  	s3 =	sld [smem:$0x3FDB];
	s0 =	simm.s32 @p2 $0x1  }
0x17: {  	s4 =	simm.s32 $0x1BF5;
	[smem:$0x3FB4] =	sst s0  }
0x18: {  	s0 =	sld [smem:$0x3F97];
	_ =	swait.ge [sflag:s4], $0x0  }
0x19: {  	s7 =	sld [smem:$0x3F98]  }
0x1a: {  	s8 =	sadd.s32 $0xFFFFE003, lr  }
0x1b: {  	s9 =	sadd.s32 $0xFFFFFEF7, lr;
	s5 =	simm.s32 $0xFFFFFFFF;
	p2 =	slt.u32 s8, $0xFFFFF086  }
0x1c: {  	p1 =	slt.u32 s9, $0xF7A;
	s5 =	simm.s32 @!p2 $0x0  }
0x1d: {  	s5 =	simm.s32 @p1 $0x1;
	p0 =	seq.s32 s7, s2  }
0x1e: {  	s7 =	smul.u32 @!p0 $0xF7A, s2;
	p2 =	seq.s32 @!p0 s5, $0x0  }
0x1f: {  	s9 =	smul.u32 $0xF7A, s1;
	s8 =	simm.s32 @!p0 $0x1BF5;
	p2 =	por !p2, p0  }
0x20: {  	[sflag:s8] =	ssyncset.s32 @!p0 $0xFFFFF086;
	s6 =	sadd.s32 @!p0 s3, s7;
	s7 =	simm.s32 @!p0 $0x108  }
0x21: {  	s3 =	sadd.s32 s3, s9;
	s6 =	sadd.s32 @!p0 $0x88, s6;
	s7 =	simm.s32 @p2 $0x1082  }
0x22: {  	[simem:s7], [sflag:s8] =	dma.local @!p0 [hbm:s6], $0xF7A  }
0x23: {  	s9 =	sor.u32 $0xD0000000, s2;
	s6 =	simm.s32 $0x108;
	_ =	swait.ge @!p0 [sflag:s8], $0x0  }
0x24: {  	s3 =	sadd.s32 $0x88, s3;
	s6 =	simm.s32 @!p1 $0x1082;
	[sflag:s4] =	ssyncset.s32 $0xFFFFF086  }
0x25: {  	[simem:s6], [sflag:s4] =	dma.local [hbm:s3], $0xF7A  }
0x26: {  	[smem:$0x3F98] =	sst s1;
	(tag) =	ssettag s2;
	_ =	strace s9  }
0x27: {  	s1 =	sld [smem:$0x3FA8]  }
0x28: {  	s2 =	sld [smem:$0x3FA9]  }
0x29: {  	s4 =	sld [smem:$0x3FAB]  }
0x2a: {  	p0 =	seq.s32 s5, $0x0;
	s5 =	sld [smem:$0x3FAC]  }
0x2b: {  	s6 =	sld [smem:$0x3FAD]  }
0x2c: {  	s7 =	sld [smem:$0x3FAE]  }
0x2d: {  	s3 =	simm.s32 $0x108;
	s8 =	sld [smem:$0x3FAF]  }
0x2e: {  	s3 =	simm.s32 @!p0 $0x1082;
	s9 =	sld [smem:$0x3FB0]  }
0x2f: {  	lr =	sadd.s32 s0, s3;
	s0 =	sld [smem:$0x3FA7]  }
0x30: {  	s3 =	sld [smem:$0x3FAA]  }
0x31: {  	[smem:$0x3FB3] =	sst s10  }
0x32: {  	s10 =	sld [smem:$0x3FB1];
	_ =	sdelay $0x3  }
0x33: {  	p0 =	seq.s32 s10, $0x1;
	s10 =	sld [smem:$0x3FB3];
	_ =	sdelay $0x3  }
0x34: {  	[smem:$0x3FB3] =	sst s10  }
0x35: {  	s10 =	sld [smem:$0x3FB2];
	_ =	sdelay $0x3  }
0x36: {  	p1 =	seq.s32 s10, $0x1;
	s10 =	sld [smem:$0x3FB3];
	_ =	sdelay $0x3  }
0x37: {  	[smem:$0x3FB3] =	sst s10  }
0x38: {  	s10 =	sld [smem:$0x3FB4]  }
0x39: {  	_ = 	snop;
	(pc) =	sbr.ind lr, $3  }
0x3a: {  	_ = 	snop  }
0x3b: {  	_ = 	snop  }
0x3c: {  	p2 =	seq.s32 s10, $0x1;
	s10 =	sld [smem:$0x3FB3]  }
0x3d: {  	_ =	shalt  }
0x3e: {  	_ =	shalt  }
0x3f: {  	_ =	shalt  }
0x40: {  	_ =	shalt  }
0x41: {  	_ =	shalt  }
0x42: {  	_ =	shalt  }
0x43: {  	_ =	shalt  }
0x44: {  	_ =	shalt  }
0x45: {  	_ =	shalt  }
0x46: {  	_ =	shalt  }
0x47: {  	_ =	shalt  }
0x48: {  	_ =	shalt  }
0x49: {  	_ =	shalt  }
0x4a: {  	_ =	shalt  }
0x4b: {  	_ =	shalt  }
0x4c: {  	_ =	shalt  }
0x4d: {  	_ =	shalt  }
0x4e: {  	_ =	shalt  }
0x4f: {  	_ =	shalt  }
0x50: {  	_ =	shalt  }
0x51: {  	_ =	shalt  }
0x52: {  	_ =	shalt  }
0x53: {  	_ =	shalt  }
0x54: {  	_ =	shalt  }
0x55: {  	_ =	shalt  }
0x56: {  	_ =	shalt  }
0x57: {  	_ =	shalt  }
0x58: {  	_ =	shalt  }
0x59: {  	_ =	shalt  }
0x5a: {  	_ =	shalt  }
0x5b: {  	_ =	shalt  }
0x5c: {  	_ =	shalt  }
0x5d: {  	_ =	shalt  }
0x5e: {  	_ =	shalt  }
0x5f: {  	_ =	shalt  }
0x60: {  	_ =	shalt  }
0x61: {  	_ =	shalt  }
0x62: {  	_ =	shalt  }
0x63: {  	_ =	shalt  }
0x64: {  	_ =	shalt  }
0x65: {  	_ =	shalt  }
0x66: {  	_ =	shalt  }
0x67: {  	_ =	shalt  }
0x68: {  	_ =	shalt  }
0x69: {  	_ =	shalt  }
0x6a: {  	_ =	shalt  }
0x6b: {  	_ =	shalt  }
0x6c: {  	_ =	shalt  }
0x6d: {  	_ =	shalt  }
0x6e: {  	_ =	shalt  }
0x6f: {  	_ =	shalt  }
0x70: {  	_ =	shalt  }
0x71: {  	_ =	shalt  }
0x72: {  	_ =	shalt  }
0x73: {  	_ =	shalt  }
0x74: {  	_ =	shalt  }
0x75: {  	_ =	shalt  }
0x76: {  	_ =	shalt  }
0x77: {  	_ =	shalt  }
0x78: {  	_ =	shalt  }
0x79: {  	_ =	shalt  }
0x7a: {  	_ =	shalt  }
0x7b: {  	_ =	shalt  }
0x7c: {  	_ =	shalt  }
0x7d: {  	_ =	shalt  }
0x7e: {  	_ =	shalt  }
0x7f: {  	_ =	shalt  }
0x80: {  	_ =	shalt  }
0x81: {  	_ =	shalt  }
0x82: {  	_ =	shalt  }
0x83: {  	_ =	shalt  }
0x84: {  	_ =	shalt  }
0x85: {  	_ =	shalt  }
0x86: {  	_ =	shalt  }
0x87: {  	_ =	shalt  }
.Lfunc_end0:
.L_simem_size_0:
called_computation.1_lowered:
.L_overlay_start_0:
0x88: {  	s2 =	sld [smem:$0x3FD9]  }
0x89: {  	s3 =	sld [smem:$0x3FFE];
	_ =	sdelay $0x1  }
0x8a: {  	s1 =	srdreg.scid  }
0x8b: {  	s0 =	sand.u32 $0x1, s1  }
0x8c: {  	s17 =	sshll.u32 s0, $0xA;
	s2 =	sadd.s32 s3, s2  }
0x8d: {  	s2 =	sadd.s32 s2, s17  }
0x8e: {  	[smem:$0x3FBF] =	sst s2  }
0x8f: {  	_ = 	snop  }
0x90: {  	(tm) =	ssettm $0x1  }
0x91: {  	s18 =	sld [smem:$0x3FFB];
	_ =	sdelay $0x3  }
0x92: {  	_ =	strace s18  }
0x93: {  	s2 =	sld [smem:$0x3FFC];
	_ =	sdelay $0x3  }
0x94: {  	_ =	strace s2  }
0x95: {  	s2 =	sld [smem:$0x3FFD];
	_ =	sdelay $0x3  }
0x96: {  	_ =	strace s2  }
0x97: {  	_ =	strace $0x8FFFFFFF  }
0x98: {  	s19 =	sld [smem:$0x3FDB];
	_ =	sdelay $0x1  }
0x99: {  	s20 =	simm.s32 $_scs_section_size  }
0x9a: {  	s4 =	simm.s32 $_size__tile_overlayer_lowered;
	s5 =	simm.s32 $_tile_overlayer_lowered  }
0x9b: {  	s6 =	simm.s32 $0x1BFF;
	s21 =	sshll.u32 s5, $0x1;
	s3 =	sadd.s32 s20, s19  }
0x9c: {  	s22 =	simm.s32 $0x0;
	s4 =	sshll.u32 s4, $0x1;
	s5 =	sadd.s32 s21, s3  }
0x9d: {  	[timem:s22], [sflag:s6] =	dma.local [hbm:s5], s4  }
0x9e: {  	_ =	swait.ge [sflag:s6], s4  }
0x9f: {  	s4 =	ssub.s32 $0x0, s4;
	[sflag:s6] =	ssyncset.done $0x0  }
0xa0: {  	[sflag:s6] =	ssyncadd.s32 s4;
	_ =	sdelay $0x1  }
0xa1: {  	s23 =	simm.s32 $0x1B8B  }
0xa2: {  	_ =	swait.ge [sflag:s23], $0x1  }
0xa3: {  	[sflag:s23] =	ssyncset.done $0x0  }
0xa4: {  	[sflag:s23] =	ssyncadd.s32 $0xFFFFFFFF  }
0xa5: {  	s4 =	sld [smem:$0x0]  }
0xa6: {  	s5 =	sand.u32 $0xFFFFFFFE, s1  }
0xa7: {  	p0 =	sne.s32 s1, s5  }
0xa8: {  	s5 =	sshll.u32 @p0 s5, $0xE  }
0xa9: {  	s5 =	sadd.s32 @p0 $0x11B8D, s5;
	s6 =	sshll.u32 @p0 s4, $0x11  }
0xaa: {  	s5 =	sor.u32 @p0 s6, s5  }
0xab: {  	[sflag:s5] =	ssyncadd.remote.s32 @p0 $0x1;
	_ =	sdelay $0x1  }
0xac: {  	s5 =	simm.s32 @p0 $0x1B8D  }
0xad: {  	_ =	swait.eq @p0 [sflag:s5], $0x1  }
0xae: {  	[sflag:s5] =	ssyncadd.s32 @p0 $0xFFFFFFFF  }
0xaf: {  	s6 =	sshll.u32 @!p0 s1, $0xE  }
0xb0: {  	s6 =	sor.u32 @!p0 $0x4000, s6;
	s5 =	simm.s32 @!p0 $0x1B8D  }
0xb1: {  	s4 =	sshll.u32 @!p0 s4, $0x11;
	s6 =	sadd.s32 @!p0 $0x11B8D, s6;
	_ =	swait.eq @!p0 [sflag:s5], $0x1  }
0xb2: {  	s4 =	sor.u32 @!p0 s4, s6;
	[sflag:s5] =	ssyncadd.s32 @!p0 $0xFFFFFFFF  }
0xb3: {  	s25 =	simm.s32 $0x1B8E;
	s24 =	sld [smem:$0x3FFE];
	[sflag:s4] =	ssyncadd.remote.s32 @!p0 $0x1  }
0xb4: {  	s26 =	simm.s32 $execute0_lowered;
	[smem:$0x3FD2] =	sst s25  }
0xb5: {  	s5 =	sshll.u32 s26, $0x1;
	_ =	strace $0x80000049;
	[dreg:$0x1] =	wrdreg $0xFFFFFFFF  }
0xb6: {  	s28 =	simm.s32 $_size_execute0_lowered;
	s3 =	sadd.s32 s3, s5;
	[dreg:$0x0] =	wrdreg $0x0  }
0xb7: {  	s5 =	sshll.u32 s28, $0x1;
	[dreg:$0x2] =	wrdreg s3  }
0xb8: {  	[dreg:$0x3] =	wrdreg s5  }
0xb9: {  	[dreg:$0x4] =	wrdreg $0xC0  }
0xba: {  	_ =	task [dreg:s22], $0x5FFFF  }
0xbb: {  	[dreg:$0x1] =	wrdreg $0xFFFFFFFF  }
0xbc: {  	[dreg:$0x0] =	wrdreg $0x60  }
0xbd: {  	[dreg:$0x2] =	wrdreg s24  }
0xbe: {  	[dreg:$0x3] =	wrdreg $0xA  }
0xbf: {  	_ =	task.clear_ibuf [dreg:s22], $0x4FFFF;
	_ =	strace $0x90000049  }
0xc0: {  	s29 =	simm.s32 $0xA;
	_ =	strace $0x8000004B  }
0xc1: {  	_ =	swait.ge [sflag:s29], $0x1  }
0xc2: {  	[sflag:s29] =	ssyncadd.s32 $0xFFFFFFFF  }
0xc3: {  	_ =	strace $0x9000004B  }
0xc4: {  	_ =	sfence  }
0xc5: {  	s30 =	sld [smem:$0x0];
	_ =	sdelay $0x2  }
0xc6: {  	s31 =	sshll.u32 s1, $0xD;
	s1 =	sshrl.u32 s1, $0x2  }
0xc7: {  	s4 =	sand.u32 $0x4000, s31;
	s1 =	sadd.s32 s1, s30  }
0xc8: {  	s0 =	sor.u32 s4, s0;
	s1 =	sshll.u32 s1, $0x11  }
0xc9: {  	s0 =	sor.u32 s1, s0  }
0xca: {  	s0 =	sadd.s32 $0x8F2B, s0  }
0xcb: {  	[sflag:s0] =	ssyncadd.remote.s32 $0x1  }
0xcc: {  	_ =	sfence.sel $0xFFFF  }
0xcd: {  	[dreg:$0x0] =	wrdreg $0xFFFFFFFF;
	(pc) =	sbr.abs _section_cstart, $3  }
0xce: {  	[dreg:$0x1] =	wrdreg $0xFFFFFFFF  }
0xcf: {  	_ =	task.clear_ibuf [dreg:s22], $0x2FFFF;
	_ =	strace $0x9FFFFFFF  }
0xd0: {  	(tm) =	ssettm $0x7FFFFFFF  }
0xd1: {  	_ =	shalt  }
tec
execute0_lowered:
.L_overlay_start_1:
0x0: {  	(tag) =	ssettag $0x1  }
0x1: {  	s6 =	rddreg [dreg:$0x0]  }
0x2: {  	s0 =	rddreg [dreg:$0x1];
	s2 =	simm.s32 $0x0;
	s3 =	srdreg.scid  }
0x3: {  	s1 =	stileid.u32;
	s13 =	simm.s32 $0x2D80;
	s14 =	simm.s32 $0x0  }
0x4: {  	[smem:$0x7FF] =	sst s2;
	s9 =	sand.u32 $0x1, s3;
	s5 =	sshll.u32 s1, $0x1  }
0x5: {  	s3 =	sadd.s32 $0x2200, s6;
	s4 =	sadd.s32 $0x9D0000, s6;
	s12 =	smul.u32 $0x9CC00, s1  }
0x6: {  	_ =	strace $0x8000004A;
	s7 =	sor.u32 s9, s5;
	s29 =	smul.u32 $0x4E600, s9  }
0x7: {  	s31 =	sshll.u32 s1, $0xB;
	s5 =	sadd.s32 $0xB09800, s6;
	s10 =	smul.u32 $0x140, s7  }
.Ltmp0:
0x8: {  	s8 =	ssub.s32 $0x2, s9;
	s9 =	sshll.u32 s9, $0xA;
	(pc) =	sbr.rel .LBB2_1-.Ltmp0, $4  }
0x9: {  	s7 =	sshll.u32 s7, $0x1;
	s11 =	sshrl.u32 s8, $0x1;
	s9 =	sor.u32 s9, s31  }
0xa: {  	s6 =	sadd.s32 s7, s6;
	s28 =	ssub.s32 s8, s11;
	s8 =	sadd.s32 s29, s12  }
0xb: {  	v2 =	vlaneseq.u32;
	v3 =	vimm.s32 $0x0;
	v5 =	vimm.s32 $0x140;
	s11 =	simm.s32 $0xC80;
	s12 =	simm.s32 $0x1D00;
	s30 =	sadd.s32 $0x140, s10  }
0xc: {  	v4 =	vor.u32 $0x1000, v2;
	s6 =	sadd.s32 $0xC43000, s6;
	s7 =	smax.u32 s28, $0x1;
	v0 =	vmov s10;
	s10 =	simm.s32 $0x1;
	v1 =	vmov s30  }
.LBB2_16:
0xd: {  	s16 =	sadd.s32 s4, s17;
	s19 =	sadd.s32 $0xC80, s15;
	[sflag:s10] =	ssyncadd.s32 @p0 $0xFFFFFF00  }
0xe: {  	[hbm4b:s16+s2] =	stream.linear.scatter [tilespmem:s19], [sflag:$0x1], $0x100, $0x38;
	[tilespmem:$0x2E00] =	vst v63  }
0xf: {  	_ =	swait.ge [sflag:s10], $0x100  }
0x10: {  	[sflag:s10] =	ssyncset.done $0x0  }
0x11: {  	s30 =	sadd.s32 s5, s17;
	s31 =	sadd.s32 $0x1D00, s15;
	[sflag:s10] =	ssyncadd.s32 $0xFFFFFF00  }
0x12: {  	[hbm4b:s30+s2] =	stream.linear.scatter [tilespmem:s31], [sflag:$0x1], $0x100, $0x38;
	[tilespmem:$0x2E00] =	vst v63  }
0x13: {  	_ =	swait.ge [sflag:s10], $0x100  }
0x14: {  	[sflag:s10] =	ssyncset.done $0x0  }
0x15: {  	[sflag:s10] =	ssyncadd.s32 $0xFFFFFF00  }
.LBB2_17:
0x16: {  	s14 =	sadd.s32 $0x1, s14  }
0x17: {  	v6 =	vmov s18;
	p0 =	sne.s32 s14, s7  }
.Ltmp1:
0x18: {  	[tilespmem:$0x2D80] =	vst v6;
	(pc) =	sbr.rel @!p0 .LBB2_18-.Ltmp1, $4  }
0x19: {  	[hbm4b:s6+s2] =	stream.linear.scatter [tilespmem:s13], [sflag:$0x1], $0x10, $0x38;
	[tilespmem:$0x2E00] =	vst v63  }
0x1a: {  	_ =	swait.ge [sflag:s10], $0x10  }
0x1b: {  	[sflag:s10] =	ssyncset.done $0x0  }
0x1c: {  	[sflag:s10] =	ssyncadd.s32 $0xFFFFFFF0  }
.LBB2_1:
.Ltmp2:
0x1d: {  	(pc) =	sbr.rel .LBB2_2-.Ltmp2, $3  }
0x1e: {  	_ =	sdelay $0x1  }
0x1f: {  	s16 =	simm.s32 $0x10  }
0x20: {  	s15 =	simm.s32 $0x0;
	s18 =	simm.s32 $0x0;
	s17 =	simm.s32 $0x0  }
.LBB2_8:
0x21: {  	s24 =	sadd.s32 s4, s22;
	s25 =	sadd.s32 $0xC80, s23;
	[sflag:s10] =	ssyncadd.s32 @p0 $0xFFFFFF00  }
0x22: {  	[hbm4b:s24+s2] =	stream.linear.scatter [tilespmem:s25], [sflag:$0x1], $0x100, $0x38;
	[tilespmem:$0x2E00] =	vst v63  }
0x23: {  	_ =	swait.ge [sflag:s10], $0x100  }
0x24: {  	[sflag:s10] =	ssyncset.done $0x0  }
0x25: {  	s30 =	sadd.s32 s5, s22;
	s31 =	sadd.s32 $0x1D00, s23;
	[sflag:s10] =	ssyncadd.s32 $0xFFFFFF00  }
0x26: {  	[hbm4b:s30+s2] =	stream.linear.scatter [tilespmem:s31], [sflag:$0x1], $0x100, $0x38;
	[tilespmem:$0x2E00] =	vst v63  }
0x27: {  	_ =	swait.ge [sflag:s10], $0x100  }
0x28: {  	[sflag:s10] =	ssyncset.done $0x0  }
0x29: {  	s15 =	sadd.s32 $0x100, s15;
	[sflag:s10] =	ssyncadd.s32 $0xFFFFFF00  }
.LBB2_9:
0x2a: {  	s17 =	sadd.s32 $0x1, s17  }
0x2b: {  	p0 =	sne.s32 s17, $0x64  }
.Ltmp3:
0x2c: {  	_ = 	snop;
	(pc) =	sbr.rel @!p0 .LBB2_10-.Ltmp3, $2  }
0x2d: {  	_ =	sdelay $0x2  }
0x2e: {  	s16 =	sadd.s32 $0xC80, s16  }
.LBB2_2:
0x2f: {  	s19 =	smul.u32 $0xC80, s17;
	_ =	sdelay $0x1  }
0x30: {  	s19 =	sshrl.u32 s19, $0x3  }
0x31: {  	s20 =	simm.s32 $0x0;
	s19 =	sadd.s32 s3, s19  }
0x32: {  	[tilespmem:s20], [sflag:$0x1] =	stream.linear.gather [hbm4b:s19+s20], $0xC80, $0x38;
	[tilespmem:$0x2E00] =	vst v63  }
0x33: {  	_ =	swait.ge [sflag:s10], $0xC80  }
0x34: {  	[sflag:s10] =	ssyncset.done $0x0  }
0x35: {  	s29 =	simm.s32 $0x0;
	[sflag:s10] =	ssyncadd.s32 $0xFFFFF380  }
0x36: {  	v6 =	vld [tilespmem:s29+$0x0];
	_ =	sdelay $0x4  }
0x37: {  	vm0 =	vge.s32 v6, v0;
	vm1 =	vlt.s32 v6, v1  }
0x38: {  	vm0 =	vmand vm0, vm1  }
0x39: {  	v7 =	vsel vm0, $0x1, v3  }
0x3a: {  	(xrf0) =	vadd.scan.msk.s32 $0xffff, v7;
	_ =	sdelay $0x5  }
0x3b: {  	v7, _, _ =	vpop (xrf0)  }
0x3c: {  	(v2sf) =	vpush v7, $0xF;
	_ =	sdelay $0x5  }
0x3d: {  	v8 =	vld [tilespmem:s29+$0x10];
	_ =	sdelay $0x4  }
0x3e: {  	vm15 =	vge.s32 v8, v0;
	vm2 =	vlt.s32 v8, v1  }
0x3f: {  	vm1 =	vmand vm15, vm2  }
0x40: {  	v9 =	vsel vm1, $0x1, v3  }
0x41: {  	(xrf0) =	vadd.scan.msk.s32 $0xffff, v9  }
0x42: {  	v61 =	vmov s18;
	s30 =	spop (v2sf)  }
0x43: {  	v9 =	vadd.s32 $0xFFF, v61;
	s19 =	sadd.s32 s18, s30  }
0x44: {  	v9 =	vbroadcast v9, $0x0;
	v10 =	vmov s19  }
0x45: {  	v10 =	vadd.s32 $0xFFF, v10  }
0x46: {  	v7 =	vadd.s32 v7, v9;
	v62 =	vbroadcast v10, $0x0  }
0x47: {  	v7 =	vand.u32 $0xFFF, v7;
	v63, _, _ =	vpop (xrf0)  }
0x48: {  	v7 =	vsel vm0, v7, v4;
	(v2sf) =	vpush v63, $0xF;
	v9 =	vadd.s32 v63, v62  }
0x49: {  	v9 =	vand.u32 $0xFFF, v9  }
0x4a: {  	v9 =	vsel vm1, v9, v4;
	_ =	sdelay $0x1  }
0x4b: {  	s31 =	sadd.s32 $0xFFFFFFF0, s16;
	v6 =	vsub.s32 v6, v0  }
0x4c: {  	[tilespmem:v7+s11+$0x0] =	vst.idx.msk $0xffff, v6;
	v6 =	vor.u32 s31, v2  }
0x4d: {  	[tilespmem:v7+s12+$0x0] =	vst.idx.msk $0xffff, v6;
	v6 =	vsub.s32 v8, v0  }
0x4e: {  	[tilespmem:v9+s11+$0x0] =	vst.idx.msk $0xffff, v6;
	v6 =	vor.u32 s16, v2  }
0x4f: {  	s21 =	simm.s32 $0x20;
	[tilespmem:v9+s12+$0x0] =	vst.idx.msk $0xffff, v6  }
0x50: {  	s20 =	simm.s32 $0x100;
	s18 =	smov.u32 s16;
	v6 =	vld [tilespmem:s21+$0x0]  }
.LBB2_3:
0x51: {  	p0 =	seq.s32 s20, $0x3180;
	v7 =	vld [tilespmem:s21+$0x10];
	_ =	sdelay $0x3  }
0x52: {  	vm0 =	vge.s32 v6, v0;
	vm1 =	vlt.s32 v6, v1;
	v6 =	vsub.s32 v6, v0  }
0x53: {  	vm0 =	vmand vm0, vm1;
	s21 =	spop (v2sf)  }
0x54: {  	v8 =	vsel vm0, $0x1, v3;
	s19 =	sadd.s32 s21, s19  }
0x55: {  	(xrf0) =	vadd.scan.msk.s32 $0xffff, v8;
	_ =	sdelay $0x5  }
0x56: {  	v8, _, _ =	vpop (xrf0)  }
0x57: {  	(v2sf) =	vpush v8, $0xF;
	_ =	sdelay $0xa  }
0x58: {  	vm1 =	vge.s32 v7, v0;
	vm2 =	vlt.s32 v7, v1  }
0x59: {  	vm1 =	vmand vm1, vm2  }
0x5a: {  	v9 =	vsel vm1, $0x1, v3  }
0x5b: {  	(xrf0) =	vadd.scan.msk.s32 $0xffff, v9  }
0x5c: {  	v9 =	vmov s19;
	s21 =	spop (v2sf)  }
0x5d: {  	v9 =	vadd.s32 $0xFFF, v9;
	s19 =	sadd.s32 s19, s21  }
0x5e: {  	v9 =	vbroadcast v9, $0x0;
	v10 =	vmov s19  }
0x5f: {  	v11 =	vadd.s32 $0xFFF, v10  }
0x60: {  	v8 =	vadd.s32 v8, v9;
	v9 =	vbroadcast v11, $0x0  }
0x61: {  	v8 =	vand.u32 $0xFFF, v8;
	v10, _, _ =	vpop (xrf0)  }
0x62: {  	v8 =	vsel vm0, v8, v4;
	v9 =	vadd.s32 v10, v9;
	(v2sf) =	vpush v10, $0xF  }
0x63: {  	v9 =	vand.u32 $0xFFF, v9  }
0x64: {  	v9 =	vsel vm1, v9, v4  }
0x65: {  	s18 =	sadd.s32 $0x20, s18  }
0x66: {  	s21 =	sadd.s32 $0xFFFFFFF0, s18  }
.Ltmp4:
0x67: {  	[tilespmem:v8+s11+$0x0] =	vst.idx.msk $0xffff, v6;
	v6 =	vor.u32 s21, v2;
	(pc) =	sbr.rel @!p0 .LBB2_3-.Ltmp4, $4  }
0x68: {  	[tilespmem:v8+s12+$0x0] =	vst.idx.msk $0xffff, v6;
	v6 =	vsub.s32 v7, v0  }
0x69: {  	[tilespmem:v9+s11+$0x0] =	vst.idx.msk $0xffff, v6;
	v6 =	vor.u32 s18, v2  }
0x6a: {  	s21 =	sshra.s32 s20, $0x2;
	[tilespmem:v9+s12+$0x0] =	vst.idx.msk $0xffff, v6  }
0x6b: {  	s20 =	sadd.s32 $0x80, s20;
	v6 =	vld [tilespmem:s21+$0x0]  }
0x6c: {  	_ =	sdelay $0x3  }
0x6d: {  	vm0 =	vge.s32 v6, v0;
	vm1 =	vlt.s32 v6, v1  }
0x6e: {  	vm0 =	vmand vm0, vm1  }
0x6f: {  	v7 =	vsel vm0, $0x1, v3  }
0x70: {  	(xrf0) =	vadd.scan.msk.s32 $0xffff, v7;
	_ =	sdelay $0x3  }
0x71: {  	v7 =	vld [tilespmem:s21+$0x10];
	_ =	sdelay $0x1  }
0x72: {  	v8, _, _ =	vpop (xrf0)  }
0x73: {  	(v2sf) =	vpush v8, $0xF;
	_ =	sdelay $0x1  }
0x74: {  	vm15 =	vge.s32 v7, v0;
	vm2 =	vlt.s32 v7, v1  }
0x75: {  	vm1 =	vmand vm15, vm2  }
0x76: {  	v9 =	vsel vm1, $0x1, v3  }
0x77: {  	(xrf0) =	vadd.scan.msk.s32 $0xffff, v9;
	_ =	sdelay $0x5  }
0x78: {  	v9, _, _ =	vpop (xrf0)  }
0x79: {  	s20 =	spop (v2sf);
	(v2sf) =	vpush v9, $0xF;
	_ =	sdelay $0x1  }
0x7a: {  	s19 =	sadd.s32 s20, s19  }
0x7b: {  	v10 =	vmov s19;
	s20 =	spop (v2sf)  }
0x7c: {  	v10 =	vadd.s32 $0xFFF, v10;
	s22 =	sadd.s32 s19, s20  }
0x7d: {  	v10 =	vbroadcast v10, $0x0;
	v11 =	vmov s22  }
0x7e: {  	v11 =	vadd.s32 $0xFFF, v11  }
0x7f: {  	v8 =	vadd.s32 v8, v10;
	v63 =	vbroadcast v11, $0x0  }
0x80: {  	v8 =	vand.u32 $0xFFF, v8  }
0x81: {  	v8 =	vsel vm0, v8, v4;
	v9 =	vadd.s32 v9, v63  }
0x82: {  	v9 =	vand.u32 $0xFFF, v9  }
0x83: {  	v9 =	vsel vm1, v9, v4  }
0x84: {  	s18 =	sadd.s32 $0x20, s18  }
0x85: {  	s31 =	sadd.s32 $0xFFFFFFF0, s18;
	v6 =	vsub.s32 v6, v0  }
0x86: {  	[tilespmem:v8+s11+$0x0] =	vst.idx.msk $0xffff, v6;
	v6 =	vor.u32 s31, v2  }
0x87: {  	[tilespmem:v8+s12+$0x0] =	vst.idx.msk $0xffff, v6;
	v6 =	vsub.s32 v7, v0;
	s21 =	spop (v2sf)  }
0x88: {  	[tilespmem:v9+s11+$0x0] =	vst.idx.msk $0xffff, v6;
	v6 =	vor.u32 s18, v2;
	s18 =	sadd.s32 s21, s22  }
0x89: {  	s22 =	ssub.s32 s18, s15  }
0x8a: {  	p0 =	sgt.s32 s22, $0xFF  }
.Ltmp5:
0x8b: {  	_ = 	snop;
	(pc) =	sbr.rel @!p0 .LBB2_9-.Ltmp5, $2  }
0x8c: {  	_ =	sdelay $0x2  }
0x8d: {  	[tilespmem:v9+s12+$0x0] =	vst.idx.msk $0xffff, v6  }
0x8e: {  	s24 =	sadd.s32 $0xFFFFFF00, s22  }
0x8f: {  	p1 =	sgt.s32 s24, $0xFF  }
.Ltmp6:
0x90: {  	_ = 	snop;
	(pc) =	sbr.rel @!p1 .LBB2_8-.Ltmp6, $3  }
0x91: {  	_ =	sdelay $0x1  }
0x92: {  	s31 =	sadd.s32 s15, s8  }
0x93: {  	s23 =	sand.u32 $0xF00, s15;
	p0 =	por $0x0, $0x0;
	s22 =	sshrl.u32 s31, $0x3  }
0x94: {  	s25 =	sadd.s32 s4, s22;
	s26 =	sadd.s32 $0xC80, s23;
	s24 =	sadd.s32 $0xFFFFFF00, s24  }
0x95: {  	[hbm4b:s25+s2] =	stream.linear.scatter [tilespmem:s26], [sflag:$0x1], $0x100, $0x38;
	[tilespmem:$0x2E00] =	vst v63  }
0x96: {  	p1 =	sgt.s32 s24, $0xFF;
	_ =	swait.ge [sflag:s10], $0x100  }
.Ltmp7:
0x97: {  	s15 =	sadd.s32 $0x100, s15;
	[sflag:s10] =	ssyncset.done $0x0;
	(pc) =	sbr.rel @!p1 .LBB2_8-.Ltmp7, $4  }
0x98: {  	s29 =	sadd.s32 s5, s22;
	s30 =	sadd.s32 $0x1D00, s23;
	[sflag:s10] =	ssyncadd.s32 $0xFFFFFF00  }
0x99: {  	[hbm4b:s29+s2] =	stream.linear.scatter [tilespmem:s30], [sflag:$0x1], $0x100, $0x38;
	[tilespmem:$0x2E00] =	vst v63  }
0x9a: {  	p0 =	por $0x1, $0x1;
	s31 =	sadd.s32 s15, s8;
	_ =	swait.ge [sflag:s10], $0x100  }
0x9b: {  	s23 =	sand.u32 $0xF00, s15;
	s22 =	sshrl.u32 s31, $0x3;
	[sflag:s10] =	ssyncset.done $0x0  }
.LBB2_7:
0x9c: {  	s25 =	sadd.s32 s4, s22  }
0x9d: {  	s26 =	sadd.s32 $0xC80, s23;
	[sflag:s10] =	ssyncadd.s32 $0xFFFFFF00;
	s24 =	sadd.s32 $0xFFFFFF00, s24  }
0x9e: {  	[hbm4b:s25+s2] =	stream.linear.scatter [tilespmem:s26], [sflag:$0x1], $0x100, $0x38;
	[tilespmem:$0x2E00] =	vst v63  }
0x9f: {  	p1 =	sgt.s32 s24, $0xFF;
	_ =	swait.ge [sflag:s10], $0x100  }
.Ltmp8:
0xa0: {  	s15 =	sadd.s32 $0x100, s15;
	[sflag:s10] =	ssyncset.done $0x0;
	(pc) =	sbr.rel @p1 .LBB2_7-.Ltmp8, $4  }
0xa1: {  	s22 =	sadd.s32 s5, s22;
	s23 =	sadd.s32 $0x1D00, s23;
	[sflag:s10] =	ssyncadd.s32 $0xFFFFFF00  }
0xa2: {  	[hbm4b:s22+s2] =	stream.linear.scatter [tilespmem:s23], [sflag:$0x1], $0x100, $0x38;
	[tilespmem:$0x2E00] =	vst v63  }
0xa3: {  	s22 =	sadd.s32 s15, s8;
	_ =	swait.ge [sflag:s10], $0x100  }
0xa4: {  	s23 =	sand.u32 $0xF00, s15;
	s22 =	sshrl.u32 s22, $0x3;
	[sflag:s10] =	ssyncset.done $0x0  }
.Ltmp9:
0xa5: {  	_ = 	snop;
	(pc) =	sbr.rel .LBB2_8-.Ltmp9, $1  }
0xa6: {  	_ =	sdelay $0x3  }
.LBB2_10:
0xa7: {  	s16 =	sadd.s32 s20, s21  }
0xa8: {  	s16 =	sadd.s32 s19, s16  }
0xa9: {  	s17 =	sadd.s32 $0x0, s16  }
0xaa: {  	v6 =	vadd.s32 s17, v2  }
0xab: {  	v6 =	vand.u32 $0xFFF, v6;
	_ =	sdelay $0x2  }
0xac: {  	s19 =	sadd.s32 $0x0, s9;
	s17 =	simm.s32 $0x10  }
.LBB2_11:
0xad: {  	s20 =	sadd.s32 s17, s16;
	v7 =	vor.u32 s19, v2;
	s19 =	smov.u32 s17;
	p0 =	seq.s32 s17, $0x3F0  }
.Ltmp10:
0xae: {  	s17 =	sadd.s32 $0x10, s17;
	v8 =	vadd.s32 s20, v2;
	[tilespmem:v6+s12+$0x0] =	vst.idx.msk $0xffff, v7;
	(pc) =	sbr.rel @!p0 .LBB2_11-.Ltmp10, $2  }
0xaf: {  	[tilespmem:v6+s11+$0x0] =	vst.idx.msk $0xffff, v5;
	v6 =	vand.u32 $0xFFF, v8;
	_ =	sdelay $0x2  }
0xb0: {  	s19 =	sadd.s32 s19, s9  }
0xb1: {  	s16 =	sadd.s32 $0x300, s18  }
0xb2: {  	p0 =	slt.s32 s15, s16  }
.Ltmp11:
0xb3: {  	_ = 	snop;
	(pc) =	sbr.rel @!p0 .LBB2_17-.Ltmp11, $4  }
0xb4: {  	_ = 	snop  }
0xb5: {  	v7 =	vor.u32 s19, v2  }
0xb6: {  	[tilespmem:v6+s12+$0x0] =	vst.idx.msk $0xffff, v7  }
0xb7: {  	[tilespmem:v6+s11+$0x0] =	vst.idx.msk $0xffff, v5  }
0xb8: {  	s20 =	sadd.s32 $0x100, s15  }
0xb9: {  	p1 =	slt.s32 s20, s16  }
.Ltmp12:
0xba: {  	_ = 	snop;
	(pc) =	sbr.rel @!p1 .LBB2_16-.Ltmp12, $3  }
0xbb: {  	_ =	sdelay $0x1  }
0xbc: {  	s17 =	sadd.s32 s15, s8  }
0xbd: {  	s15 =	sand.u32 $0xF00, s15;
	p0 =	por $0x0, $0x0;
	s17 =	sshrl.u32 s17, $0x3  }
0xbe: {  	s19 =	sadd.s32 s4, s17;
	s21 =	sadd.s32 $0xC80, s15  }
0xbf: {  	[hbm4b:s19+s2] =	stream.linear.scatter [tilespmem:s21], [sflag:$0x1], $0x100, $0x38;
	[tilespmem:$0x2E00] =	vst v63  }
0xc0: {  	s19 =	sadd.s32 $0x100, s20  }
0xc1: {  	_ =	swait.ge [sflag:s10], $0x100;
	p1 =	slt.s32 s19, s16  }
.Ltmp13:
0xc2: {  	[sflag:s10] =	ssyncset.done $0x0;
	(pc) =	sbr.rel @!p1 .LBB2_16-.Ltmp13, $4  }
0xc3: {  	s29 =	sadd.s32 s5, s17;
	s30 =	sadd.s32 $0x1D00, s15;
	[sflag:s10] =	ssyncadd.s32 $0xFFFFFF00  }
0xc4: {  	[hbm4b:s29+s2] =	stream.linear.scatter [tilespmem:s30], [sflag:$0x1], $0x100, $0x38;
	[tilespmem:$0x2E00] =	vst v63  }
0xc5: {  	s31 =	sadd.s32 s20, s8;
	s15 =	sand.u32 $0xF00, s20;
	_ =	swait.ge [sflag:s10], $0x100  }
0xc6: {  	p0 =	por $0x1, $0x1;
	s17 =	sshrl.u32 s31, $0x3;
	[sflag:s10] =	ssyncset.done $0x0  }
.LBB2_15:
0xc7: {  	s20 =	sadd.s32 s4, s17;
	s21 =	sadd.s32 $0xC80, s15;
	[sflag:s10] =	ssyncadd.s32 $0xFFFFFF00  }
0xc8: {  	[hbm4b:s20+s2] =	stream.linear.scatter [tilespmem:s21], [sflag:$0x1], $0x100, $0x38;
	[tilespmem:$0x2E00] =	vst v63  }
0xc9: {  	s20 =	smov.u32 s19;
	s19 =	sadd.s32 $0x100, s19  }
0xca: {  	_ =	swait.ge [sflag:s10], $0x100;
	p1 =	slt.s32 s19, s16  }
.Ltmp14:
0xcb: {  	[sflag:s10] =	ssyncset.done $0x0;
	(pc) =	sbr.rel @p1 .LBB2_15-.Ltmp14, $4  }
0xcc: {  	s17 =	sadd.s32 s5, s17;
	s15 =	sadd.s32 $0x1D00, s15;
	[sflag:s10] =	ssyncadd.s32 $0xFFFFFF00  }
0xcd: {  	[hbm4b:s17+s2] =	stream.linear.scatter [tilespmem:s15], [sflag:$0x1], $0x100, $0x38;
	[tilespmem:$0x2E00] =	vst v63  }
0xce: {  	s15 =	sadd.s32 s20, s8;
	_ =	swait.ge [sflag:s10], $0x100  }
0xcf: {  	s17 =	sshrl.u32 s15, $0x3;
	s15 =	sand.u32 $0xF00, s20;
	[sflag:s10] =	ssyncset.done $0x0  }
.Ltmp15:
0xd0: {  	_ = 	snop;
	(pc) =	sbr.rel .LBB2_16-.Ltmp15, $1  }
0xd1: {  	_ =	sdelay $0x3  }
.LBB2_18:
0xd2: {  	_ =	sfence.sel $0x180000  }
0xd3: {  	[bflag:$0x0] =	sbarrier.arrive $0xFFFF  }
0xd4: {  	p0 =	sne.s32 s1, $0x0;
	_ =	strace $0x9000004A  }
0xd5: {  	s0 =	sadd.s32 @!p0 $0x100000, s0;
	[bflag:$0x2] =	sbarrier.arrive $0xFFFF  }
0xd6: {  	[sflag:s0] =	ssyncadd.tile.s32 @!p0 $0x1;
	_ =	shalt  }
.Lfunc_end2:
_tile_overlayer_lowered:
.L_overlay_start_2:
0xd7: {  	(tag) =	ssettag $0x2  }
0xd8: {  	s0 =	rddreg [dreg:$0x0];
	s2 =	stileid.u32  }
0xd9: {  	s1 =	rddreg [dreg:$0x1];
	p0 =	sne.s32 s2, $0x0  }
0xda: {  	s3 =	rddreg [dreg:$0x2];
	[bflag:$0x3] =	sbarrier.arrive $0xFFFF;
	s2 =	simm.s32 @!p0 $0x1C01  }
0xdb: {  	[timem:s3], [sflag:s2] =	dma.local @!p0 [hbm:s0], s1  }
0xdc: {  	s0 =	simm.s32 @!p0 $0x1  }
0xdd: {  	_ =	swait.ge @!p0 [sflag:s0], s1  }
0xde: {  	s1 =	ssub.s32 @!p0 $0x0, s1;
	[sflag:s0] =	ssyncset.done @!p0 $0x0  }
0xdf: {  	[sflag:s0] =	ssyncadd.s32 @!p0 s1  }
0xe0: {  	[bflag:$0x3] =	sbarrier.arrive $0xFFFF  }
0xe1: {  	_ =	shalt  }

// kernel: kernel.14.cloned.1.call-start
scs
__scs_entry_jumppad:
0x0: {  	(pc) =	sbr.rel $0x88, $3  }
0x1: {  	(tag) =	ssettag $0x0;
	lr =	simm.s32 $0x1  }
0x2: {  	[smem:$0x3F98] =	sst lr;
	_ =	strace $0xD0000000  }
0x3: {  	_ = 	snop  }
0x4: {  	_ = 	snop  }
0x5: {  	_ = 	snop  }
0x6: {  	_ = 	snop  }
0x7: {  	_ = 	snop  }
__scs_overlays_trampoline_lowered:
0x8: {  	[smem:$0x3FA7] =	sst s0  }
0x9: {  	[smem:$0x3FA8] =	sst s1  }
0xa: {  	[smem:$0x3FA9] =	sst s2  }
0xb: {  	[smem:$0x3FAA] =	sst s3  }
0xc: {  	[smem:$0x3FAB] =	sst s4  }
0xd: {  	[smem:$0x3FAC] =	sst s5  }
0xe: {  	[smem:$0x3FAD] =	sst s6  }
0xf: {  	[smem:$0x3FAE] =	sst s7  }
0x10: {  	[smem:$0x3FAF] =	sst s8  }
0x11: {  	[smem:$0x3FB0] =	sst s9;
	s0 =	simm.s32 @!p0 $0x0  }
0x12: {  	s1 =	sld [smem:$0x3F96];
	s0 =	simm.s32 @p0 $0x1  }
0x13: {  	[smem:$0x3FB1] =	sst s0;
	s0 =	simm.s32 @!p1 $0x0  }
0x14: {  	s2 =	sld [smem:$0x3F95];
	s0 =	simm.s32 @p1 $0x1  }
0x15: {  	[smem:$0x3FB2] =	sst s0;
	s0 =	simm.s32 @!p2 $0x0  }
0x16: {  	s3 =	sld [smem:$0x3FDB];
	s0 =	simm.s32 @p2 $0x1  }
0x17: {  	s4 =	simm.s32 $0x1BF5;
	[smem:$0x3FB4] =	sst s0  }
0x18: {  	s0 =	sld [smem:$0x3F97];
	_ =	swait.ge [sflag:s4], $0x0  }
0x19: {  	s7 =	sld [smem:$0x3F98]  }
0x1a: {  	s8 =	sadd.s32 $0xFFFFE003, lr  }
0x1b: {  	s9 =	sadd.s32 $0xFFFFFEF7, lr;
	s5 =	simm.s32 $0xFFFFFFFF;
	p2 =	slt.u32 s8, $0xFFFFF086  }
0x1c: {  	p1 =	slt.u32 s9, $0xF7A;
	s5 =	simm.s32 @!p2 $0x0  }
0x1d: {  	s5 =	simm.s32 @p1 $0x1;
	p0 =	seq.s32 s7, s2  }
0x1e: {  	s7 =	smul.u32 @!p0 $0xF7A, s2;
	p2 =	seq.s32 @!p0 s5, $0x0  }
0x1f: {  	s9 =	smul.u32 $0xF7A, s1;
	s8 =	simm.s32 @!p0 $0x1BF5;
	p2 =	por !p2, p0  }
0x20: {  	[sflag:s8] =	ssyncset.s32 @!p0 $0xFFFFF086;
	s6 =	sadd.s32 @!p0 s3, s7;
	s7 =	simm.s32 @!p0 $0x108  }
0x21: {  	s3 =	sadd.s32 s3, s9;
	s6 =	sadd.s32 @!p0 $0x88, s6;
	s7 =	simm.s32 @p2 $0x1082  }
0x22: {  	[simem:s7], [sflag:s8] =	dma.local @!p0 [hbm:s6], $0xF7A  }
0x23: {  	s9 =	sor.u32 $0xD0000000, s2;
	s6 =	simm.s32 $0x108;
	_ =	swait.ge @!p0 [sflag:s8], $0x0  }
0x24: {  	s3 =	sadd.s32 $0x88, s3;
	s6 =	simm.s32 @!p1 $0x1082;
	[sflag:s4] =	ssyncset.s32 $0xFFFFF086  }
0x25: {  	[simem:s6], [sflag:s4] =	dma.local [hbm:s3], $0xF7A  }
0x26: {  	[smem:$0x3F98] =	sst s1;
	(tag) =	ssettag s2;
	_ =	strace s9  }
0x27: {  	s1 =	sld [smem:$0x3FA8]  }
0x28: {  	s2 =	sld [smem:$0x3FA9]  }
0x29: {  	s4 =	sld [smem:$0x3FAB]  }
0x2a: {  	p0 =	seq.s32 s5, $0x0;
	s5 =	sld [smem:$0x3FAC]  }
0x2b: {  	s6 =	sld [smem:$0x3FAD]  }
0x2c: {  	s7 =	sld [smem:$0x3FAE]  }
0x2d: {  	s3 =	simm.s32 $0x108;
	s8 =	sld [smem:$0x3FAF]  }
0x2e: {  	s3 =	simm.s32 @!p0 $0x1082;
	s9 =	sld [smem:$0x3FB0]  }
0x2f: {  	lr =	sadd.s32 s0, s3;
	s0 =	sld [smem:$0x3FA7]  }
0x30: {  	s3 =	sld [smem:$0x3FAA]  }
0x31: {  	[smem:$0x3FB3] =	sst s10  }
0x32: {  	s10 =	sld [smem:$0x3FB1];
	_ =	sdelay $0x3  }
0x33: {  	p0 =	seq.s32 s10, $0x1;
	s10 =	sld [smem:$0x3FB3];
	_ =	sdelay $0x3  }
0x34: {  	[smem:$0x3FB3] =	sst s10  }
0x35: {  	s10 =	sld [smem:$0x3FB2];
	_ =	sdelay $0x3  }
0x36: {  	p1 =	seq.s32 s10, $0x1;
	s10 =	sld [smem:$0x3FB3];
	_ =	sdelay $0x3  }
0x37: {  	[smem:$0x3FB3] =	sst s10  }
0x38: {  	s10 =	sld [smem:$0x3FB4]  }
0x39: {  	_ = 	snop;
	(pc) =	sbr.ind lr, $3  }
0x3a: {  	_ = 	snop  }
0x3b: {  	_ = 	snop  }
0x3c: {  	p2 =	seq.s32 s10, $0x1;
	s10 =	sld [smem:$0x3FB3]  }
0x3d: {  	_ =	shalt  }
0x3e: {  	_ =	shalt  }
0x3f: {  	_ =	shalt  }
0x40: {  	_ =	shalt  }
0x41: {  	_ =	shalt  }
0x42: {  	_ =	shalt  }
0x43: {  	_ =	shalt  }
0x44: {  	_ =	shalt  }
0x45: {  	_ =	shalt  }
0x46: {  	_ =	shalt  }
0x47: {  	_ =	shalt  }
0x48: {  	_ =	shalt  }
0x49: {  	_ =	shalt  }
0x4a: {  	_ =	shalt  }
0x4b: {  	_ =	shalt  }
0x4c: {  	_ =	shalt  }
0x4d: {  	_ =	shalt  }
0x4e: {  	_ =	shalt  }
0x4f: {  	_ =	shalt  }
0x50: {  	_ =	shalt  }
0x51: {  	_ =	shalt  }
0x52: {  	_ =	shalt  }
0x53: {  	_ =	shalt  }
0x54: {  	_ =	shalt  }
0x55: {  	_ =	shalt  }
0x56: {  	_ =	shalt  }
0x57: {  	_ =	shalt  }
0x58: {  	_ =	shalt  }
0x59: {  	_ =	shalt  }
0x5a: {  	_ =	shalt  }
0x5b: {  	_ =	shalt  }
0x5c: {  	_ =	shalt  }
0x5d: {  	_ =	shalt  }
0x5e: {  	_ =	shalt  }
0x5f: {  	_ =	shalt  }
0x60: {  	_ =	shalt  }
0x61: {  	_ =	shalt  }
0x62: {  	_ =	shalt  }
0x63: {  	_ =	shalt  }
0x64: {  	_ =	shalt  }
0x65: {  	_ =	shalt  }
0x66: {  	_ =	shalt  }
0x67: {  	_ =	shalt  }
0x68: {  	_ =	shalt  }
0x69: {  	_ =	shalt  }
0x6a: {  	_ =	shalt  }
0x6b: {  	_ =	shalt  }
0x6c: {  	_ =	shalt  }
0x6d: {  	_ =	shalt  }
0x6e: {  	_ =	shalt  }
0x6f: {  	_ =	shalt  }
0x70: {  	_ =	shalt  }
0x71: {  	_ =	shalt  }
0x72: {  	_ =	shalt  }
0x73: {  	_ =	shalt  }
0x74: {  	_ =	shalt  }
0x75: {  	_ =	shalt  }
0x76: {  	_ =	shalt  }
0x77: {  	_ =	shalt  }
0x78: {  	_ =	shalt  }
0x79: {  	_ =	shalt  }
0x7a: {  	_ =	shalt  }
0x7b: {  	_ =	shalt  }
0x7c: {  	_ =	shalt  }
0x7d: {  	_ =	shalt  }
0x7e: {  	_ =	shalt  }
0x7f: {  	_ =	shalt  }
0x80: {  	_ =	shalt  }
0x81: {  	_ =	shalt  }
0x82: {  	_ =	shalt  }
0x83: {  	_ =	shalt  }
0x84: {  	_ =	shalt  }
0x85: {  	_ =	shalt  }
0x86: {  	_ =	shalt  }
0x87: {  	_ =	shalt  }
.Lfunc_end0:
.L_simem_size_0:
called_computation.2_lowered:
.L_overlay_start_0:
0x88: {  	s2 =	sld [smem:$0x3FD9]  }
0x89: {  	s3 =	sld [smem:$0x3FFE];
	_ =	sdelay $0x1  }
0x8a: {  	s1 =	srdreg.scid  }
0x8b: {  	s0 =	sand.u32 $0x1, s1  }
0x8c: {  	s14 =	sshll.u32 s0, $0xA;
	s2 =	sadd.s32 s3, s2  }
0x8d: {  	s2 =	sadd.s32 s2, s14  }
0x8e: {  	[smem:$0x3FBF] =	sst s2  }
0x8f: {  	_ = 	snop  }
0x90: {  	s2 =	sld [smem:$0x3FD0];
	_ =	sdelay $0x2  }
0x91: {  	s15 =	simm.s32 $0xB;
	s4 =	simm.s32 $0x10  }
0x92: {  	[smem:s4], [sflag:s15] =	dma.local [hbm:s2], $0x1  }
0x93: {  	_ =	swait.eq [sflag:s15], $0x1  }
0x94: {  	[sflag:s15] =	ssyncset.done $0x0  }
0x95: {  	[sflag:s15] =	ssyncadd.s32 $0xFFFFFFFF  }
0x96: {  	s16 =	sld [smem:$0x12];
	(tm) =	ssettm $0x1  }
0x97: {  	s17 =	sld [smem:$0x3FFB];
	_ =	sdelay $0x3  }
0x98: {  	_ =	strace s17  }
0x99: {  	s3 =	sld [smem:$0x3FFC];
	_ =	sdelay $0x3  }
0x9a: {  	_ =	strace s3  }
0x9b: {  	s3 =	sld [smem:$0x3FFD];
	_ =	sdelay $0x3  }
0x9c: {  	_ =	strace s3  }
0x9d: {  	_ =	strace $0x8FFFFFFF  }
0x9e: {  	s18 =	sld [smem:$0x3FDB];
	_ =	sdelay $0x1  }
0x9f: {  	s19 =	simm.s32 $_scs_section_size  }
0xa0: {  	s5 =	simm.s32 $_size__tile_overlayer_lowered;
	s6 =	simm.s32 $_tile_overlayer_lowered  }
0xa1: {  	s22 =	simm.s32 $0x1BFF;
	s21 =	sshll.u32 s6, $0x1;
	s3 =	sadd.s32 s19, s18  }
0xa2: {  	s7 =	simm.s32 $0x0;
	s20 =	sshll.u32 s5, $0x1;
	s5 =	sadd.s32 s21, s3  }
0xa3: {  	[timem:s7], [sflag:s22] =	dma.local [hbm:s5], s20  }
0xa4: {  	_ =	swait.ge [sflag:s22], s20  }
0xa5: {  	s4 =	ssub.s32 $0x0, s20;
	[sflag:s22] =	ssyncset.done $0x0  }
0xa6: {  	[sflag:s22] =	ssyncadd.s32 s4;
	_ =	sdelay $0x1  }
0xa7: {  	s23 =	simm.s32 $0x1B8B  }
0xa8: {  	_ =	swait.ge [sflag:s23], $0x1  }
0xa9: {  	[sflag:s23] =	ssyncset.done $0x0  }
0xaa: {  	s25 =	simm.s32 $0x1B8E;
	s24 =	sld [smem:$0x3FFE];
	[sflag:s23] =	ssyncadd.s32 $0xFFFFFFFF  }
0xab: {  	s26 =	simm.s32 $execute0_lowered;
	[smem:$0x3FD2] =	sst s25  }
0xac: {  	s5 =	sshll.u32 s26, $0x1;
	_ =	strace $0x8000004C;
	[dreg:$0x1] =	wrdreg $0xFFFFFFFF  }
0xad: {  	s28 =	simm.s32 $_size_execute0_lowered;
	s3 =	sadd.s32 s3, s5;
	[dreg:$0x0] =	wrdreg $0x0  }
0xae: {  	s5 =	sshll.u32 s28, $0x1;
	[dreg:$0x2] =	wrdreg s3  }
0xaf: {  	[dreg:$0x3] =	wrdreg s5  }
0xb0: {  	[dreg:$0x4] =	wrdreg $0xC0  }
0xb1: {  	_ =	task [dreg:s7], $0x5FFFF  }
0xb2: {  	[dreg:$0x1] =	wrdreg $0xFFFFFFFF  }
0xb3: {  	[dreg:$0x0] =	wrdreg $0x60  }
0xb4: {  	[dreg:$0x2] =	wrdreg s24  }
0xb5: {  	[dreg:$0x3] =	wrdreg s16  }
0xb6: {  	[dreg:$0x4] =	wrdreg $0x9  }
0xb7: {  	_ =	task.clear_ibuf [dreg:s7], $0x5FFFF;
	_ =	strace $0x9000004C  }
0xb8: {  	s29 =	simm.s32 $0x9;
	_ =	strace $0x8000004E  }
0xb9: {  	_ =	swait.ge [sflag:s29], $0x1  }
0xba: {  	[sflag:s29] =	ssyncadd.s32 $0xFFFFFFFF  }
0xbb: {  	_ =	strace $0x9000004E  }
0xbc: {  	_ =	sfence  }
0xbd: {  	s30 =	sld [smem:$0x0];
	_ =	sdelay $0x2  }
0xbe: {  	s31 =	sshll.u32 s1, $0xD;
	s1 =	sshrl.u32 s1, $0x2  }
0xbf: {  	s3 =	sand.u32 $0x4000, s31;
	s1 =	sadd.s32 s1, s30  }
0xc0: {  	s0 =	sor.u32 s3, s0;
	s1 =	sshll.u32 s1, $0x11  }
0xc1: {  	s0 =	sor.u32 s1, s0  }
0xc2: {  	s0 =	sadd.s32 $0x8F2B, s0  }
0xc3: {  	[sflag:s0] =	ssyncadd.remote.s32 $0x1  }
0xc4: {  	_ =	sfence.sel $0xFFFF  }
0xc5: {  	[dreg:$0x0] =	wrdreg $0xFFFFFFFF;
	(pc) =	sbr.abs _section_cstart, $3  }
0xc6: {  	[dreg:$0x1] =	wrdreg $0xFFFFFFFF  }
0xc7: {  	_ =	task.clear_ibuf [dreg:s7], $0x2FFFF;
	_ =	strace $0x9FFFFFFF  }
0xc8: {  	(tm) =	ssettm $0x7FFFFFFF  }
0xc9: {  	_ =	shalt  }
tec
execute0_lowered:
.L_overlay_start_1:
0x0: {  	(tag) =	ssettag $0x1  }
0x1: {  	s0 =	rddreg [dreg:$0x0]  }
0x2: {  	s1 =	rddreg [dreg:$0x1];
	s2 =	simm.s32 $0x0  }
0x3: {  	s3 =	srdreg.scid;
	s4 =	stileid.u32;
	s16 =	simm.s32 $0x3  }
0x4: {  	s17 =	simm.s32 $0x1;
	s18 =	simm.s32 $0x300;
	s19 =	simm.s32 $0x80  }
0x5: {  	s20 =	simm.s32 $0x580;
	s21 =	simm.s32 $0x380;
	s22 =	simm.s32 $0x4580  }
0x6: {  	s23 =	simm.s32 $0x180;
	s28 =	simm.s32 $0xC580;
	s29 =	simm.s32 $0x2  }
0x7: {  	s31 =	simm.s32 $0x0;
	[smem:$0x7FF] =	sst s2;
	s5 =	sand.u32 $0x1, s3  }
0x8: {  	s4 =	sshll.u32 s4, $0x1;
	s3 =	sadd.s32 $0xC43200, s0;
	_ =	strace $0x8000004D  }
0x9: {  	s6 =	sor.u32 s5, s4;
	s4 =	sadd.s32 $0x9D0000, s0;
	s7 =	ssub.s32 $0x2, s5  }
0xa: {  	s5 =	sadd.s32 $0xB09800, s0;
	s8 =	smul.u32 $0x4E600, s6;
	s9 =	sshll.u32 s6, $0x1  }
0xb: {  	s10 =	sshrl.u32 s7, $0x1;
	s6 =	smul.u32 $0x1400, s6;
	s0 =	sadd.s32 s9, s0  }
0xc: {  	s7 =	ssub.s32 s7, s10;
	s24 =	sshrl.u32 s8, $0x3;
	s0 =	sadd.s32 $0xC43000, s0  }
0xd: {  	s11 =	sadd.s32 $0x200, s8;
	s12 =	sadd.s32 $0x300, s8;
	s13 =	sadd.s32 s1, s6  }
.Ltmp0:
0xe: {  	[dreg:$0x3] =	wrdreg s0;
	s25 =	sadd.s32 s4, s24;
	(pc) =	sbr.rel .LBB2_1-.Ltmp0, $4  }
0xf: {  	s26 =	sor.u32 $0x20, s24;
	s9 =	sadd.s32 s5, s24;
	[dreg:$0x4] =	wrdreg s25  }
0x10: {  	s14 =	smax.u32 s7, $0x1;
	[dreg:$0x5] =	wrdreg s9;
	s30 =	sadd.s32 s4, s26  }
0x11: {  	s24 =	simm.s32 $0x400;
	s0 =	sadd.s32 s5, s26;
	[dreg:$0x6] =	wrdreg s30  }
0x12: {  	v0 =	vimm.f32 $-Inf;
	s25 =	simm.s32 $0x8580;
	s26 =	simm.s32 $0x480;
	[dreg:$0x7] =	wrdreg s0  }
.LBB2_9:
0x13: {  	_ =	swait.ge [sflag:s17], $0x8000  }
0x14: {  	[sflag:s17] =	ssyncset.done $0x0  }
0x15: {  	[sflag:s17] =	ssyncadd.s32 $0xFFFF8000  }
0x16: {  	s31 =	sadd.s32 $0x1, s31;
	_ =	swait.ge [sflag:s29], $0x8000  }
0x17: {  	p0 =	sne.s32 s31, s14;
	[sflag:s29] =	ssyncset.done $0x0  }
.Ltmp1:
0x18: {  	s0 =	simm.s32 $0x10580;
	[sflag:s29] =	ssyncadd.s32 $0xFFFF8000;
	(pc) =	sbr.rel @!p0 .LBB2_10-.Ltmp1, $4  }
0x19: {  	[hbm4b:s13+s2] =	stream.linear.scatter [tilespmem:s0], [sflag:$0x3], $0xA000, $0x38;
	[tilespmem:$0x1A980] =	vst v63  }
0x1a: {  	_ =	swait.ge [sflag:s16], $0xA000  }
0x1b: {  	[sflag:s16] =	ssyncset.done $0x0  }
0x1c: {  	[sflag:s16] =	ssyncadd.s32 $0xFFFF6000  }
.LBB2_1:
0x1d: {  	s0 =	simm.s32 $0x0;
	s1 =	simm.s32 $0x200  }
.LBB2_2:
0x1e: {  	p0 =	sne.s32 s1, $0x28000;
	[tilespmem:s0+$0x105F0] =	vst v0  }
0x1f: {  	[tilespmem:s0+$0x10580] =	vst v0  }
0x20: {  	[tilespmem:s0+$0x10590] =	vst v0  }
.Ltmp2:
0x21: {  	[tilespmem:s0+$0x105A0] =	vst v0;
	(pc) =	sbr.rel @p0 .LBB2_2-.Ltmp2, $4  }
0x22: {  	[tilespmem:s0+$0x105B0] =	vst v0  }
0x23: {  	[tilespmem:s0+$0x105C0] =	vst v0  }
0x24: {  	[tilespmem:s0+$0x105D0] =	vst v0  }
0x25: {  	[tilespmem:s0+$0x105E0] =	vst v0;
	s0 =	sshra.s32 s1, $0x2;
	s1 =	sadd.s32 $0x200, s1  }
0x26: {  	[tilespmem:s0+$0x105F0] =	vst v0  }
0x27: {  	[tilespmem:s0+$0x10580] =	vst v0  }
0x28: {  	[tilespmem:s0+$0x10590] =	vst v0  }
0x29: {  	[tilespmem:s0+$0x105A0] =	vst v0  }
0x2a: {  	[tilespmem:s0+$0x105B0] =	vst v0  }
0x2b: {  	[tilespmem:s0+$0x105C0] =	vst v0  }
0x2c: {  	[tilespmem:s0+$0x105D0] =	vst v0  }
0x2d: {  	[tilespmem:s0+$0x105E0] =	vst v0;
	s0 =	simm.s32 $0x0;
	s1 =	rddreg [dreg:$0x3];
	s6 =	simm.s32 $0x500  }
0x2e: {  	[tilespmem:s6], [sflag:$0x3] =	stream.linear.gather [hbm4b:s1+s0], $0x10, $0x38;
	[tilespmem:$0x1A980] =	vst v63  }
0x2f: {  	_ =	swait.ge [sflag:s16], $0x10  }
0x30: {  	[sflag:s16] =	ssyncset.done $0x0  }
0x31: {  	[sflag:s16] =	ssyncadd.s32 $0xFFFFFFF0  }
0x32: {  	v1 =	vld [tilespmem:$0x500];
	_ =	sdelay $0x4  }
0x33: {  	(v2sf) =	vpush v1, $0x0;
	_ =	sdelay $0xc  }
0x34: {  	s8 =	rddreg [dreg:$0x4]  }
0x35: {  	[tilespmem:s0], [sflag:$0x3] =	stream.linear.gather [hbm4b:s8+s0], $0x100, $0x38;
	[tilespmem:$0x1A980] =	vst v63  }
0x36: {  	s7 =	spop (v2sf)  }
0x37: {  	_ =	swait.ge [sflag:s16], $0x100  }
0x38: {  	[sflag:s16] =	ssyncset.done $0x0  }
0x39: {  	s9 =	rddreg [dreg:$0x5];
	[sflag:s16] =	ssyncadd.s32 $0xFFFFFF00  }
0x3a: {  	[tilespmem:s18], [sflag:$0x3] =	stream.linear.gather [hbm4b:s9+s0], $0x100, $0x38;
	[tilespmem:$0x1A980] =	vst v63  }
0x3b: {  	_ =	swait.ge [sflag:s16], $0x100  }
0x3c: {  	s1 =	sadd.s32 $0x1FF, s7;
	[sflag:s16] =	ssyncset.done $0x0  }
0x3d: {  	s15 =	sand.u32 $0x1FF, s1;
	s30 =	sshra.s32 s1, $0x1F;
	[sflag:s16] =	ssyncadd.s32 $0xFFFFFF00  }
0x3e: {  	[tilespmem:s20], [sflag:$0x1] =	stream.indirect.gather [hbm4b:s3+s19], $0x80, s18, s19, $0xb8;
	[tilespmem:$0x1A980] =	vst v63  }
0x3f: {  	p1 =	slt.s32 s1, $0x1;
	p0 =	sne.s32 s15, $0x0;
	s6 =	sshrl.u32 s30, $0x17  }
0x40: {  	[tilespmem:s22], [sflag:$0x1] =	stream.indirect.gather [hbm4b:s3+s19], $0x80, s21, s19, $0xb8;
	[tilespmem:$0x1A980] =	vst v63  }
0x41: {  	s1 =	sadd.s32 s6, s1;
	p0 =	por !p1, !p0;
	s10 =	rddreg [dreg:$0x6]  }
0x42: {  	[tilespmem:s23], [sflag:$0x3] =	stream.linear.gather [hbm4b:s10+s0], $0x100, $0x38;
	[tilespmem:$0x1A980] =	vst v63  }
0x43: {  	s6 =	simm.s32 $0x1;
	p0 =	por !p0, !p0;
	_ =	swait.ge [sflag:s16], $0x100  }
0x44: {  	s1 =	sshra.s32 s1, $0x9;
	s6 =	simm.s32 @!p0 $0x0;
	[sflag:s16] =	ssyncset.done $0x0  }
0x45: {  	s1 =	ssub.s32 s1, s6;
	s7 =	rddreg [dreg:$0x7];
	[sflag:s16] =	ssyncadd.s32 $0xFFFFFF00  }
0x46: {  	[tilespmem:s24], [sflag:$0x3] =	stream.linear.gather [hbm4b:s7+s0], $0x100, $0x38;
	[tilespmem:$0x1A980] =	vst v63  }
0x47: {  	p0 =	slt.s32 s1, $0x1;
	_ =	swait.ge [sflag:s16], $0x100  }
.Ltmp3:
0x48: {  	[sflag:s16] =	ssyncset.done $0x0;
	(pc) =	sbr.rel @p0 .LBB2_9-.Ltmp3, $4  }
0x49: {  	[sflag:s16] =	ssyncadd.s32 $0xFFFFFF00  }
0x4a: {  	[tilespmem:s25], [sflag:$0x2] =	stream.indirect.gather [hbm4b:s3+s19], $0x80, s24, s19, $0xb8;
	[tilespmem:$0x1A980] =	vst v63  }
0x4b: {  	_ = 	snop  }
0x4c: {  	[tilespmem:s28], [sflag:$0x2] =	stream.indirect.gather [hbm4b:s3+s19], $0x80, s26, s19, $0xb8;
	[tilespmem:$0x1A980] =	vst v63  }
.LBB2_4:
0x4d: {  	_ =	swait.ge [sflag:s17], $0x8000  }
0x4e: {  	[sflag:s17] =	ssyncset.done $0x0  }
0x4f: {  	s6 =	simm.s32 $0x0;
	[sflag:s17] =	ssyncadd.s32 $0xFFFF8000  }
0x50: {  	v1 =	vld [tilespmem:s6+$0x0];
	_ =	sdelay $0x4  }
0x51: {  	(v2sf) =	vpush v1, $0x0;
	_ =	sdelay $0xe  }
0x52: {  	s10 =	spop (v2sf)  }
0x53: {  	s15 =	simm.s32 $0x5C0;
	s6 =	sshll.u32 s10, $0x9  }
0x54: {  	v1 =	vld [tilespmem:s15+$0xFFFFFFC0];
	s30 =	sshra.s32 s6, $0x2  }
0x55: {  	v2 =	vld [tilespmem:s30+$0x10580];
	_ =	sdelay $0x4  }
0x56: {  	v1 =	vmax.f32 v2, v1  }
0x57: {  	[tilespmem:s30+$0x10580] =	vst v1;
	v1 =	vld [tilespmem:s30+$0x10590]  }
0x58: {  	v2 =	vld [tilespmem:s15+$0xFFFFFFD0];
	_ =	sdelay $0x4  }
0x59: {  	v1 =	vmax.f32 v1, v2  }
0x5a: {  	[tilespmem:s30+$0x10590] =	vst v1;
	v1 =	vld [tilespmem:s30+$0x105A0]  }
0x5b: {  	v2 =	vld [tilespmem:s15+$0xFFFFFFE0];
	_ =	sdelay $0x4  }
0x5c: {  	v1 =	vmax.f32 v1, v2  }
0x5d: {  	[tilespmem:s30+$0x105A0] =	vst v1;
	v1 =	vld [tilespmem:s30+$0x105B0]  }
0x5e: {  	v2 =	vld [tilespmem:s15+$0xFFFFFFF0];
	_ =	sdelay $0x4  }
0x5f: {  	v1 =	vmax.f32 v1, v2  }
0x60: {  	[tilespmem:s30+$0x105B0] =	vst v1;
	v1 =	vld [tilespmem:s30+$0x105C0]  }
0x61: {  	v2 =	vld [tilespmem:s15+$0x0];
	_ =	sdelay $0x4  }
0x62: {  	v1 =	vmax.f32 v1, v2  }
0x63: {  	[tilespmem:s30+$0x105C0] =	vst v1;
	v1 =	vld [tilespmem:s30+$0x105D0]  }
0x64: {  	v2 =	vld [tilespmem:s15+$0x10];
	_ =	sdelay $0x4  }
0x65: {  	v1 =	vmax.f32 v1, v2  }
0x66: {  	[tilespmem:s30+$0x105D0] =	vst v1;
	v1 =	vld [tilespmem:s30+$0x105E0]  }
0x67: {  	v2 =	vld [tilespmem:s15+$0x20];
	_ =	sdelay $0x4  }
0x68: {  	v1 =	vmax.f32 v1, v2  }
0x69: {  	[tilespmem:s30+$0x105E0] =	vst v1;
	v1 =	vld [tilespmem:s30+$0x105F0]  }
0x6a: {  	v2 =	vld [tilespmem:s15+$0x30];
	_ =	sdelay $0x4  }
0x6b: {  	s8 =	simm.s32 $0x8;
	s6 =	simm.s32 $0x4;
	v1 =	vmax.f32 v1, v2  }
.LBB2_5:
0x6c: {  	s9 =	sshra.s32 s6, $0x2  }
0x6d: {  	[tilespmem:s30+$0x105F0] =	vst v1;
	s15 =	sadd.s32 $0x80, s15;
	s6 =	smov.u32 s8;
	s7 =	sadd.s32 $0x4, s8  }
0x6e: {  	p0 =	sne.s32 s8, $0x3FC;
	v1 =	vld [tilespmem:s9+$0x0];
	_ =	sdelay $0x4  }
0x6f: {  	(v2sf) =	vpush v1, $0x0;
	_ =	sdelay $0xe  }
0x70: {  	s8 =	spop (v2sf)  }
0x71: {  	s8 =	sshll.u32 s8, $0x9  }
0x72: {  	s30 =	sshra.s32 s8, $0x2;
	v1 =	vld [tilespmem:s15+$0xFFFFFFC0]  }
0x73: {  	v2 =	vld [tilespmem:s30+$0x10580];
	_ =	sdelay $0x4  }
0x74: {  	v1 =	vmax.f32 v2, v1  }
0x75: {  	[tilespmem:s30+$0x10580] =	vst v1;
	v1 =	vld [tilespmem:s30+$0x10590]  }
0x76: {  	v2 =	vld [tilespmem:s15+$0xFFFFFFD0];
	_ =	sdelay $0x4  }
0x77: {  	v1 =	vmax.f32 v1, v2  }
0x78: {  	[tilespmem:s30+$0x10590] =	vst v1;
	v1 =	vld [tilespmem:s30+$0x105A0]  }
0x79: {  	v2 =	vld [tilespmem:s15+$0xFFFFFFE0];
	_ =	sdelay $0x4  }
0x7a: {  	v1 =	vmax.f32 v1, v2  }
0x7b: {  	[tilespmem:s30+$0x105A0] =	vst v1;
	v1 =	vld [tilespmem:s30+$0x105B0]  }
0x7c: {  	v2 =	vld [tilespmem:s15+$0xFFFFFFF0];
	_ =	sdelay $0x4  }
0x7d: {  	v1 =	vmax.f32 v1, v2  }
0x7e: {  	[tilespmem:s30+$0x105B0] =	vst v1;
	v1 =	vld [tilespmem:s30+$0x105C0]  }
0x7f: {  	v2 =	vld [tilespmem:s15+$0x0];
	_ =	sdelay $0x4  }
0x80: {  	v1 =	vmax.f32 v1, v2  }
0x81: {  	[tilespmem:s30+$0x105C0] =	vst v1;
	v1 =	vld [tilespmem:s30+$0x105D0]  }
0x82: {  	v2 =	vld [tilespmem:s15+$0x10];
	_ =	sdelay $0x4  }
0x83: {  	v1 =	vmax.f32 v1, v2  }
0x84: {  	[tilespmem:s30+$0x105D0] =	vst v1;
	v1 =	vld [tilespmem:s30+$0x105E0]  }
0x85: {  	v2 =	vld [tilespmem:s15+$0x20];
	_ =	sdelay $0x4  }
0x86: {  	v1 =	vmax.f32 v1, v2  }
0x87: {  	[tilespmem:s30+$0x105E0] =	vst v1;
	v1 =	vld [tilespmem:s30+$0x105F0]  }
0x88: {  	v2 =	vld [tilespmem:s15+$0x30]  }
.Ltmp4:
0x89: {  	(pc) =	sbr.rel @p0 .LBB2_5-.Ltmp4, $2  }
0x8a: {  	_ =	sdelay $0x2  }
0x8b: {  	s8 =	smov.u32 s7;
	v1 =	vmax.f32 v1, v2  }
0x8c: {  	s6 =	sshra.s32 s6, $0x2;
	[tilespmem:s30+$0x105F0] =	vst v1  }
0x8d: {  	v1 =	vld [tilespmem:s6+$0x0];
	_ =	sdelay $0x4  }
0x8e: {  	(v2sf) =	vpush v1, $0x0;
	_ =	sdelay $0xe  }
0x8f: {  	s8 =	spop (v2sf)  }
0x90: {  	s7 =	sadd.s32 $0x80, s15;
	s6 =	sshll.u32 s8, $0x9  }
0x91: {  	v1 =	vld [tilespmem:s7+$0xFFFFFFC0];
	s6 =	sshra.s32 s6, $0x2  }
0x92: {  	v2 =	vld [tilespmem:s6+$0x10580];
	_ =	sdelay $0x4  }
0x93: {  	v1 =	vmax.f32 v2, v1  }
0x94: {  	[tilespmem:s6+$0x10580] =	vst v1;
	v1 =	vld [tilespmem:s6+$0x10590]  }
0x95: {  	v2 =	vld [tilespmem:s7+$0xFFFFFFD0];
	_ =	sdelay $0x4  }
0x96: {  	v1 =	vmax.f32 v1, v2  }
0x97: {  	[tilespmem:s6+$0x10590] =	vst v1;
	v1 =	vld [tilespmem:s6+$0x105A0]  }
0x98: {  	v2 =	vld [tilespmem:s7+$0xFFFFFFE0];
	_ =	sdelay $0x4  }
0x99: {  	v1 =	vmax.f32 v1, v2  }
0x9a: {  	[tilespmem:s6+$0x105A0] =	vst v1;
	v1 =	vld [tilespmem:s6+$0x105B0]  }
0x9b: {  	v2 =	vld [tilespmem:s7+$0xFFFFFFF0];
	_ =	sdelay $0x4  }
0x9c: {  	v1 =	vmax.f32 v1, v2  }
0x9d: {  	[tilespmem:s6+$0x105B0] =	vst v1;
	v1 =	vld [tilespmem:s6+$0x105C0]  }
0x9e: {  	v2 =	vld [tilespmem:s7+$0x0];
	_ =	sdelay $0x4  }
0x9f: {  	v1 =	vmax.f32 v1, v2  }
0xa0: {  	[tilespmem:s6+$0x105C0] =	vst v1;
	v1 =	vld [tilespmem:s6+$0x105D0]  }
0xa1: {  	v2 =	vld [tilespmem:s7+$0x10];
	_ =	sdelay $0x4  }
0xa2: {  	v1 =	vmax.f32 v1, v2  }
0xa3: {  	[tilespmem:s6+$0x105D0] =	vst v1;
	v1 =	vld [tilespmem:s6+$0x105E0]  }
0xa4: {  	v2 =	vld [tilespmem:s7+$0x20];
	_ =	sdelay $0x4  }
0xa5: {  	v1 =	vmax.f32 v1, v2  }
0xa6: {  	[tilespmem:s6+$0x105E0] =	vst v1;
	v1 =	vld [tilespmem:s6+$0x105F0]  }
0xa7: {  	v2 =	vld [tilespmem:s7+$0x30];
	_ =	sdelay $0x2  }
0xa8: {  	s15 =	sshll.u32 s0, $0x9  }
0xa9: {  	s9 =	sadd.s32 s15, s11  }
0xaa: {  	s7 =	sshrl.u32 s9, $0x3;
	v1 =	vmax.f32 v1, v2  }
0xab: {  	s8 =	simm.s32 $0x0;
	s10 =	sadd.s32 s4, s7;
	[tilespmem:s6+$0x105F0] =	vst v1  }
0xac: {  	[tilespmem:s8], [sflag:$0x3] =	stream.linear.gather [hbm4b:s10+s8], $0x100, $0x38;
	[tilespmem:$0x1A980] =	vst v63  }
0xad: {  	_ =	swait.ge [sflag:s16], $0x100  }
0xae: {  	[sflag:s16] =	ssyncset.done $0x0  }
0xaf: {  	s7 =	sadd.s32 s5, s7;
	[sflag:s16] =	ssyncadd.s32 $0xFFFFFF00  }
0xb0: {  	[tilespmem:s18], [sflag:$0x3] =	stream.linear.gather [hbm4b:s7+s8], $0x100, $0x38;
	[tilespmem:$0x1A980] =	vst v63  }
0xb1: {  	_ =	swait.ge [sflag:s16], $0x100  }
0xb2: {  	[sflag:s16] =	ssyncset.done $0x0  }
0xb3: {  	[sflag:s16] =	ssyncadd.s32 $0xFFFFFF00  }
0xb4: {  	[tilespmem:s20], [sflag:$0x1] =	stream.indirect.gather [hbm4b:s3+s19], $0x80, s18, s19, $0xb8;
	[tilespmem:$0x1A980] =	vst v63  }
0xb5: {  	_ = 	snop  }
0xb6: {  	[tilespmem:s22], [sflag:$0x1] =	stream.indirect.gather [hbm4b:s3+s19], $0x80, s21, s19, $0xb8;
	[tilespmem:$0x1A980] =	vst v63  }
0xb7: {  	_ =	swait.ge [sflag:s29], $0x8000  }
0xb8: {  	[sflag:s29] =	ssyncset.done $0x0  }
0xb9: {  	s9 =	simm.s32 $0x0;
	[sflag:s29] =	ssyncadd.s32 $0xFFFF8000  }
0xba: {  	v1 =	vld [tilespmem:s9+$0x180];
	_ =	sdelay $0x4  }
0xbb: {  	(v2sf) =	vpush v1, $0x0;
	_ =	sdelay $0xe  }
0xbc: {  	s10 =	spop (v2sf)  }
0xbd: {  	s30 =	simm.s32 $0x85C0;
	s6 =	sshll.u32 s10, $0x9  }
0xbe: {  	v1 =	vld [tilespmem:s30+$0xFFFFFFC0];
	s6 =	sshra.s32 s6, $0x2  }
0xbf: {  	v2 =	vld [tilespmem:s6+$0x10580];
	_ =	sdelay $0x4  }
0xc0: {  	v1 =	vmax.f32 v2, v1  }
0xc1: {  	[tilespmem:s6+$0x10580] =	vst v1;
	v1 =	vld [tilespmem:s6+$0x10590]  }
0xc2: {  	v2 =	vld [tilespmem:s30+$0xFFFFFFD0];
	_ =	sdelay $0x4  }
0xc3: {  	v1 =	vmax.f32 v1, v2  }
0xc4: {  	[tilespmem:s6+$0x10590] =	vst v1;
	v1 =	vld [tilespmem:s6+$0x105A0]  }
0xc5: {  	v2 =	vld [tilespmem:s30+$0xFFFFFFE0];
	_ =	sdelay $0x4  }
0xc6: {  	v1 =	vmax.f32 v1, v2  }
0xc7: {  	[tilespmem:s6+$0x105A0] =	vst v1;
	v1 =	vld [tilespmem:s6+$0x105B0]  }
0xc8: {  	v2 =	vld [tilespmem:s30+$0xFFFFFFF0];
	_ =	sdelay $0x4  }
0xc9: {  	v1 =	vmax.f32 v1, v2  }
0xca: {  	[tilespmem:s6+$0x105B0] =	vst v1;
	v1 =	vld [tilespmem:s6+$0x105C0]  }
0xcb: {  	v2 =	vld [tilespmem:s30+$0x0];
	_ =	sdelay $0x4  }
0xcc: {  	v1 =	vmax.f32 v1, v2  }
0xcd: {  	[tilespmem:s6+$0x105C0] =	vst v1;
	v1 =	vld [tilespmem:s6+$0x105D0]  }
0xce: {  	v2 =	vld [tilespmem:s30+$0x10];
	_ =	sdelay $0x4  }
0xcf: {  	v1 =	vmax.f32 v1, v2  }
0xd0: {  	[tilespmem:s6+$0x105D0] =	vst v1;
	v1 =	vld [tilespmem:s6+$0x105E0]  }
0xd1: {  	v2 =	vld [tilespmem:s30+$0x20];
	_ =	sdelay $0x4  }
0xd2: {  	v1 =	vmax.f32 v1, v2  }
0xd3: {  	[tilespmem:s6+$0x105E0] =	vst v1;
	v1 =	vld [tilespmem:s6+$0x105F0]  }
0xd4: {  	v2 =	vld [tilespmem:s30+$0x30];
	_ =	sdelay $0x4  }
0xd5: {  	s7 =	simm.s32 $0x4;
	s8 =	simm.s32 $0x8;
	v1 =	vmax.f32 v1, v2  }
.LBB2_7:
0xd6: {  	s10 =	sshra.s32 s7, $0x2  }
0xd7: {  	[tilespmem:s6+$0x105F0] =	vst v1;
	s30 =	sadd.s32 $0x80, s30;
	s7 =	smov.u32 s8;
	s9 =	sadd.s32 $0x4, s8  }
0xd8: {  	p0 =	sne.s32 s8, $0x3FC;
	v1 =	vld [tilespmem:s10+$0x180];
	_ =	sdelay $0x4  }
0xd9: {  	(v2sf) =	vpush v1, $0x0;
	_ =	sdelay $0xe  }
0xda: {  	s6 =	spop (v2sf)  }
0xdb: {  	s6 =	sshll.u32 s6, $0x9  }
0xdc: {  	s6 =	sshra.s32 s6, $0x2;
	v1 =	vld [tilespmem:s30+$0xFFFFFFC0]  }
0xdd: {  	v2 =	vld [tilespmem:s6+$0x10580];
	_ =	sdelay $0x4  }
0xde: {  	v1 =	vmax.f32 v2, v1  }
0xdf: {  	[tilespmem:s6+$0x10580] =	vst v1;
	v1 =	vld [tilespmem:s6+$0x10590]  }
0xe0: {  	v2 =	vld [tilespmem:s30+$0xFFFFFFD0];
	_ =	sdelay $0x4  }
0xe1: {  	v1 =	vmax.f32 v1, v2  }
0xe2: {  	[tilespmem:s6+$0x10590] =	vst v1;
	v1 =	vld [tilespmem:s6+$0x105A0]  }
0xe3: {  	v2 =	vld [tilespmem:s30+$0xFFFFFFE0];
	_ =	sdelay $0x4  }
0xe4: {  	v1 =	vmax.f32 v1, v2  }
0xe5: {  	[tilespmem:s6+$0x105A0] =	vst v1;
	v1 =	vld [tilespmem:s6+$0x105B0]  }
0xe6: {  	v2 =	vld [tilespmem:s30+$0xFFFFFFF0];
	_ =	sdelay $0x4  }
0xe7: {  	v1 =	vmax.f32 v1, v2  }
0xe8: {  	[tilespmem:s6+$0x105B0] =	vst v1;
	v1 =	vld [tilespmem:s6+$0x105C0]  }
0xe9: {  	v2 =	vld [tilespmem:s30+$0x0];
	_ =	sdelay $0x4  }
0xea: {  	v1 =	vmax.f32 v1, v2  }
0xeb: {  	[tilespmem:s6+$0x105C0] =	vst v1;
	v1 =	vld [tilespmem:s6+$0x105D0]  }
0xec: {  	v2 =	vld [tilespmem:s30+$0x10];
	_ =	sdelay $0x4  }
0xed: {  	v1 =	vmax.f32 v1, v2  }
0xee: {  	[tilespmem:s6+$0x105D0] =	vst v1;
	v1 =	vld [tilespmem:s6+$0x105E0]  }
0xef: {  	v2 =	vld [tilespmem:s30+$0x20];
	_ =	sdelay $0x4  }
0xf0: {  	v1 =	vmax.f32 v1, v2  }
0xf1: {  	[tilespmem:s6+$0x105E0] =	vst v1;
	v1 =	vld [tilespmem:s6+$0x105F0]  }
0xf2: {  	v2 =	vld [tilespmem:s30+$0x30]  }
.Ltmp5:
0xf3: {  	(pc) =	sbr.rel @p0 .LBB2_7-.Ltmp5, $2  }
0xf4: {  	_ =	sdelay $0x2  }
0xf5: {  	s8 =	smov.u32 s9;
	v1 =	vmax.f32 v1, v2  }
0xf6: {  	s7 =	sshra.s32 s7, $0x2;
	[tilespmem:s6+$0x105F0] =	vst v1  }
0xf7: {  	v1 =	vld [tilespmem:s7+$0x180];
	_ =	sdelay $0x4  }
0xf8: {  	(v2sf) =	vpush v1, $0x0;
	_ =	sdelay $0xe  }
0xf9: {  	s8 =	spop (v2sf)  }
0xfa: {  	s9 =	sadd.s32 $0x80, s30;
	s6 =	sshll.u32 s8, $0x9  }
0xfb: {  	v1 =	vld [tilespmem:s9+$0xFFFFFFC0];
	s6 =	sshra.s32 s6, $0x2  }
0xfc: {  	v2 =	vld [tilespmem:s6+$0x10580];
	_ =	sdelay $0x4  }
0xfd: {  	v1 =	vmax.f32 v2, v1  }
0xfe: {  	[tilespmem:s6+$0x10580] =	vst v1;
	v1 =	vld [tilespmem:s6+$0x10590]  }
0xff: {  	v2 =	vld [tilespmem:s9+$0xFFFFFFD0];
	_ =	sdelay $0x4  }
0x100: {  	v1 =	vmax.f32 v1, v2  }
0x101: {  	[tilespmem:s6+$0x10590] =	vst v1;
	v1 =	vld [tilespmem:s6+$0x105A0]  }
0x102: {  	v2 =	vld [tilespmem:s9+$0xFFFFFFE0];
	_ =	sdelay $0x4  }
0x103: {  	v1 =	vmax.f32 v1, v2  }
0x104: {  	[tilespmem:s6+$0x105A0] =	vst v1;
	v1 =	vld [tilespmem:s6+$0x105B0]  }
0x105: {  	v2 =	vld [tilespmem:s9+$0xFFFFFFF0];
	_ =	sdelay $0x4  }
0x106: {  	v1 =	vmax.f32 v1, v2  }
0x107: {  	[tilespmem:s6+$0x105B0] =	vst v1;
	v1 =	vld [tilespmem:s6+$0x105C0]  }
0x108: {  	v2 =	vld [tilespmem:s9+$0x0];
	_ =	sdelay $0x4  }
0x109: {  	v1 =	vmax.f32 v1, v2  }
0x10a: {  	[tilespmem:s6+$0x105C0] =	vst v1;
	v1 =	vld [tilespmem:s6+$0x105D0]  }
0x10b: {  	v2 =	vld [tilespmem:s9+$0x10];
	_ =	sdelay $0x4  }
0x10c: {  	v1 =	vmax.f32 v1, v2  }
0x10d: {  	[tilespmem:s6+$0x105D0] =	vst v1;
	v1 =	vld [tilespmem:s6+$0x105E0]  }
0x10e: {  	v2 =	vld [tilespmem:s9+$0x20];
	_ =	sdelay $0x4  }
0x10f: {  	v1 =	vmax.f32 v1, v2  }
0x110: {  	[tilespmem:s6+$0x105E0] =	vst v1;
	v1 =	vld [tilespmem:s6+$0x105F0]  }
0x111: {  	v2 =	vld [tilespmem:s9+$0x30];
	_ =	sdelay $0x3  }
0x112: {  	s10 =	sadd.s32 s15, s12  }
0x113: {  	s7 =	sshrl.u32 s10, $0x3;
	v1 =	vmax.f32 v1, v2  }
0x114: {  	s15 =	sadd.s32 s4, s7;
	[tilespmem:s6+$0x105F0] =	vst v1  }
0x115: {  	[tilespmem:s23], [sflag:$0x3] =	stream.linear.gather [hbm4b:s15+s2], $0x100, $0x38;
	[tilespmem:$0x1A980] =	vst v63  }
0x116: {  	_ =	swait.ge [sflag:s16], $0x100  }
0x117: {  	[sflag:s16] =	ssyncset.done $0x0  }
0x118: {  	s0 =	sadd.s32 $0x1, s0;
	s30 =	sadd.s32 s5, s7;
	[sflag:s16] =	ssyncadd.s32 $0xFFFFFF00  }
0x119: {  	[tilespmem:s24], [sflag:$0x3] =	stream.linear.gather [hbm4b:s30+s2], $0x100, $0x38;
	[tilespmem:$0x1A980] =	vst v63  }
0x11a: {  	p0 =	sne.s32 s0, s1;
	_ =	swait.ge [sflag:s16], $0x100  }
.Ltmp6:
0x11b: {  	[sflag:s16] =	ssyncset.done $0x0;
	(pc) =	sbr.rel @p0 .LBB2_4-.Ltmp6, $4  }
.Ltmp7:
0x11c: {  	[sflag:s16] =	ssyncadd.s32 $0xFFFFFF00;
	(pc) =	sbr.rel @!p0 .LBB2_9-.Ltmp7, $4  }
0x11d: {  	[tilespmem:s25], [sflag:$0x2] =	stream.indirect.gather [hbm4b:s3+s19], $0x80, s24, s19, $0xb8;
	[tilespmem:$0x1A980] =	vst v63  }
0x11e: {  	_ = 	snop  }
0x11f: {  	[tilespmem:s28], [sflag:$0x2] =	stream.indirect.gather [hbm4b:s3+s19], $0x80, s26, s19, $0xb8;
	[tilespmem:$0x1A980] =	vst v63  }
0x120: {  	_ = 	snop  }
.LBB2_10:
0x121: {  	_ =	sfence.sel $0x180000  }
0x122: {  	[bflag:$0x0] =	sbarrier.arrive $0xFFFF  }
0x123: {  	_ =	strace $0x9000004D  }
0x124: {  	s0 =	stileid.u32;
	[bflag:$0x2] =	sbarrier.arrive $0xFFFF  }
0x125: {  	p0 =	sne.s32 s0, $0x0;
	s0 =	rddreg [dreg:$0x2]  }
0x126: {  	s0 =	sadd.s32 @!p0 $0x100000, s0  }
0x127: {  	[sflag:s0] =	ssyncadd.tile.s32 @!p0 $0x1;
	_ =	shalt  }
.Lfunc_end2:
_tile_overlayer_lowered:
.L_overlay_start_2:
0x128: {  	(tag) =	ssettag $0x2  }
0x129: {  	s0 =	rddreg [dreg:$0x0];
	s2 =	stileid.u32  }
0x12a: {  	s1 =	rddreg [dreg:$0x1];
	p0 =	sne.s32 s2, $0x0  }
0x12b: {  	s3 =	rddreg [dreg:$0x2];
	[bflag:$0x3] =	sbarrier.arrive $0xFFFF;
	s2 =	simm.s32 @!p0 $0x1C03  }
0x12c: {  	[timem:s3], [sflag:s2] =	dma.local @!p0 [hbm:s0], s1  }
0x12d: {  	s0 =	simm.s32 @!p0 $0x3  }
0x12e: {  	_ =	swait.ge @!p0 [sflag:s0], s1  }
0x12f: {  	s1 =	ssub.s32 @!p0 $0x0, s1;
	[sflag:s0] =	ssyncset.done @!p0 $0x0  }
0x130: {  	[sflag:s0] =	ssyncadd.s32 @!p0 s1  }
0x131: {  	[bflag:$0x3] =	sbarrier.arrive $0xFFFF  }
0x132: {  	_ =	shalt  }

// kernel: kernel.8.cloned.1.call-start
scs
__scs_entry_jumppad:
0x0: {  	(pc) =	sbr.rel $0x88, $3  }
0x1: {  	(tag) =	ssettag $0x0;
	lr =	simm.s32 $0x1  }
0x2: {  	[smem:$0x3F98] =	sst lr;
	_ =	strace $0xD0000000  }
0x3: {  	_ = 	snop  }
0x4: {  	_ = 	snop  }
0x5: {  	_ = 	snop  }
0x6: {  	_ = 	snop  }
0x7: {  	_ = 	snop  }
__scs_overlays_trampoline_lowered:
0x8: {  	[smem:$0x3FA7] =	sst s0  }
0x9: {  	[smem:$0x3FA8] =	sst s1  }
0xa: {  	[smem:$0x3FA9] =	sst s2  }
0xb: {  	[smem:$0x3FAA] =	sst s3  }
0xc: {  	[smem:$0x3FAB] =	sst s4  }
0xd: {  	[smem:$0x3FAC] =	sst s5  }
0xe: {  	[smem:$0x3FAD] =	sst s6  }
0xf: {  	[smem:$0x3FAE] =	sst s7  }
0x10: {  	[smem:$0x3FAF] =	sst s8  }
0x11: {  	[smem:$0x3FB0] =	sst s9;
	s0 =	simm.s32 @!p0 $0x0  }
0x12: {  	s1 =	sld [smem:$0x3F96];
	s0 =	simm.s32 @p0 $0x1  }
0x13: {  	[smem:$0x3FB1] =	sst s0;
	s0 =	simm.s32 @!p1 $0x0  }
0x14: {  	s2 =	sld [smem:$0x3F95];
	s0 =	simm.s32 @p1 $0x1  }
0x15: {  	[smem:$0x3FB2] =	sst s0;
	s0 =	simm.s32 @!p2 $0x0  }
0x16: {  	s3 =	sld [smem:$0x3FDB];
	s0 =	simm.s32 @p2 $0x1  }
0x17: {  	s4 =	simm.s32 $0x1BF5;
	[smem:$0x3FB4] =	sst s0  }
0x18: {  	s0 =	sld [smem:$0x3F97];
	_ =	swait.ge [sflag:s4], $0x0  }
0x19: {  	s7 =	sld [smem:$0x3F98]  }
0x1a: {  	s8 =	sadd.s32 $0xFFFFE003, lr  }
0x1b: {  	s9 =	sadd.s32 $0xFFFFFEF7, lr;
	s5 =	simm.s32 $0xFFFFFFFF;
	p2 =	slt.u32 s8, $0xFFFFF086  }
0x1c: {  	p1 =	slt.u32 s9, $0xF7A;
	s5 =	simm.s32 @!p2 $0x0  }
0x1d: {  	s5 =	simm.s32 @p1 $0x1;
	p0 =	seq.s32 s7, s2  }
0x1e: {  	s7 =	smul.u32 @!p0 $0xF7A, s2;
	p2 =	seq.s32 @!p0 s5, $0x0  }
0x1f: {  	s9 =	smul.u32 $0xF7A, s1;
	s8 =	simm.s32 @!p0 $0x1BF5;
	p2 =	por !p2, p0  }
0x20: {  	[sflag:s8] =	ssyncset.s32 @!p0 $0xFFFFF086;
	s6 =	sadd.s32 @!p0 s3, s7;
	s7 =	simm.s32 @!p0 $0x108  }
0x21: {  	s3 =	sadd.s32 s3, s9;
	s6 =	sadd.s32 @!p0 $0x88, s6;
	s7 =	simm.s32 @p2 $0x1082  }
0x22: {  	[simem:s7], [sflag:s8] =	dma.local @!p0 [hbm:s6], $0xF7A  }
0x23: {  	s9 =	sor.u32 $0xD0000000, s2;
	s6 =	simm.s32 $0x108;
	_ =	swait.ge @!p0 [sflag:s8], $0x0  }
0x24: {  	s3 =	sadd.s32 $0x88, s3;
	s6 =	simm.s32 @!p1 $0x1082;
	[sflag:s4] =	ssyncset.s32 $0xFFFFF086  }
0x25: {  	[simem:s6], [sflag:s4] =	dma.local [hbm:s3], $0xF7A  }
0x26: {  	[smem:$0x3F98] =	sst s1;
	(tag) =	ssettag s2;
	_ =	strace s9  }
0x27: {  	s1 =	sld [smem:$0x3FA8]  }
0x28: {  	s2 =	sld [smem:$0x3FA9]  }
0x29: {  	s4 =	sld [smem:$0x3FAB]  }
0x2a: {  	p0 =	seq.s32 s5, $0x0;
	s5 =	sld [smem:$0x3FAC]  }
0x2b: {  	s6 =	sld [smem:$0x3FAD]  }
0x2c: {  	s7 =	sld [smem:$0x3FAE]  }
0x2d: {  	s3 =	simm.s32 $0x108;
	s8 =	sld [smem:$0x3FAF]  }
0x2e: {  	s3 =	simm.s32 @!p0 $0x1082;
	s9 =	sld [smem:$0x3FB0]  }
0x2f: {  	lr =	sadd.s32 s0, s3;
	s0 =	sld [smem:$0x3FA7]  }
0x30: {  	s3 =	sld [smem:$0x3FAA]  }
0x31: {  	[smem:$0x3FB3] =	sst s10  }
0x32: {  	s10 =	sld [smem:$0x3FB1];
	_ =	sdelay $0x3  }
0x33: {  	p0 =	seq.s32 s10, $0x1;
	s10 =	sld [smem:$0x3FB3];
	_ =	sdelay $0x3  }
0x34: {  	[smem:$0x3FB3] =	sst s10  }
0x35: {  	s10 =	sld [smem:$0x3FB2];
	_ =	sdelay $0x3  }
0x36: {  	p1 =	seq.s32 s10, $0x1;
	s10 =	sld [smem:$0x3FB3];
	_ =	sdelay $0x3  }
0x37: {  	[smem:$0x3FB3] =	sst s10  }
0x38: {  	s10 =	sld [smem:$0x3FB4]  }
0x39: {  	_ = 	snop;
	(pc) =	sbr.ind lr, $3  }
0x3a: {  	_ = 	snop  }
0x3b: {  	_ = 	snop  }
0x3c: {  	p2 =	seq.s32 s10, $0x1;
	s10 =	sld [smem:$0x3FB3]  }
0x3d: {  	_ =	shalt  }
0x3e: {  	_ =	shalt  }
0x3f: {  	_ =	shalt  }
0x40: {  	_ =	shalt  }
0x41: {  	_ =	shalt  }
0x42: {  	_ =	shalt  }
0x43: {  	_ =	shalt  }
0x44: {  	_ =	shalt  }
0x45: {  	_ =	shalt  }
0x46: {  	_ =	shalt  }
0x47: {  	_ =	shalt  }
0x48: {  	_ =	shalt  }
0x49: {  	_ =	shalt  }
0x4a: {  	_ =	shalt  }
0x4b: {  	_ =	shalt  }
0x4c: {  	_ =	shalt  }
0x4d: {  	_ =	shalt  }
0x4e: {  	_ =	shalt  }
0x4f: {  	_ =	shalt  }
0x50: {  	_ =	shalt  }
0x51: {  	_ =	shalt  }
0x52: {  	_ =	shalt  }
0x53: {  	_ =	shalt  }
0x54: {  	_ =	shalt  }
0x55: {  	_ =	shalt  }
0x56: {  	_ =	shalt  }
0x57: {  	_ =	shalt  }
0x58: {  	_ =	shalt  }
0x59: {  	_ =	shalt  }
0x5a: {  	_ =	shalt  }
0x5b: {  	_ =	shalt  }
0x5c: {  	_ =	shalt  }
0x5d: {  	_ =	shalt  }
0x5e: {  	_ =	shalt  }
0x5f: {  	_ =	shalt  }
0x60: {  	_ =	shalt  }
0x61: {  	_ =	shalt  }
0x62: {  	_ =	shalt  }
0x63: {  	_ =	shalt  }
0x64: {  	_ =	shalt  }
0x65: {  	_ =	shalt  }
0x66: {  	_ =	shalt  }
0x67: {  	_ =	shalt  }
0x68: {  	_ =	shalt  }
0x69: {  	_ =	shalt  }
0x6a: {  	_ =	shalt  }
0x6b: {  	_ =	shalt  }
0x6c: {  	_ =	shalt  }
0x6d: {  	_ =	shalt  }
0x6e: {  	_ =	shalt  }
0x6f: {  	_ =	shalt  }
0x70: {  	_ =	shalt  }
0x71: {  	_ =	shalt  }
0x72: {  	_ =	shalt  }
0x73: {  	_ =	shalt  }
0x74: {  	_ =	shalt  }
0x75: {  	_ =	shalt  }
0x76: {  	_ =	shalt  }
0x77: {  	_ =	shalt  }
0x78: {  	_ =	shalt  }
0x79: {  	_ =	shalt  }
0x7a: {  	_ =	shalt  }
0x7b: {  	_ =	shalt  }
0x7c: {  	_ =	shalt  }
0x7d: {  	_ =	shalt  }
0x7e: {  	_ =	shalt  }
0x7f: {  	_ =	shalt  }
0x80: {  	_ =	shalt  }
0x81: {  	_ =	shalt  }
0x82: {  	_ =	shalt  }
0x83: {  	_ =	shalt  }
0x84: {  	_ =	shalt  }
0x85: {  	_ =	shalt  }
0x86: {  	_ =	shalt  }
0x87: {  	_ =	shalt  }
.Lfunc_end0:
.L_simem_size_0:
called_computation_lowered:
.L_overlay_start_0:
0x88: {  	s2 =	sld [smem:$0x3FD9]  }
0x89: {  	s3 =	sld [smem:$0x3FFE];
	_ =	sdelay $0x1  }
0x8a: {  	s1 =	srdreg.scid  }
0x8b: {  	s0 =	sand.u32 $0x1, s1  }
0x8c: {  	s14 =	sshll.u32 s0, $0xA;
	s2 =	sadd.s32 s3, s2  }
0x8d: {  	s2 =	sadd.s32 s2, s14  }
0x8e: {  	[smem:$0x3FBF] =	sst s2  }
0x8f: {  	_ = 	snop  }
0x90: {  	s2 =	sld [smem:$0x3FD0];
	_ =	sdelay $0x2  }
0x91: {  	s15 =	simm.s32 $0xB;
	s4 =	simm.s32 $0x10  }
0x92: {  	[smem:s4], [sflag:s15] =	dma.local [hbm:s2], $0x1  }
0x93: {  	_ =	swait.eq [sflag:s15], $0x1  }
0x94: {  	s16 =	sld [smem:$0x10];
	[sflag:s15] =	ssyncset.done $0x0  }
0x95: {  	s17 =	sld [smem:$0x11];
	[sflag:s15] =	ssyncadd.s32 $0xFFFFFFFF  }
0x96: {  	s18 =	sld [smem:$0x12];
	(tm) =	ssettm $0x1  }
0x97: {  	s5 =	sld [smem:$0x3FFB];
	_ =	sdelay $0x3  }
0x98: {  	_ =	strace s5  }
0x99: {  	s5 =	sld [smem:$0x3FFC];
	_ =	sdelay $0x3  }
0x9a: {  	_ =	strace s5  }
0x9b: {  	s5 =	sld [smem:$0x3FFD];
	_ =	sdelay $0x3  }
0x9c: {  	_ =	strace s5  }
0x9d: {  	_ =	strace $0x8FFFFFFF  }
0x9e: {  	s19 =	sld [smem:$0x3FDB];
	_ =	sdelay $0x1  }
0x9f: {  	s6 =	simm.s32 $_scs_section_size  }
0xa0: {  	s7 =	simm.s32 $_size__tile_overlayer_lowered;
	s8 =	simm.s32 $_tile_overlayer_lowered  }
0xa1: {  	s22 =	simm.s32 $0x1BFF;
	s21 =	sshll.u32 s8, $0x1;
	s5 =	sadd.s32 s6, s19  }
0xa2: {  	s9 =	simm.s32 $0x0;
	s20 =	sshll.u32 s7, $0x1;
	s7 =	sadd.s32 s21, s5  }
0xa3: {  	[timem:s9], [sflag:s22] =	dma.local [hbm:s7], s20  }
0xa4: {  	_ =	swait.ge [sflag:s22], s20  }
0xa5: {  	s6 =	ssub.s32 $0x0, s20;
	[sflag:s22] =	ssyncset.done $0x0  }
0xa6: {  	[sflag:s22] =	ssyncadd.s32 s6;
	_ =	sdelay $0x1  }
0xa7: {  	s23 =	simm.s32 $0x1B8B  }
0xa8: {  	_ =	swait.ge [sflag:s23], $0x1  }
0xa9: {  	[sflag:s23] =	ssyncset.done $0x0  }
0xaa: {  	s25 =	simm.s32 $0x1B8E;
	s24 =	sld [smem:$0x3FFE];
	[sflag:s23] =	ssyncadd.s32 $0xFFFFFFFF  }
0xab: {  	s26 =	simm.s32 $execute0_lowered;
	[smem:$0x3FD2] =	sst s25  }
0xac: {  	s7 =	sshll.u32 s26, $0x1;
	_ =	strace $0x80000046;
	[dreg:$0x1] =	wrdreg $0xFFFFFFFF  }
0xad: {  	s28 =	simm.s32 $_size_execute0_lowered;
	s5 =	sadd.s32 s5, s7;
	[dreg:$0x0] =	wrdreg $0x0  }
0xae: {  	s7 =	sshll.u32 s28, $0x1;
	[dreg:$0x2] =	wrdreg s5  }
0xaf: {  	[dreg:$0x3] =	wrdreg s7  }
0xb0: {  	[dreg:$0x4] =	wrdreg $0xC0  }
0xb1: {  	_ =	task [dreg:s9], $0x5FFFF  }
0xb2: {  	[dreg:$0x1] =	wrdreg $0xFFFFFFFF  }
0xb3: {  	[dreg:$0x0] =	wrdreg $0x60  }
0xb4: {  	[dreg:$0x2] =	wrdreg s16  }
0xb5: {  	[dreg:$0x3] =	wrdreg s18  }
0xb6: {  	[dreg:$0x4] =	wrdreg s24  }
0xb7: {  	[dreg:$0x5] =	wrdreg s17  }
0xb8: {  	[dreg:$0x6] =	wrdreg $0x9  }
0xb9: {  	_ =	task.clear_ibuf [dreg:s9], $0x7FFFF;
	_ =	strace $0x90000046  }
0xba: {  	s29 =	simm.s32 $0x9;
	_ =	strace $0x80000048  }
0xbb: {  	_ =	swait.ge [sflag:s29], $0x1  }
0xbc: {  	[sflag:s29] =	ssyncadd.s32 $0xFFFFFFFF  }
0xbd: {  	_ =	strace $0x90000048  }
0xbe: {  	_ =	sfence  }
0xbf: {  	s30 =	sld [smem:$0x0];
	_ =	sdelay $0x2  }
0xc0: {  	s31 =	sshll.u32 s1, $0xD;
	s1 =	sshrl.u32 s1, $0x2  }
0xc1: {  	s3 =	sand.u32 $0x4000, s31;
	s1 =	sadd.s32 s1, s30  }
0xc2: {  	s0 =	sor.u32 s3, s0;
	s1 =	sshll.u32 s1, $0x11  }
0xc3: {  	s0 =	sor.u32 s1, s0  }
0xc4: {  	s0 =	sadd.s32 $0x8F2B, s0  }
0xc5: {  	[sflag:s0] =	ssyncadd.remote.s32 $0x1  }
0xc6: {  	_ =	sfence.sel $0xFFFF  }
0xc7: {  	[dreg:$0x0] =	wrdreg $0xFFFFFFFF;
	(pc) =	sbr.abs _section_cstart, $3  }
0xc8: {  	[dreg:$0x1] =	wrdreg $0xFFFFFFFF  }
0xc9: {  	_ =	task.clear_ibuf [dreg:s9], $0x2FFFF;
	_ =	strace $0x9FFFFFFF  }
0xca: {  	(tm) =	ssettm $0x7FFFFFFF  }
0xcb: {  	_ =	shalt  }
tec
execute0_lowered:
.L_overlay_start_1:
0x0: {  	(tag) =	ssettag $0x1  }
0x1: {  	s1 =	rddreg [dreg:$0x0]  }
0x2: {  	s2 =	rddreg [dreg:$0x1]  }
0x3: {  	s0 =	rddreg [dreg:$0x2]  }
0x4: {  	s29 =	rddreg [dreg:$0x3];
	s5 =	simm.s32 $0x0;
	s3 =	srdreg.scid  }
0x5: {  	s12 =	stileid.u32;
	s30 =	simm.s32 $0x1800;
	s28 =	simm.s32 $0x5400  }
0x6: {  	s31 =	simm.s32 $0x1A0;
	[smem:$0x7FF] =	sst s5;
	s17 =	smul.u32 $0x4E20, s12  }
0x7: {  	s3 =	sand.u32 $0x1, s3;
	s4 =	sshll.u32 s12, $0x1;
	s12 =	smul.u32 $0x4E200, s12  }
0x8: {  	s6 =	sadd.s32 $0x2200, s0;
	s10 =	sadd.s32 $0xC000, s0;
	s18 =	smul.u32 $0x2710, s3  }
0x9: {  	s7 =	ssub.s32 $0x2, s3;
	s4 =	sor.u32 s3, s4;
	s3 =	smul.u32 $0x27100, s3  }
0xa: {  	s0 =	sadd.s32 $0x4EE000, s0;
	_ =	strace $0x80000047;
	s9 =	smul.u32 $0x2710, s4  }
0xb: {  	s8 =	sshrl.u32 s7, $0x1;
	s4 =	smul.u32 $0x138800, s4;
	s22 =	sadd.s32 s12, s10  }
0xc: {  	s7 =	ssub.s32 s7, s8;
	s23 =	sadd.s32 s18, s17;
	s17 =	simm.s32 $0x128  }
0xd: {  	s18 =	simm.s32 $0x4000;
	s14 =	sshrl.u32 s9, $0x3;
	s9 =	sadd.s32 $0x2648, s9  }
0xe: {  	s4 =	sshrl.u32 s4, $0x3;
	s21 =	smax.u32 s7, $0x1;
	s24 =	sadd.s32 $0xC8, s23  }
0xf: {  	s25 =	sadd.s32 $0x190, s23;
	s23 =	simm.s32 $0x6800;
	s7 =	simm.s32 $0x2C00  }
0x10: {  	s11 =	sadd.s32 s6, s14;
	s8 =	sadd.s32 s29, s14;
	s15 =	sshrl.u32 s9, $0x3  }
0x11: {  	s4 =	sadd.s32 $0x25800, s4;
	s9 =	sshll.u32 s9, $0x4;
	[dreg:$0xf] =	wrdreg s21  }
0x12: {  	[dreg:$0x10] =	wrdreg s25;
	s26 =	sshrl.u32 s24, $0x3;
	s21 =	simm.s32 $0x28  }
0x13: {  	s24 =	simm.s32 $0x178;
	s25 =	simm.s32 $0xA400;
	[dreg:$0x7] =	wrdreg s11  }
0x14: {  	s14 =	simm.s32 $0x300;
	[dreg:$0x8] =	wrdreg s8;
	s16 =	sadd.s32 s6, s15  }
0x15: {  	s8 =	sadd.s32 s29, s15;
	s13 =	sadd.s32 s10, s4;
	[dreg:$0x9] =	wrdreg s16  }
0x16: {  	s4 =	sadd.s32 s0, s4;
	s19 =	sadd.s32 s10, s9;
	[dreg:$0xa] =	wrdreg s8  }
0x17: {  	s20 =	sadd.s32 s0, s9;
	s0 =	sadd.s32 s12, s0;
	[dreg:$0xb] =	wrdreg s13  }
0x18: {  	s9 =	simm.s32 $0x9000;
	s10 =	simm.s32 $0x78;
	[dreg:$0xc] =	wrdreg s4  }
0x19: {  	s15 =	simm.s32 $0xCC00;
	s11 =	simm.s32 $0x1;
	[dreg:$0xd] =	wrdreg s19  }
0x1a: {  	s12 =	simm.s32 $0x2;
	[dreg:$0xe] =	wrdreg s20;
	s4 =	sadd.s32 s3, s22  }
0x1b: {  	s0 =	sadd.s32 s3, s0;
	s3 =	sadd.s32 s26, s29;
	s19 =	simm.s32 $0x3  }
0x1c: {  	s20 =	simm.s32 $0x100;
	s22 =	simm.s32 $0x400;
	[dreg:$0x5] =	wrdreg s4  }
0x1d: {  	s8 =	simm.s32 $0x150;
	s13 =	simm.s32 $0x200;
	[dreg:$0x6] =	wrdreg s0  }
0x1e: {  	s16 =	simm.s32 $0x13000;
	[dreg:$0x11] =	wrdreg s3;
	s0 =	sadd.s32 s26, s6  }
0x1f: {  	s3 =	simm.s32 $0x50;
	s4 =	simm.s32 $0x0;
	[dreg:$0x12] =	wrdreg s0  }
0x20: {  	s26 =	simm.s32 $0xA0;
	s0 =	simm.s32 $0x7C00;
	[dreg:$0x13] =	wrdreg s4  }
.LBB2_1:
0x21: {  	s4 =	rddreg [dreg:$0x7]  }
0x22: {  	[tilespmem:s5], [sflag:$0x3] =	stream.linear.gather [hbm4b:s4+s5], $0xC8, $0x38;
	[tilespmem:$0x19400] =	vst v63  }
0x23: {  	_ =	swait.ge [sflag:s19], $0xC8  }
0x24: {  	[sflag:s19] =	ssyncset.done $0x0  }
0x25: {  	s4 =	rddreg [dreg:$0x8];
	[sflag:s19] =	ssyncadd.s32 $0xFFFFFF38  }
0x26: {  	[tilespmem:s20], [sflag:$0x3] =	stream.linear.gather [hbm4b:s4+s5], $0xC8, $0x38;
	[tilespmem:$0x19400] =	vst v63  }
0x27: {  	_ =	swait.ge [sflag:s19], $0xC8  }
0x28: {  	[sflag:s19] =	ssyncset.done $0x0  }
0x29: {  	[sflag:s19] =	ssyncadd.s32 $0xFFFFFF38  }
0x2a: {  	[tilespmem:s22], [sflag:$0x1] =	stream.indirect.gather [hbm4b:s1+s21], $0x80, s5, s21, $0xb8;
	[tilespmem:$0x19400] =	vst v63  }
0x2b: {  	_ = 	snop  }
0x2c: {  	[tilespmem:s23], [sflag:$0x1] =	stream.indirect.gather [hbm4b:s2+s21], $0x80, s20, s21, $0xb8;
	[tilespmem:$0x19400] =	vst v63  }
0x2d: {  	_ = 	snop  }
0x2e: {  	[tilespmem:s30], [sflag:$0x1] =	stream.indirect.gather [hbm4b:s1+s21], $0x80, s21, s21, $0xb8;
	[tilespmem:$0x19400] =	vst v63  }
0x2f: {  	_ = 	snop  }
0x30: {  	[tilespmem:s0], [sflag:$0x1] =	stream.indirect.gather [hbm4b:s2+s21], $0x80, s17, s21, $0xb8;
	[tilespmem:$0x19400] =	vst v63  }
0x31: {  	_ = 	snop  }
0x32: {  	[tilespmem:s7], [sflag:$0x1] =	stream.indirect.gather [hbm4b:s1+s21], $0x80, s3, s21, $0xb8;
	[tilespmem:$0x19400] =	vst v63  }
0x33: {  	_ = 	snop  }
0x34: {  	[tilespmem:s9], [sflag:$0x1] =	stream.indirect.gather [hbm4b:s2+s21], $0x80, s8, s21, $0xb8;
	[tilespmem:$0x19400] =	vst v63  }
0x35: {  	_ = 	snop  }
0x36: {  	[tilespmem:s18], [sflag:$0x1] =	stream.indirect.gather [hbm4b:s1+s21], $0x80, s10, s21, $0xb8;
	[tilespmem:$0x19400] =	vst v63  }
0x37: {  	_ = 	snop  }
0x38: {  	[tilespmem:s25], [sflag:$0x1] =	stream.indirect.gather [hbm4b:s2+s21], $0x80, s24, s21, $0xb8;
	[tilespmem:$0x19400] =	vst v63  }
0x39: {  	_ = 	snop  }
0x3a: {  	[tilespmem:s28], [sflag:$0x1] =	stream.indirect.gather [hbm4b:s1+s21], $0x80, s26, s21, $0xb8;
	[tilespmem:$0x19400] =	vst v63  }
0x3b: {  	s4 =	simm.s32 $0xB800  }
0x3c: {  	[tilespmem:s4], [sflag:$0x1] =	stream.indirect.gather [hbm4b:s2+s21], $0x80, s31, s21, $0xb8;
	[tilespmem:$0x19400] =	vst v63  }
0x3d: {  	s28 =	rddreg [dreg:$0x12]  }
0x3e: {  	[tilespmem:s13], [sflag:$0x3] =	stream.linear.gather [hbm4b:s28+s5], $0xC8, $0x38;
	[tilespmem:$0x19400] =	vst v63  }
0x3f: {  	_ =	swait.ge [sflag:s19], $0xC8  }
0x40: {  	[sflag:s19] =	ssyncset.done $0x0  }
0x41: {  	s26 =	rddreg [dreg:$0x11];
	[sflag:s19] =	ssyncadd.s32 $0xFFFFFF38  }
0x42: {  	[tilespmem:s14], [sflag:$0x3] =	stream.linear.gather [hbm4b:s26+s5], $0xC8, $0x38;
	[tilespmem:$0x19400] =	vst v63  }
0x43: {  	_ =	swait.ge [sflag:s19], $0xC8  }
0x44: {  	[sflag:s19] =	ssyncset.done $0x0  }
0x45: {  	[sflag:s19] =	ssyncadd.s32 $0xFFFFFF38  }
0x46: {  	[tilespmem:s15], [sflag:$0x2] =	stream.indirect.gather [hbm4b:s1+s21], $0x80, s13, s21, $0xb8;
	[tilespmem:$0x19400] =	vst v63  }
0x47: {  	_ = 	snop  }
0x48: {  	[tilespmem:s16], [sflag:$0x2] =	stream.indirect.gather [hbm4b:s2+s21], $0x80, s14, s21, $0xb8;
	[tilespmem:$0x19400] =	vst v63  }
0x49: {  	s7 =	simm.s32 $0x228;
	s8 =	simm.s32 $0xE000  }
0x4a: {  	[tilespmem:s8], [sflag:$0x2] =	stream.indirect.gather [hbm4b:s1+s21], $0x80, s7, s21, $0xb8;
	[tilespmem:$0x19400] =	vst v63  }
0x4b: {  	s9 =	simm.s32 $0x328;
	s10 =	simm.s32 $0x14400  }
0x4c: {  	[tilespmem:s10], [sflag:$0x2] =	stream.indirect.gather [hbm4b:s2+s21], $0x80, s9, s21, $0xb8;
	[tilespmem:$0x19400] =	vst v63  }
0x4d: {  	s17 =	simm.s32 $0x250;
	s18 =	simm.s32 $0xF400  }
0x4e: {  	[tilespmem:s18], [sflag:$0x2] =	stream.indirect.gather [hbm4b:s1+s21], $0x80, s17, s21, $0xb8;
	[tilespmem:$0x19400] =	vst v63  }
0x4f: {  	s24 =	simm.s32 $0x350;
	s25 =	simm.s32 $0x15800  }
0x50: {  	[tilespmem:s25], [sflag:$0x2] =	stream.indirect.gather [hbm4b:s2+s21], $0x80, s24, s21, $0xb8;
	[tilespmem:$0x19400] =	vst v63  }
0x51: {  	s3 =	simm.s32 $0x278;
	s4 =	simm.s32 $0x10800  }
0x52: {  	[tilespmem:s4], [sflag:$0x2] =	stream.indirect.gather [hbm4b:s1+s21], $0x80, s3, s21, $0xb8;
	[tilespmem:$0x19400] =	vst v63  }
0x53: {  	s7 =	simm.s32 $0x378;
	s8 =	simm.s32 $0x16C00  }
0x54: {  	[tilespmem:s8], [sflag:$0x2] =	stream.indirect.gather [hbm4b:s2+s21], $0x80, s7, s21, $0xb8;
	[tilespmem:$0x19400] =	vst v63  }
0x55: {  	s9 =	simm.s32 $0x2A0;
	s10 =	simm.s32 $0x11C00  }
0x56: {  	[tilespmem:s10], [sflag:$0x2] =	stream.indirect.gather [hbm4b:s1+s21], $0x80, s9, s21, $0xb8;
	[tilespmem:$0x19400] =	vst v63  }
0x57: {  	s17 =	simm.s32 $0x3A0;
	s18 =	simm.s32 $0x18000  }
0x58: {  	[tilespmem:s18], [sflag:$0x2] =	stream.indirect.gather [hbm4b:s2+s21], $0x80, s17, s21, $0xb8;
	[tilespmem:$0x19400] =	vst v63  }
0x59: {  	_ =	swait.ge [sflag:s11], $0x6400  }
0x5a: {  	[sflag:s11] =	ssyncset.done $0x0  }
0x5b: {  	[sflag:s11] =	ssyncadd.s32 $0xFFFF9C00  }
0x5c: {  	_ =	swait.ge [sflag:s11], $0x6400  }
0x5d: {  	s24 =	rddreg [dreg:$0x5];
	[sflag:s11] =	ssyncset.done $0x0  }
0x5e: {  	[sflag:s11] =	ssyncadd.s32 $0xFFFF9C00;
	s4 =	sadd.s32 $0x0, s24  }
0x5f: {  	[hbm4b:s4+s5] =	stream.linear.scatter [tilespmem:s22], [sflag:$0x3], $0x6400, $0x38;
	[tilespmem:$0x19400] =	vst v63  }
0x60: {  	_ =	swait.ge [sflag:s19], $0x6400  }
0x61: {  	s25 =	rddreg [dreg:$0x6];
	[sflag:s19] =	ssyncset.done $0x0  }
0x62: {  	[sflag:s19] =	ssyncadd.s32 $0xFFFF9C00;
	s17 =	sadd.s32 $0x0, s25  }
0x63: {  	[hbm4b:s17+s5] =	stream.linear.scatter [tilespmem:s23], [sflag:$0x3], $0x6400, $0x38;
	[tilespmem:$0x19400] =	vst v63  }
0x64: {  	_ =	swait.ge [sflag:s19], $0x6400  }
0x65: {  	s25 =	rddreg [dreg:$0x10]  }
0x66: {  	[sflag:s19] =	ssyncset.done $0x0;
	s18 =	sshrl.u32 s25, $0x3  }
0x67: {  	[sflag:s19] =	ssyncadd.s32 $0xFFFF9C00;
	s24 =	sadd.s32 s6, s18  }
0x68: {  	[tilespmem:s5], [sflag:$0x3] =	stream.linear.gather [hbm4b:s24+s5], $0xC8, $0x38;
	[tilespmem:$0x19400] =	vst v63  }
0x69: {  	_ =	swait.ge [sflag:s19], $0xC8  }
0x6a: {  	[sflag:s19] =	ssyncset.done $0x0  }
0x6b: {  	s18 =	sadd.s32 s29, s18;
	[sflag:s19] =	ssyncadd.s32 $0xFFFFFF38  }
0x6c: {  	[tilespmem:s20], [sflag:$0x3] =	stream.linear.gather [hbm4b:s18+s5], $0xC8, $0x38;
	[tilespmem:$0x19400] =	vst v63  }
0x6d: {  	_ =	swait.ge [sflag:s19], $0xC8  }
0x6e: {  	[sflag:s19] =	ssyncset.done $0x0  }
0x6f: {  	[sflag:s19] =	ssyncadd.s32 $0xFFFFFF38  }
0x70: {  	[tilespmem:s22], [sflag:$0x1] =	stream.indirect.gather [hbm4b:s1+s21], $0x80, s5, s21, $0xb8;
	[tilespmem:$0x19400] =	vst v63  }
0x71: {  	_ = 	snop  }
0x72: {  	[tilespmem:s23], [sflag:$0x1] =	stream.indirect.gather [hbm4b:s2+s21], $0x80, s20, s21, $0xb8;
	[tilespmem:$0x19400] =	vst v63  }
0x73: {  	_ = 	snop  }
0x74: {  	[tilespmem:s30], [sflag:$0x1] =	stream.indirect.gather [hbm4b:s1+s21], $0x80, s21, s21, $0xb8;
	[tilespmem:$0x19400] =	vst v63  }
0x75: {  	s31 =	simm.s32 $0x7C00;
	s30 =	simm.s32 $0x128  }
0x76: {  	[tilespmem:s31], [sflag:$0x1] =	stream.indirect.gather [hbm4b:s2+s21], $0x80, s30, s21, $0xb8;
	[tilespmem:$0x19400] =	vst v63  }
0x77: {  	s7 =	simm.s32 $0x50;
	s8 =	simm.s32 $0x2C00  }
0x78: {  	[tilespmem:s8], [sflag:$0x1] =	stream.indirect.gather [hbm4b:s1+s21], $0x80, s7, s21, $0xb8;
	[tilespmem:$0x19400] =	vst v63  }
0x79: {  	s3 =	simm.s32 $0x9000;
	s9 =	simm.s32 $0x150  }
0x7a: {  	[tilespmem:s3], [sflag:$0x1] =	stream.indirect.gather [hbm4b:s2+s21], $0x80, s9, s21, $0xb8;
	[tilespmem:$0x19400] =	vst v63  }
0x7b: {  	s10 =	simm.s32 $0x4000;
	s24 =	simm.s32 $0x78  }
0x7c: {  	[tilespmem:s10], [sflag:$0x1] =	stream.indirect.gather [hbm4b:s1+s21], $0x80, s24, s21, $0xb8;
	[tilespmem:$0x19400] =	vst v63  }
0x7d: {  	s0 =	simm.s32 $0x178;
	s30 =	simm.s32 $0xA400  }
0x7e: {  	[tilespmem:s30], [sflag:$0x1] =	stream.indirect.gather [hbm4b:s2+s21], $0x80, s0, s21, $0xb8;
	[tilespmem:$0x19400] =	vst v63  }
0x7f: {  	s7 =	simm.s32 $0x5400;
	s10 =	simm.s32 $0xA0  }
0x80: {  	[tilespmem:s7], [sflag:$0x1] =	stream.indirect.gather [hbm4b:s1+s21], $0x80, s10, s21, $0xb8;
	[tilespmem:$0x19400] =	vst v63  }
0x81: {  	s18 =	simm.s32 $0xB800;
	s24 =	simm.s32 $0x1A0  }
0x82: {  	[tilespmem:s18], [sflag:$0x1] =	stream.indirect.gather [hbm4b:s2+s21], $0x80, s24, s21, $0xb8;
	[tilespmem:$0x19400] =	vst v63  }
0x83: {  	_ =	swait.ge [sflag:s12], $0x6400  }
0x84: {  	[sflag:s12] =	ssyncset.done $0x0  }
0x85: {  	[sflag:s12] =	ssyncadd.s32 $0xFFFF9C00  }
0x86: {  	_ =	swait.ge [sflag:s12], $0x6400  }
0x87: {  	[sflag:s12] =	ssyncset.done $0x0  }
0x88: {  	s4 =	sadd.s32 $0xC80, s4;
	s31 =	simm.s32 $0xA400;
	[sflag:s12] =	ssyncadd.s32 $0xFFFF9C00  }
0x89: {  	[hbm4b:s4+s5] =	stream.linear.scatter [tilespmem:s15], [sflag:$0x3], $0x6400, $0x38;
	[tilespmem:$0x19400] =	vst v63  }
0x8a: {  	s8 =	simm.s32 $0x5400;
	s3 =	simm.s32 $0x178;
	_ =	swait.ge [sflag:s19], $0x6400  }
0x8b: {  	s9 =	simm.s32 $0xA0;
	s30 =	sadd.s32 $0xC80, s17;
	[sflag:s19] =	ssyncset.done $0x0  }
0x8c: {  	s17 =	sadd.s32 $0x32, s28;
	s7 =	simm.s32 $0xB800;
	[sflag:s19] =	ssyncadd.s32 $0xFFFF9C00  }
0x8d: {  	[hbm4b:s30+s5] =	stream.linear.scatter [tilespmem:s16], [sflag:$0x3], $0x6400, $0x38;
	[tilespmem:$0x19400] =	vst v63  }
0x8e: {  	s10 =	simm.s32 $0x1A0;
	s18 =	simm.s32 $0x1900;
	_ =	swait.ge [sflag:s19], $0x6400  }
0x8f: {  	s24 =	smov.u32 s26;
	s4 =	smov.u32 s25;
	[sflag:s19] =	ssyncset.done $0x0  }
.LBB2_2:
0x90: {  	[sflag:s19] =	ssyncadd.s32 $0xFFFF9C00  }
0x91: {  	[tilespmem:s13], [sflag:$0x3] =	stream.linear.gather [hbm4b:s17+s5], $0xC8, $0x38;
	[tilespmem:$0x19400] =	vst v63  }
0x92: {  	_ =	swait.ge [sflag:s19], $0xC8  }
0x93: {  	[sflag:s19] =	ssyncset.done $0x0  }
0x94: {  	s24 =	sadd.s32 $0x32, s24;
	[sflag:s19] =	ssyncadd.s32 $0xFFFFFF38  }
0x95: {  	[tilespmem:s14], [sflag:$0x3] =	stream.linear.gather [hbm4b:s24+s5], $0xC8, $0x38;
	[tilespmem:$0x19400] =	vst v63  }
0x96: {  	_ =	swait.ge [sflag:s19], $0xC8  }
0x97: {  	[sflag:s19] =	ssyncset.done $0x0  }
0x98: {  	[sflag:s19] =	ssyncadd.s32 $0xFFFFFF38  }
0x99: {  	[tilespmem:s15], [sflag:$0x2] =	stream.indirect.gather [hbm4b:s1+s21], $0x80, s13, s21, $0xb8;
	[tilespmem:$0x19400] =	vst v63  }
0x9a: {  	_ = 	snop  }
0x9b: {  	[tilespmem:s16], [sflag:$0x2] =	stream.indirect.gather [hbm4b:s2+s21], $0x80, s14, s21, $0xb8;
	[tilespmem:$0x19400] =	vst v63  }
0x9c: {  	s25 =	simm.s32 $0x228;
	s28 =	simm.s32 $0xE000  }
0x9d: {  	[tilespmem:s28], [sflag:$0x2] =	stream.indirect.gather [hbm4b:s1+s21], $0x80, s25, s21, $0xb8;
	[tilespmem:$0x19400] =	vst v63  }
0x9e: {  	s0 =	simm.s32 $0x14400;
	s25 =	simm.s32 $0x328  }
0x9f: {  	[tilespmem:s0], [sflag:$0x2] =	stream.indirect.gather [hbm4b:s2+s21], $0x80, s25, s21, $0xb8;
	[tilespmem:$0x19400] =	vst v63  }
0xa0: {  	s25 =	simm.s32 $0x250;
	s0 =	simm.s32 $0xF400  }
0xa1: {  	[tilespmem:s0], [sflag:$0x2] =	stream.indirect.gather [hbm4b:s1+s21], $0x80, s25, s21, $0xb8;
	[tilespmem:$0x19400] =	vst v63  }
0xa2: {  	s25 =	simm.s32 $0x350;
	s0 =	simm.s32 $0x15800  }
0xa3: {  	[tilespmem:s0], [sflag:$0x2] =	stream.indirect.gather [hbm4b:s2+s21], $0x80, s25, s21, $0xb8;
	[tilespmem:$0x19400] =	vst v63  }
0xa4: {  	s25 =	simm.s32 $0x278;
	s0 =	simm.s32 $0x10800  }
0xa5: {  	[tilespmem:s0], [sflag:$0x2] =	stream.indirect.gather [hbm4b:s1+s21], $0x80, s25, s21, $0xb8;
	[tilespmem:$0x19400] =	vst v63  }
0xa6: {  	s25 =	simm.s32 $0x378;
	s0 =	simm.s32 $0x16C00  }
0xa7: {  	[tilespmem:s0], [sflag:$0x2] =	stream.indirect.gather [hbm4b:s2+s21], $0x80, s25, s21, $0xb8;
	[tilespmem:$0x19400] =	vst v63  }
0xa8: {  	s25 =	simm.s32 $0x2A0;
	s0 =	simm.s32 $0x11C00  }
0xa9: {  	[tilespmem:s0], [sflag:$0x2] =	stream.indirect.gather [hbm4b:s1+s21], $0x80, s25, s21, $0xb8;
	[tilespmem:$0x19400] =	vst v63  }
0xaa: {  	s25 =	simm.s32 $0x3A0;
	s0 =	simm.s32 $0x18000  }
0xab: {  	[tilespmem:s0], [sflag:$0x2] =	stream.indirect.gather [hbm4b:s2+s21], $0x80, s25, s21, $0xb8;
	[tilespmem:$0x19400] =	vst v63  }
0xac: {  	_ =	swait.ge [sflag:s11], $0x6400  }
0xad: {  	[sflag:s11] =	ssyncset.done $0x0  }
0xae: {  	[sflag:s11] =	ssyncadd.s32 $0xFFFF9C00  }
0xaf: {  	_ =	swait.ge [sflag:s11], $0x6400  }
0xb0: {  	s26 =	smov.u32 s18;
	s28 =	rddreg [dreg:$0x5];
	[sflag:s11] =	ssyncset.done $0x0  }
0xb1: {  	[sflag:s11] =	ssyncadd.s32 $0xFFFF9C00;
	s25 =	sadd.s32 s26, s28  }
0xb2: {  	[hbm4b:s25+s5] =	stream.linear.scatter [tilespmem:s22], [sflag:$0x3], $0x6400, $0x38;
	[tilespmem:$0x19400] =	vst v63  }
0xb3: {  	_ =	swait.ge [sflag:s19], $0x6400  }
0xb4: {  	s0 =	rddreg [dreg:$0x6];
	[sflag:s19] =	ssyncset.done $0x0  }
0xb5: {  	[sflag:s19] =	ssyncadd.s32 $0xFFFF9C00;
	s26 =	sadd.s32 s26, s0  }
0xb6: {  	[hbm4b:s26+s5] =	stream.linear.scatter [tilespmem:s23], [sflag:$0x3], $0x6400, $0x38;
	[tilespmem:$0x19400] =	vst v63  }
0xb7: {  	s4 =	sadd.s32 $0x190, s4;
	_ =	swait.ge [sflag:s19], $0x6400  }
0xb8: {  	s0 =	sshrl.u32 s4, $0x3;
	[sflag:s19] =	ssyncset.done $0x0  }
0xb9: {  	s30 =	smov.u32 s29;
	s29 =	sadd.s32 s6, s0;
	[sflag:s19] =	ssyncadd.s32 $0xFFFF9C00  }
0xba: {  	[tilespmem:s5], [sflag:$0x3] =	stream.linear.gather [hbm4b:s29+s5], $0xC8, $0x38;
	[tilespmem:$0x19400] =	vst v63  }
0xbb: {  	_ =	swait.ge [sflag:s19], $0xC8  }
0xbc: {  	s29 =	smov.u32 s30;
	[sflag:s19] =	ssyncset.done $0x0  }
0xbd: {  	s28 =	sadd.s32 s29, s0;
	[sflag:s19] =	ssyncadd.s32 $0xFFFFFF38  }
0xbe: {  	[tilespmem:s20], [sflag:$0x3] =	stream.linear.gather [hbm4b:s28+s5], $0xC8, $0x38;
	[tilespmem:$0x19400] =	vst v63  }
0xbf: {  	_ =	swait.ge [sflag:s19], $0xC8  }
0xc0: {  	[sflag:s19] =	ssyncset.done $0x0  }
0xc1: {  	[sflag:s19] =	ssyncadd.s32 $0xFFFFFF38  }
0xc2: {  	[tilespmem:s22], [sflag:$0x1] =	stream.indirect.gather [hbm4b:s1+s21], $0x80, s5, s21, $0xb8;
	[tilespmem:$0x19400] =	vst v63  }
0xc3: {  	_ = 	snop  }
0xc4: {  	[tilespmem:s23], [sflag:$0x1] =	stream.indirect.gather [hbm4b:s2+s21], $0x80, s20, s21, $0xb8;
	[tilespmem:$0x19400] =	vst v63  }
0xc5: {  	s30 =	simm.s32 $0x1800  }
0xc6: {  	[tilespmem:s30], [sflag:$0x1] =	stream.indirect.gather [hbm4b:s1+s21], $0x80, s21, s21, $0xb8;
	[tilespmem:$0x19400] =	vst v63  }
0xc7: {  	s0 =	simm.s32 $0x7C00;
	s28 =	simm.s32 $0x128  }
0xc8: {  	[tilespmem:s0], [sflag:$0x1] =	stream.indirect.gather [hbm4b:s2+s21], $0x80, s28, s21, $0xb8;
	[tilespmem:$0x19400] =	vst v63  }
0xc9: {  	s0 =	simm.s32 $0x50;
	s28 =	simm.s32 $0x2C00  }
0xca: {  	[tilespmem:s28], [sflag:$0x1] =	stream.indirect.gather [hbm4b:s1+s21], $0x80, s0, s21, $0xb8;
	[tilespmem:$0x19400] =	vst v63  }
0xcb: {  	s0 =	simm.s32 $0x150;
	s28 =	simm.s32 $0x9000  }
0xcc: {  	[tilespmem:s28], [sflag:$0x1] =	stream.indirect.gather [hbm4b:s2+s21], $0x80, s0, s21, $0xb8;
	[tilespmem:$0x19400] =	vst v63  }
0xcd: {  	s0 =	simm.s32 $0x78;
	s28 =	simm.s32 $0x4000  }
0xce: {  	[tilespmem:s28], [sflag:$0x1] =	stream.indirect.gather [hbm4b:s1+s21], $0x80, s0, s21, $0xb8;
	[tilespmem:$0x19400] =	vst v63  }
0xcf: {  	_ = 	snop  }
0xd0: {  	[tilespmem:s31], [sflag:$0x1] =	stream.indirect.gather [hbm4b:s2+s21], $0x80, s3, s21, $0xb8;
	[tilespmem:$0x19400] =	vst v63  }
0xd1: {  	_ = 	snop  }
0xd2: {  	[tilespmem:s8], [sflag:$0x1] =	stream.indirect.gather [hbm4b:s1+s21], $0x80, s9, s21, $0xb8;
	[tilespmem:$0x19400] =	vst v63  }
0xd3: {  	_ = 	snop  }
0xd4: {  	[tilespmem:s7], [sflag:$0x1] =	stream.indirect.gather [hbm4b:s2+s21], $0x80, s10, s21, $0xb8;
	[tilespmem:$0x19400] =	vst v63  }
0xd5: {  	_ =	swait.ge [sflag:s12], $0x6400  }
0xd6: {  	[sflag:s12] =	ssyncset.done $0x0  }
0xd7: {  	[sflag:s12] =	ssyncadd.s32 $0xFFFF9C00  }
0xd8: {  	_ =	swait.ge [sflag:s12], $0x6400  }
0xd9: {  	[sflag:s12] =	ssyncset.done $0x0  }
0xda: {  	s25 =	sadd.s32 $0xC80, s25;
	[sflag:s12] =	ssyncadd.s32 $0xFFFF9C00  }
0xdb: {  	[hbm4b:s25+s5] =	stream.linear.scatter [tilespmem:s15], [sflag:$0x3], $0x6400, $0x38;
	[tilespmem:$0x19400] =	vst v63  }
0xdc: {  	p0 =	sne.s32 s18, $0x23F00;
	_ =	swait.ge [sflag:s19], $0x6400  }
.Ltmp0:
0xdd: {  	[sflag:s19] =	ssyncset.done $0x0;
	(pc) =	sbr.rel @p0 .LBB2_2-.Ltmp0, $4  }
0xde: {  	s28 =	sadd.s32 $0xC80, s26;
	[sflag:s19] =	ssyncadd.s32 $0xFFFF9C00  }
0xdf: {  	[hbm4b:s28+s5] =	stream.linear.scatter [tilespmem:s16], [sflag:$0x3], $0x6400, $0x38;
	[tilespmem:$0x19400] =	vst v63  }
0xe0: {  	_ =	swait.ge [sflag:s19], $0x6400  }
0xe1: {  	s18 =	sadd.s32 $0x1900, s18;
	s17 =	sadd.s32 $0x32, s17;
	[sflag:s19] =	ssyncset.done $0x0  }
0xe2: {  	[sflag:s19] =	ssyncadd.s32 $0xFFFF9C00;
	s4 =	rddreg [dreg:$0x9]  }
0xe3: {  	[tilespmem:s13], [sflag:$0x3] =	stream.linear.gather [hbm4b:s4+s5], $0xC8, $0x38;
	[tilespmem:$0x19400] =	vst v63  }
0xe4: {  	_ =	swait.ge [sflag:s19], $0xC8  }
0xe5: {  	[sflag:s19] =	ssyncset.done $0x0  }
0xe6: {  	s3 =	rddreg [dreg:$0xa];
	[sflag:s19] =	ssyncadd.s32 $0xFFFFFF38  }
0xe7: {  	[tilespmem:s14], [sflag:$0x3] =	stream.linear.gather [hbm4b:s3+s5], $0xC8, $0x38;
	[tilespmem:$0x19400] =	vst v63  }
0xe8: {  	_ =	swait.ge [sflag:s19], $0xC8  }
0xe9: {  	[sflag:s19] =	ssyncset.done $0x0  }
0xea: {  	[sflag:s19] =	ssyncadd.s32 $0xFFFFFF38  }
0xeb: {  	[tilespmem:s15], [sflag:$0x2] =	stream.indirect.gather [hbm4b:s1+s21], $0x80, s13, s21, $0xb8;
	[tilespmem:$0x19400] =	vst v63  }
0xec: {  	_ = 	snop  }
0xed: {  	[tilespmem:s16], [sflag:$0x2] =	stream.indirect.gather [hbm4b:s2+s21], $0x80, s14, s21, $0xb8;
	[tilespmem:$0x19400] =	vst v63  }
0xee: {  	s0 =	simm.s32 $0x228;
	s3 =	simm.s32 $0xE000  }
0xef: {  	[tilespmem:s3], [sflag:$0x2] =	stream.indirect.gather [hbm4b:s1+s21], $0x80, s0, s21, $0xb8;
	[tilespmem:$0x19400] =	vst v63  }
0xf0: {  	s7 =	simm.s32 $0x14400;
	s4 =	simm.s32 $0x328  }
0xf1: {  	[tilespmem:s7], [sflag:$0x2] =	stream.indirect.gather [hbm4b:s2+s21], $0x80, s4, s21, $0xb8;
	[tilespmem:$0x19400] =	vst v63  }
0xf2: {  	s8 =	simm.s32 $0x250;
	s9 =	simm.s32 $0xF400  }
0xf3: {  	[tilespmem:s9], [sflag:$0x2] =	stream.indirect.gather [hbm4b:s1+s21], $0x80, s8, s21, $0xb8;
	[tilespmem:$0x19400] =	vst v63  }
0xf4: {  	s10 =	simm.s32 $0x350;
	s17 =	simm.s32 $0x15800  }
0xf5: {  	[tilespmem:s17], [sflag:$0x2] =	stream.indirect.gather [hbm4b:s2+s21], $0x80, s10, s21, $0xb8;
	[tilespmem:$0x19400] =	vst v63  }
0xf6: {  	s18 =	simm.s32 $0x278;
	s24 =	simm.s32 $0x10800  }
0xf7: {  	[tilespmem:s24], [sflag:$0x2] =	stream.indirect.gather [hbm4b:s1+s21], $0x80, s18, s21, $0xb8;
	[tilespmem:$0x19400] =	vst v63  }
0xf8: {  	s25 =	simm.s32 $0x378;
	s26 =	simm.s32 $0x16C00  }
0xf9: {  	[tilespmem:s26], [sflag:$0x2] =	stream.indirect.gather [hbm4b:s2+s21], $0x80, s25, s21, $0xb8;
	[tilespmem:$0x19400] =	vst v63  }
0xfa: {  	s4 =	simm.s32 $0x2A0;
	s7 =	simm.s32 $0x11C00  }
0xfb: {  	[tilespmem:s7], [sflag:$0x2] =	stream.indirect.gather [hbm4b:s1+s21], $0x80, s4, s21, $0xb8;
	[tilespmem:$0x19400] =	vst v63  }
0xfc: {  	s8 =	simm.s32 $0x3A0;
	s9 =	simm.s32 $0x18000  }
0xfd: {  	[tilespmem:s9], [sflag:$0x2] =	stream.indirect.gather [hbm4b:s2+s21], $0x80, s8, s21, $0xb8;
	[tilespmem:$0x19400] =	vst v63  }
0xfe: {  	_ =	swait.ge [sflag:s11], $0x6400  }
0xff: {  	[sflag:s11] =	ssyncset.done $0x0  }
0x100: {  	[sflag:s11] =	ssyncadd.s32 $0xFFFF9C00  }
0x101: {  	_ =	swait.ge [sflag:s11], $0x6400  }
0x102: {  	[sflag:s11] =	ssyncset.done $0x0  }
0x103: {  	s10 =	rddreg [dreg:$0xb];
	[sflag:s11] =	ssyncadd.s32 $0xFFFF9C00  }
0x104: {  	[hbm4b:s10+s5] =	stream.linear.scatter [tilespmem:s22], [sflag:$0x3], $0x6400, $0x38;
	[tilespmem:$0x19400] =	vst v63  }
0x105: {  	_ =	swait.ge [sflag:s19], $0x6400  }
0x106: {  	[sflag:s19] =	ssyncset.done $0x0  }
0x107: {  	s17 =	rddreg [dreg:$0xc];
	[sflag:s19] =	ssyncadd.s32 $0xFFFF9C00  }
0x108: {  	[hbm4b:s17+s5] =	stream.linear.scatter [tilespmem:s23], [sflag:$0x3], $0x6400, $0x38;
	[tilespmem:$0x19400] =	vst v63  }
0x109: {  	_ =	swait.ge [sflag:s19], $0x6400  }
0x10a: {  	[sflag:s19] =	ssyncset.done $0x0  }
0x10b: {  	[sflag:s19] =	ssyncadd.s32 $0xFFFF9C00  }
0x10c: {  	_ =	swait.ge [sflag:s12], $0x6400  }
0x10d: {  	[sflag:s12] =	ssyncset.done $0x0  }
0x10e: {  	[sflag:s12] =	ssyncadd.s32 $0xFFFF9C00  }
0x10f: {  	_ =	swait.ge [sflag:s12], $0x6400  }
0x110: {  	[sflag:s12] =	ssyncset.done $0x0  }
0x111: {  	s18 =	rddreg [dreg:$0xd];
	[sflag:s12] =	ssyncadd.s32 $0xFFFF9C00  }
0x112: {  	[hbm4b:s18+s5] =	stream.linear.scatter [tilespmem:s15], [sflag:$0x3], $0x6400, $0x38;
	[tilespmem:$0x19400] =	vst v63  }
0x113: {  	_ =	swait.ge [sflag:s19], $0x6400  }
0x114: {  	[sflag:s19] =	ssyncset.done $0x0  }
0x115: {  	s24 =	rddreg [dreg:$0xe];
	[sflag:s19] =	ssyncadd.s32 $0xFFFF9C00  }
0x116: {  	[hbm4b:s24+s5] =	stream.linear.scatter [tilespmem:s16], [sflag:$0x3], $0x6400, $0x38;
	[tilespmem:$0x19400] =	vst v63  }
0x117: {  	_ =	swait.ge [sflag:s19], $0x6400  }
0x118: {  	s25 =	rddreg [dreg:$0x13]  }
0x119: {  	s26 =	rddreg [dreg:$0xf];
	s0 =	sadd.s32 $0x1, s25  }
0x11a: {  	s28 =	simm.s32 $0x5400;
	s31 =	simm.s32 $0x1A0;
	p0 =	sne.s32 s0, s26  }
.Ltmp1:
0x11b: {  	s3 =	simm.s32 $0x50;
	s7 =	simm.s32 $0x2C00;
	(pc) =	sbr.rel @p0 .LBB2_1-.Ltmp1, $4  }
0x11c: {  	s8 =	simm.s32 $0x150;
	s9 =	simm.s32 $0x9000;
	s10 =	simm.s32 $0x78  }
0x11d: {  	s17 =	simm.s32 $0x128;
	s18 =	simm.s32 $0x4000;
	[sflag:s19] =	ssyncset.done $0x0  }
0x11e: {  	s24 =	simm.s32 $0x178;
	[sflag:s19] =	ssyncadd.s32 $0xFFFF9C00;
	s25 =	simm.s32 $0xA400  }
0x11f: {  	[dreg:$0x13] =	wrdreg s0;
	s0 =	simm.s32 $0x7C00;
	s26 =	simm.s32 $0xA0  }
0x120: {  	_ =	sfence.sel $0x180000  }
0x121: {  	[bflag:$0x0] =	sbarrier.arrive $0xFFFF  }
0x122: {  	_ =	strace $0x90000047  }
0x123: {  	s0 =	stileid.u32;
	[bflag:$0x2] =	sbarrier.arrive $0xFFFF  }
0x124: {  	p0 =	sne.s32 s0, $0x0;
	s0 =	rddreg [dreg:$0x4]  }
0x125: {  	s0 =	sadd.s32 @!p0 $0x100000, s0  }
0x126: {  	[sflag:s0] =	ssyncadd.tile.s32 @!p0 $0x1;
	_ =	shalt  }
.Lfunc_end2:
_tile_overlayer_lowered:
.L_overlay_start_2:
0x127: {  	(tag) =	ssettag $0x2  }
0x128: {  	s0 =	rddreg [dreg:$0x0];
	s2 =	stileid.u32  }
0x129: {  	s1 =	rddreg [dreg:$0x1];
	p0 =	sne.s32 s2, $0x0  }
0x12a: {  	s3 =	rddreg [dreg:$0x2];
	[bflag:$0x3] =	sbarrier.arrive $0xFFFF;
	s2 =	simm.s32 @!p0 $0x1C03  }
0x12b: {  	[timem:s3], [sflag:s2] =	dma.local @!p0 [hbm:s0], s1  }
0x12c: {  	s0 =	simm.s32 @!p0 $0x3  }
0x12d: {  	_ =	swait.ge @!p0 [sflag:s0], s1  }
0x12e: {  	s1 =	ssub.s32 @!p0 $0x0, s1;
	[sflag:s0] =	ssyncset.done @!p0 $0x0  }
0x12f: {  	[sflag:s0] =	ssyncadd.s32 @!p0 s1  }
0x130: {  	[bflag:$0x3] =	sbarrier.arrive $0xFFFF  }
0x131: {  	_ =	shalt  }

</sc_bundles>
